<compile_context>
chip_gen: v7x
topology: tpu7x:2x2x1
jax: 0.10.2.dev20260603
libtpu: 0.0.44.dev20260713+nightly
codegen_flags: <defaults>
</compile_context>

<pallas_src>
import dataclasses
import functools

import jax
import jax.numpy as jnp
from jax import lax
from jax.experimental import pallas as pl
from jax.experimental.pallas import tpu as pltpu
from jax.experimental.pallas import tpu_sc as plsc

N = 50000
E = 800000
D_IN = 128
D_HID = 128
D_OUT = 64
HALF = D_OUT // 2
K = 10
ALPHA = 0.5

NUM_CORES = 2
NUM_SUBCORES = 16
L = 16

CHUNK = 128
CHUNKS_PER_TILE = 400
E_PAD = CHUNKS_PER_TILE * NUM_SUBCORES * CHUNK
N_PAD = 50048
ROWS_PER_TILE = N_PAD // NUM_SUBCORES

ROW_BLOCK = 1000


def _mlp_body(x_ref, w1_ref, b1_ref, g_ref, bb_ref, m_ref, v_ref, w2_ref,
              b2_ref, hh_ref, zh_ref):
    h = jnp.dot(x_ref[...], w1_ref[...], preferred_element_type=jnp.float32)
    h = h + b1_ref[...]
    inv = g_ref[...] * lax.rsqrt(v_ref[...] + 1e-5)
    h = (h - m_ref[...]) * inv + bb_ref[...]
    h = jnp.maximum(h, 0.0)
    o = jnp.dot(h, w2_ref[...], preferred_element_type=jnp.float32)
    o = o + b2_ref[...]
    hh_ref[0] = o[:, :HALF]
    hh_ref[1] = o[:, HALF:]
    zh_ref[0] = ALPHA * o[:, :HALF]
    zh_ref[1] = ALPHA * o[:, HALF:]


def _mlp(x, W1, b1, gamma, beta, mean, var, W2, b2):
    grid = (N // ROW_BLOCK,)
    full = lambda i: (0, 0)
    out_t = jax.ShapeDtypeStruct((NUM_CORES, N, HALF), jnp.float32)
    return pl.pallas_call(
        _mlp_body,
        grid=grid,
        in_specs=[
            pl.BlockSpec((ROW_BLOCK, D_IN), lambda i: (i, 0)),
            pl.BlockSpec((D_IN, D_HID), full),
            pl.BlockSpec((1, D_HID), full),
            pl.BlockSpec((1, D_HID), full),
            pl.BlockSpec((1, D_HID), full),
            pl.BlockSpec((1, D_HID), full),
            pl.BlockSpec((1, D_HID), full),
            pl.BlockSpec((D_HID, D_OUT), full),
            pl.BlockSpec((1, D_OUT), full),
        ],
        out_specs=[
            pl.BlockSpec((NUM_CORES, ROW_BLOCK, HALF), lambda i: (0, i, 0)),
            pl.BlockSpec((NUM_CORES, ROW_BLOCK, HALF), lambda i: (0, i, 0)),
        ],
        out_shape=[out_t, out_t],
    )(x, W1, b1.reshape(1, -1), gamma.reshape(1, -1), beta.reshape(1, -1),
      mean.reshape(1, -1), var.reshape(1, -1), W2, b2.reshape(1, -1))


def _logsoftmax_body(hf_ref, o_ref):
    h = jnp.concatenate([hf_ref[0], hf_ref[1]], axis=-1)
    m = jnp.max(h, axis=-1, keepdims=True)
    e = jnp.exp(h - m)
    lse = jnp.log(jnp.sum(e, axis=-1, keepdims=True)) + m
    o_ref[...] = h - lse


def _logsoftmax(hf):
    return pl.pallas_call(
        _logsoftmax_body,
        grid=(N // ROW_BLOCK,),
        in_specs=[pl.BlockSpec((NUM_CORES, ROW_BLOCK, HALF),
                               lambda i: (0, i, 0))],
        out_specs=pl.BlockSpec((ROW_BLOCK, D_OUT), lambda i: (i, 0)),
        out_shape=jax.ShapeDtypeStruct((N, D_OUT), jnp.float32),
    )(hf)


def _sc_compiler_params():
    cp = pltpu.CompilerParams()
    fields = pltpu.CompilerParams.__dataclass_fields__
    if "needs_layout_passes" in fields:
        cp = dataclasses.replace(cp, needs_layout_passes=False)
    if "use_tc_tiling_on_sc" in fields:
        cp = dataclasses.replace(cp, use_tc_tiling_on_sc=False)
    return cp


def _propagate(hh, zh, srcs, dsts, ws):
    mesh = plsc.VectorSubcoreMesh(core_axis_name="c", subcore_axis_name="s")

    @functools.partial(
        pl.kernel,
        out_type=jax.ShapeDtypeStruct((NUM_CORES, N_PAD, HALF), jnp.float32),
        mesh=mesh,
        compiler_params=_sc_compiler_params(),
        scratch_types=[
            pltpu.VMEM((CHUNK,), jnp.int32),
            pltpu.VMEM((CHUNK,), jnp.int32),
            pltpu.VMEM((CHUNK,), jnp.float32),
            pltpu.VMEM((CHUNK, HALF), jnp.float32),
            pltpu.VMEM_SHARED((N_PAD, HALF), jnp.float32),
            pltpu.SemaphoreType.DMA,
        ],
    )
    def prop(h0_hbm, z_hbm, src_hbm, dst_hbm, w_hbm, out_hbm,
             src_v, dst_v, w_v, rows_v, acc, sem):
        c = lax.axis_index("c")
        s = lax.axis_index("s")
        row0 = s * ROWS_PER_TILE
        chunk0 = s * CHUNKS_PER_TILE
        rows_slice = pl.ds(row0, ROWS_PER_TILE)

        for k in range(K):
            table = h0_hbm.at[c] if k == 0 else out_hbm.at[c]
            pltpu.sync_copy(z_hbm.at[c].at[rows_slice], acc.at[rows_slice])
            plsc.subcore_barrier()

            @pl.loop(0, CHUNKS_PER_TILE)
            def _(t):
                e0 = (chunk0 + t) * CHUNK
                pltpu.sync_copy(src_hbm.at[pl.ds(e0, CHUNK)], src_v)
                pltpu.sync_copy(dst_hbm.at[pl.ds(e0, CHUNK)], dst_v)
                pltpu.sync_copy(w_hbm.at[pl.ds(e0, CHUNK)], w_v)
                pltpu.async_copy(table.at[src_v], rows_v, sem).wait()

                @pl.loop(0, CHUNK)
                def _(j):
                    wb = plsc.load_gather(
                        w_v, [jnp.full((L,), j, jnp.int32)]) * (1.0 - ALPHA)
                    rows_v[j, pl.ds(0, L)] = rows_v[j, pl.ds(0, L)] * wb
                    rows_v[j, pl.ds(L, L)] = rows_v[j, pl.ds(L, L)] * wb

                pltpu.sync_copy(rows_v, acc.at[dst_v], add=True)

            plsc.subcore_barrier()
            pltpu.sync_copy(acc.at[rows_slice], out_hbm.at[c].at[rows_slice])
            plsc.subcore_barrier()

    return prop(hh, zh, srcs, dsts, ws)


def kernel(x, edge_index, edge_weight, W1, b1, gamma, beta, running_mean,
           running_var, W2, b2):
    dst = edge_index[0]
    src = edge_index[1]
    pad = E_PAD - E
    srcs = jnp.pad(src, (0, pad))
    dsts = jnp.pad(dst, (0, pad))
    ws = jnp.pad(edge_weight, (0, pad))

    hh, zh = _mlp(x, W1, b1, gamma, beta, running_mean, running_var, W2, b2)
    hh = jnp.pad(hh, ((0, 0), (0, N_PAD - N), (0, 0)))
    zh = jnp.pad(zh, ((0, 0), (0, N_PAD - N), (0, 0)))
    hf = _propagate(hh, zh, srcs, dsts, ws)
    return _logsoftmax(hf)

# --- scband reference (transcript-rebuilt; emitter-appended) ---
"""Pipeline reference for scband-appnp-5772436045966 (READ-ONLY COPY).

The authoritative reference and input builder live on the scoring server;
editing this copy changes nothing except your own understanding.
"""

import jax, jax.numpy as jnp
import numpy as np

N = 50000
E = 800000
D_IN = 128
D_HID = 128
D_OUT = 64
K = 10
ALPHA = 0.5


def setup_inputs(seed: int = 0) -> dict:
    key = jax.random.key(seed)
    ks = jax.random.split(key, 8)
    x = jax.random.normal(ks[0], (N, D_IN), dtype=jnp.float32)
    edge_index = jax.random.randint(ks[1], (2, E), 0, N, dtype=jnp.int32)
    edge_weight = jax.random.uniform(ks[2], (E,), dtype=jnp.float32) / 16.0
    W1 = jax.random.normal(ks[3], (D_IN, D_HID), dtype=jnp.float32) * (1.0 / np.sqrt(D_IN))
    b1 = jnp.zeros((D_HID,), dtype=jnp.float32)
    gamma = jnp.ones((D_HID,), dtype=jnp.float32)
    beta = jnp.zeros((D_HID,), dtype=jnp.float32)
    running_mean = jnp.zeros((D_HID,), dtype=jnp.float32)
    running_var = jnp.ones((D_HID,), dtype=jnp.float32)
    W2 = jax.random.normal(ks[4], (D_HID, D_OUT), dtype=jnp.float32) * (1.0 / np.sqrt(D_HID))
    b2 = jnp.zeros((D_OUT,), dtype=jnp.float32)
    return {
        "x": x,
        "edge_index": edge_index,
        "edge_weight": edge_weight,
        "W1": W1,
        "b1": b1,
        "gamma": gamma,
        "beta": beta,
        "running_mean": running_mean,
        "running_var": running_var,
        "W2": W2,
        "b2": b2,
    }


def reference(x, edge_index, edge_weight, W1, b1, gamma, beta, running_mean, running_var, W2, b2):
    # MLP trunk (eval mode: BN uses running stats, dropout is identity)
    h = x @ W1 + b1
    h = (h - running_mean) / jnp.sqrt(running_var + 1e-5) * gamma + beta
    h = jax.nn.relu(h)
    h = h @ W2 + b2
    # APPNP propagation: x = (1-alpha) * A_norm @ x + alpha * x0, K iterations
    ori = h
    dst = edge_index[0]  # row of sparse adj
    src = edge_index[1]  # col of sparse adj
    for _ in range(K):
        msg = edge_weight[:, None] * jnp.take(h, src, axis=0)
        agg = jax.ops.segment_sum(msg, dst, num_segments=N)
        h = (1.0 - ALPHA) * agg + ALPHA * ori
    return jax.nn.log_softmax(h, axis=-1)

if __name__ == "__main__":
    import jax
    _d = setup_inputs()
    print(jax.jit(kernel)(*tuple(_d.values())))

</pallas_src>

<mosaic_0001>
#map = affine_map<(d0, d1) -> (0, 0, 0)>
#map1 = affine_map<(d0, d1) -> (0)>
module attributes {stable_mosaic.version = 14 : i64} {
  func.func @prop(%arg0: i32, %arg1: i32, %arg2: memref<2x50048x32xf32, #tpu.memory_space<hbm>>, %arg3: memref<2x50048x32xf32, #tpu.memory_space<hbm>>, %arg4: memref<819200xi32, #tpu.memory_space<hbm>>, %arg5: memref<819200xi32, #tpu.memory_space<hbm>>, %arg6: memref<819200xf32, #tpu.memory_space<hbm>>, %arg7: memref<2x50048x32xf32, #tpu.memory_space<hbm>>, %arg8: memref<128xi32, #tpu.memory_space<vmem>>, %arg9: memref<128xi32, #tpu.memory_space<vmem>>, %arg10: memref<128xf32, #tpu.memory_space<vmem>>, %arg11: memref<128x32xf32, #tpu.memory_space<vmem>>, %arg12: memref<50048x32xf32, #tpu.memory_space<vmem_shared>>, %arg13: memref<!tpu.dma_semaphore, #tpu.memory_space<semaphore_mem>>) attributes {dimension_semantics = [#tpu.dimension_semantics<core_parallel>, #tpu.dimension_semantics<subcore_parallel>], iteration_bounds = array<i64: 2, 16>, scalar_prefetch = 0 : i64, scratch_operands = 6 : i64, tpu.core_type = #tpu.core_type<sc_vector_subcore>, window_params = [{transform_indices = #map}, {transform_indices = #map}, {transform_indices = #map1}, {transform_indices = #map1}, {transform_indices = #map1}, {transform_indices = #map}]} {
    %mul3A = arith.constant 3128 : i32
    %mul3A_0 = arith.muli %arg1, %mul3A : i32
    %mul3A_1 = arith.constant 400 : i32
    %mul3A_2 = arith.muli %arg1, %mul3A_1 : i32
    "tpu.region"() ({
      %run_scoped3A = tpu.sem_alloc : memref<!tpu.dma_semaphore, #tpu.memory_space<semaphore_mem>>
      %dma_start3A = arith.constant 0 : i32
      %dma_start3A_81 = tpu.memref_slice %arg12[%mul3A_0, %dma_start3A] : memref<50048x32xf32, #tpu.memory_space<vmem_shared>> -> memref<3128x32xf32, #tpu.memory_space<vmem_shared>>
      %dma_start3A_82 = arith.constant 0 : i32
      %dma_start3A_83 = arith.constant 0 : i32
      %dma_start3A_84 = tpu.memref_slice %arg3[%arg0, %dma_start3A_82, %dma_start3A_83] : memref<2x50048x32xf32, #tpu.memory_space<hbm>> -> memref<1x50048x32xf32, #tpu.memory_space<hbm>>
      %dma_start3A_85 = tpu.memref_squeeze %dma_start3A_84 : memref<1x50048x32xf32, #tpu.memory_space<hbm>> -> memref<50048x32xf32, #tpu.memory_space<hbm>>
      %dma_start3A_86 = arith.constant 0 : i32
      %dma_start3A_87 = tpu.memref_slice %dma_start3A_85[%mul3A_0, %dma_start3A_86] : memref<50048x32xf32, #tpu.memory_space<hbm>> -> memref<3128x32xf32, #tpu.memory_space<hbm>>
      tpu.enqueue_dma source(%dma_start3A_87 : memref<3128x32xf32, #tpu.memory_space<hbm>>) target(%dma_start3A_81 : memref<3128x32xf32, #tpu.memory_space<vmem_shared>>) target_semaphore(%run_scoped3A : memref<!tpu.dma_semaphore, #tpu.memory_space<semaphore_mem>>)
      %dma_wait3A = arith.constant 0 : i32
      %dma_wait3A_88 = tpu.memref_slice %arg12[%mul3A_0, %dma_wait3A] : memref<50048x32xf32, #tpu.memory_space<vmem_shared>> -> memref<3128x32xf32, #tpu.memory_space<vmem_shared>>
      %dma_wait3A_89 = arith.constant 0 : i32
      %dma_wait3A_90 = arith.constant 0 : i32
      %dma_wait3A_91 = tpu.memref_slice %arg3[%arg0, %dma_wait3A_89, %dma_wait3A_90] : memref<2x50048x32xf32, #tpu.memory_space<hbm>> -> memref<1x50048x32xf32, #tpu.memory_space<hbm>>
      %dma_wait3A_92 = tpu.memref_squeeze %dma_wait3A_91 : memref<1x50048x32xf32, #tpu.memory_space<hbm>> -> memref<50048x32xf32, #tpu.memory_space<hbm>>
      %dma_wait3A_93 = arith.constant 0 : i32
      %dma_wait3A_94 = tpu.memref_slice %dma_wait3A_92[%mul3A_0, %dma_wait3A_93] : memref<50048x32xf32, #tpu.memory_space<hbm>> -> memref<3128x32xf32, #tpu.memory_space<hbm>>
      tpu.wait_dma2 semaphore(%run_scoped3A : memref<!tpu.dma_semaphore, #tpu.memory_space<semaphore_mem>>) src(%dma_wait3A_94 : memref<3128x32xf32, #tpu.memory_space<hbm>>) dst(%dma_wait3A_88 : memref<3128x32xf32, #tpu.memory_space<vmem_shared>>)
      tpu.yield
    }) : () -> ()
    %barrier3A = arith.constant 0 : index
    tpu.barrier barrier_id(%barrier3A)
    %scan3A = arith.constant 0 : i32
    %scan3A_3 = arith.constant 400 : i32
    %scan3A_4 = arith.addi %scan3A, %scan3A_3 : i32
    %scan3A_5 = arith.constant 1 : i32
    scf.for %scan3A_81 = %scan3A to %scan3A_4 step %scan3A_5  : i32 {
      %mul3A_82 = arith.constant 1 : i32
      %mul3A_83 = arith.muli %scan3A_81, %mul3A_82 : i32
      %add3A = arith.constant 0 : i32
      %add3A_84 = arith.addi %add3A, %mul3A_83 : i32
      %add3A_85 = arith.addi %mul3A_2, %add3A_84 : i32
      %mul3A_86 = arith.constant 128 : i32
      %mul3A_87 = arith.muli %add3A_85, %mul3A_86 : i32
      "tpu.region"() ({
        %run_scoped3A = tpu.sem_alloc : memref<!tpu.dma_semaphore, #tpu.memory_space<semaphore_mem>>
        %dma_start3A_105 = tpu.memref_slice %arg4[%mul3A_87] : memref<819200xi32, #tpu.memory_space<hbm>> -> memref<128xi32, #tpu.memory_space<hbm>>
        %dma_start3A_106 = tpu.memref_slice %arg4[%mul3A_87] : memref<819200xi32, #tpu.memory_space<hbm>> -> memref<128xi32, #tpu.memory_space<hbm>>
        tpu.enqueue_dma source(%dma_start3A_106 : memref<128xi32, #tpu.memory_space<hbm>>) target(%arg8 : memref<128xi32, #tpu.memory_space<vmem>>) target_semaphore(%run_scoped3A : memref<!tpu.dma_semaphore, #tpu.memory_space<semaphore_mem>>)
        %dma_wait3A_107 = tpu.memref_slice %arg4[%mul3A_87] : memref<819200xi32, #tpu.memory_space<hbm>> -> memref<128xi32, #tpu.memory_space<hbm>>
        %dma_wait3A_108 = tpu.memref_slice %arg4[%mul3A_87] : memref<819200xi32, #tpu.memory_space<hbm>> -> memref<128xi32, #tpu.memory_space<hbm>>
        tpu.wait_dma2 semaphore(%run_scoped3A : memref<!tpu.dma_semaphore, #tpu.memory_space<semaphore_mem>>) src(%dma_wait3A_108 : memref<128xi32, #tpu.memory_space<hbm>>) dst(%arg8 : memref<128xi32, #tpu.memory_space<vmem>>)
        tpu.yield
      }) : () -> ()
      "tpu.region"() ({
        %run_scoped3A = tpu.sem_alloc : memref<!tpu.dma_semaphore, #tpu.memory_space<semaphore_mem>>
        %dma_start3A_105 = tpu.memref_slice %arg5[%mul3A_87] : memref<819200xi32, #tpu.memory_space<hbm>> -> memref<128xi32, #tpu.memory_space<hbm>>
        %dma_start3A_106 = tpu.memref_slice %arg5[%mul3A_87] : memref<819200xi32, #tpu.memory_space<hbm>> -> memref<128xi32, #tpu.memory_space<hbm>>
        tpu.enqueue_dma source(%dma_start3A_106 : memref<128xi32, #tpu.memory_space<hbm>>) target(%arg9 : memref<128xi32, #tpu.memory_space<vmem>>) target_semaphore(%run_scoped3A : memref<!tpu.dma_semaphore, #tpu.memory_space<semaphore_mem>>)
        %dma_wait3A_107 = tpu.memref_slice %arg5[%mul3A_87] : memref<819200xi32, #tpu.memory_space<hbm>> -> memref<128xi32, #tpu.memory_space<hbm>>
        %dma_wait3A_108 = tpu.memref_slice %arg5[%mul3A_87] : memref<819200xi32, #tpu.memory_space<hbm>> -> memref<128xi32, #tpu.memory_space<hbm>>
        tpu.wait_dma2 semaphore(%run_scoped3A : memref<!tpu.dma_semaphore, #tpu.memory_space<semaphore_mem>>) src(%dma_wait3A_108 : memref<128xi32, #tpu.memory_space<hbm>>) dst(%arg9 : memref<128xi32, #tpu.memory_space<vmem>>)
        tpu.yield
      }) : () -> ()
      "tpu.region"() ({
        %run_scoped3A = tpu.sem_alloc : memref<!tpu.dma_semaphore, #tpu.memory_space<semaphore_mem>>
        %dma_start3A_105 = tpu.memref_slice %arg6[%mul3A_87] : memref<819200xf32, #tpu.memory_space<hbm>> -> memref<128xf32, #tpu.memory_space<hbm>>
        %dma_start3A_106 = tpu.memref_slice %arg6[%mul3A_87] : memref<819200xf32, #tpu.memory_space<hbm>> -> memref<128xf32, #tpu.memory_space<hbm>>
        tpu.enqueue_dma source(%dma_start3A_106 : memref<128xf32, #tpu.memory_space<hbm>>) target(%arg10 : memref<128xf32, #tpu.memory_space<vmem>>) target_semaphore(%run_scoped3A : memref<!tpu.dma_semaphore, #tpu.memory_space<semaphore_mem>>)
        %dma_wait3A_107 = tpu.memref_slice %arg6[%mul3A_87] : memref<819200xf32, #tpu.memory_space<hbm>> -> memref<128xf32, #tpu.memory_space<hbm>>
        %dma_wait3A_108 = tpu.memref_slice %arg6[%mul3A_87] : memref<819200xf32, #tpu.memory_space<hbm>> -> memref<128xf32, #tpu.memory_space<hbm>>
        tpu.wait_dma2 semaphore(%run_scoped3A : memref<!tpu.dma_semaphore, #tpu.memory_space<semaphore_mem>>) src(%dma_wait3A_108 : memref<128xf32, #tpu.memory_space<hbm>>) dst(%arg10 : memref<128xf32, #tpu.memory_space<vmem>>)
        tpu.yield
      }) : () -> ()
      %dma_start3A = arith.constant 0 : i32
      %dma_start3A_88 = arith.constant 0 : i32
      %dma_start3A_89 = tpu.memref_slice %arg2[%arg0, %dma_start3A, %dma_start3A_88] : memref<2x50048x32xf32, #tpu.memory_space<hbm>> -> memref<1x50048x32xf32, #tpu.memory_space<hbm>>
      %dma_start3A_90 = tpu.memref_squeeze %dma_start3A_89 : memref<1x50048x32xf32, #tpu.memory_space<hbm>> -> memref<50048x32xf32, #tpu.memory_space<hbm>>
      %dma_start3A_91 = arith.constant 0 : i32
      %dma_start3A_92 = arith.constant 0 : i32
      %dma_start3A_93 = tpu.memref_slice %dma_start3A_90[%dma_start3A_91, %dma_start3A_92] : memref<50048x32xf32, #tpu.memory_space<hbm>> -> memref<50048x32xf32, #tpu.memory_space<hbm>>
      tpu.enqueue_indirect_dma source(%dma_start3A_93 : memref<50048x32xf32, #tpu.memory_space<hbm>>) target(%arg11 : memref<128x32xf32, #tpu.memory_space<vmem>>) offsets(%arg8 : memref<128xi32, #tpu.memory_space<vmem>>) semaphore(%arg13 : memref<!tpu.dma_semaphore, #tpu.memory_space<semaphore_mem>>)
      %dma_wait3A = arith.constant 0 : i32
      %dma_wait3A_94 = arith.constant 0 : i32
      %dma_wait3A_95 = tpu.memref_slice %arg2[%arg0, %dma_wait3A, %dma_wait3A_94] : memref<2x50048x32xf32, #tpu.memory_space<hbm>> -> memref<1x50048x32xf32, #tpu.memory_space<hbm>>
      %dma_wait3A_96 = tpu.memref_squeeze %dma_wait3A_95 : memref<1x50048x32xf32, #tpu.memory_space<hbm>> -> memref<50048x32xf32, #tpu.memory_space<hbm>>
      %dma_wait3A_97 = arith.constant 0 : i32
      %dma_wait3A_98 = arith.constant 0 : i32
      %dma_wait3A_99 = tpu.memref_slice %dma_wait3A_96[%dma_wait3A_97, %dma_wait3A_98] : memref<50048x32xf32, #tpu.memory_space<hbm>> -> memref<50048x32xf32, #tpu.memory_space<hbm>>
      tpu.wait_indirect_dma semaphore(%arg13 : memref<!tpu.dma_semaphore, #tpu.memory_space<semaphore_mem>>) src(%dma_wait3A_99 : memref<50048x32xf32, #tpu.memory_space<hbm>>) dst(%arg11 : memref<128x32xf32, #tpu.memory_space<vmem>>)
      %scan3A_100 = arith.constant 0 : i32
      %scan3A_101 = arith.constant 128 : i32
      %scan3A_102 = arith.addi %scan3A_100, %scan3A_101 : i32
      %scan3A_103 = arith.constant 1 : i32
      scf.for %scan3A_105 = %scan3A_100 to %scan3A_102 step %scan3A_103  : i32 {
        %mul3A_106 = arith.constant 1 : i32
        %mul3A_107 = arith.muli %scan3A_105, %mul3A_106 : i32
        %add3A_108 = arith.constant 0 : i32
        %add3A_109 = arith.addi %add3A_108, %mul3A_107 : i32
        %broadcast_in_dim3A = vector.broadcast %add3A_109 : i32 to vector<16xi32>
        %gather3A = tpu.vector_load_idx %arg10[%broadcast_in_dim3A] : memref<128xf32, #tpu.memory_space<vmem>>[vector<16xi32>], vector<16xf32>,
        %mul3A_110 = arith.constant 5.000000e-01 : f32
        %mul3A_111 = vector.broadcast %mul3A_110 : f32 to vector<16xf32>
        %mul3A_112 = arith.mulf %gather3A, %mul3A_111 : vector<16xf32>
        %get3A = arith.index_cast %add3A_109 : i32 to index
        %get3A_113 = arith.constant 0 : index
        %get3A_114 = tpu.vector_load %arg11[%get3A, %get3A_113] {strides = array<i32>} : memref<128x32xf32, #tpu.memory_space<vmem>>, vector<16xf32>,
        %mul3A_115 = arith.mulf %get3A_114, %mul3A_112 : vector<16xf32>
        %swap3A = arith.index_cast %add3A_109 : i32 to index
        %swap3A_116 = arith.constant 0 : index
        %swap3A_117 = tpu.vector_load %arg11[%swap3A, %swap3A_116] {strides = array<i32>} : memref<128x32xf32, #tpu.memory_space<vmem>>, vector<16xf32>,
        tpu.vector_store %arg11[%swap3A, %swap3A_116], %mul3A_115 {strides = array<i32>} : memref<128x32xf32, #tpu.memory_space<vmem>>, vector<16xf32>,
        %get3A_118 = arith.index_cast %add3A_109 : i32 to index
        %get3A_119 = arith.constant 16 : index
        %get3A_120 = tpu.vector_load %arg11[%get3A_118, %get3A_119] {strides = array<i32>} : memref<128x32xf32, #tpu.memory_space<vmem>>, vector<16xf32>,
        %mul3A_121 = arith.mulf %get3A_120, %mul3A_112 : vector<16xf32>
        %swap3A_122 = arith.index_cast %add3A_109 : i32 to index
        %swap3A_123 = arith.constant 16 : index
        %swap3A_124 = tpu.vector_load %arg11[%swap3A_122, %swap3A_123] {strides = array<i32>} : memref<128x32xf32, #tpu.memory_space<vmem>>, vector<16xf32>,
        tpu.vector_store %arg11[%swap3A_122, %swap3A_123], %mul3A_121 {strides = array<i32>} : memref<128x32xf32, #tpu.memory_space<vmem>>, vector<16xf32>,
      }
      %scan3A_104 = arith.constant 128 : i32
      "tpu.region"() ({
        %run_scoped3A = tpu.sem_alloc : memref<!tpu.dma_semaphore, #tpu.memory_space<semaphore_mem>>
        %dma_start3A_105 = arith.constant 0 : i32
        %dma_start3A_106 = arith.constant 0 : i32
        %dma_start3A_107 = tpu.memref_slice %arg12[%dma_start3A_105, %dma_start3A_106] : memref<50048x32xf32, #tpu.memory_space<vmem_shared>> -> memref<50048x32xf32, #tpu.memory_space<vmem_shared>>
        tpu.enqueue_indirect_dma source(%arg11 : memref<128x32xf32, #tpu.memory_space<vmem>>) target(%dma_start3A_107 : memref<50048x32xf32, #tpu.memory_space<vmem_shared>>) offsets(%arg9 : memref<128xi32, #tpu.memory_space<vmem>>) semaphore(%run_scoped3A : memref<!tpu.dma_semaphore, #tpu.memory_space<semaphore_mem>>) {add = true}
        %dma_wait3A_108 = arith.constant 0 : i32
        %dma_wait3A_109 = arith.constant 0 : i32
        %dma_wait3A_110 = tpu.memref_slice %arg12[%dma_wait3A_108, %dma_wait3A_109] : memref<50048x32xf32, #tpu.memory_space<vmem_shared>> -> memref<50048x32xf32, #tpu.memory_space<vmem_shared>>
        tpu.wait_indirect_dma semaphore(%run_scoped3A : memref<!tpu.dma_semaphore, #tpu.memory_space<semaphore_mem>>) src(%arg11 : memref<128x32xf32, #tpu.memory_space<vmem>>) dst(%dma_wait3A_110 : memref<50048x32xf32, #tpu.memory_space<vmem_shared>>)
        tpu.yield
      }) : () -> ()
    }
    %scan3A_6 = arith.constant 400 : i32
    %barrier3A_7 = arith.constant 0 : index
    tpu.barrier barrier_id(%barrier3A_7)
    "tpu.region"() ({
      %run_scoped3A = tpu.sem_alloc : memref<!tpu.dma_semaphore, #tpu.memory_space<semaphore_mem>>
      %dma_start3A = arith.constant 0 : i32
      %dma_start3A_81 = arith.constant 0 : i32
      %dma_start3A_82 = tpu.memref_slice %arg7[%arg0, %dma_start3A, %dma_start3A_81] : memref<2x50048x32xf32, #tpu.memory_space<hbm>> -> memref<1x50048x32xf32, #tpu.memory_space<hbm>>
      %dma_start3A_83 = tpu.memref_squeeze %dma_start3A_82 : memref<1x50048x32xf32, #tpu.memory_space<hbm>> -> memref<50048x32xf32, #tpu.memory_space<hbm>>
      %dma_start3A_84 = arith.constant 0 : i32
      %dma_start3A_85 = tpu.memref_slice %dma_start3A_83[%mul3A_0, %dma_start3A_84] : memref<50048x32xf32, #tpu.memory_space<hbm>> -> memref<3128x32xf32, #tpu.memory_space<hbm>>
      %dma_start3A_86 = arith.constant 0 : i32
      %dma_start3A_87 = tpu.memref_slice %arg12[%mul3A_0, %dma_start3A_86] : memref<50048x32xf32, #tpu.memory_space<vmem_shared>> -> memref<3128x32xf32, #tpu.memory_space<vmem_shared>>
      tpu.enqueue_dma source(%dma_start3A_87 : memref<3128x32xf32, #tpu.memory_space<vmem_shared>>) target(%dma_start3A_85 : memref<3128x32xf32, #tpu.memory_space<hbm>>) target_semaphore(%run_scoped3A : memref<!tpu.dma_semaphore, #tpu.memory_space<semaphore_mem>>)
      %dma_wait3A = arith.constant 0 : i32
      %dma_wait3A_88 = arith.constant 0 : i32
      %dma_wait3A_89 = tpu.memref_slice %arg7[%arg0, %dma_wait3A, %dma_wait3A_88] : memref<2x50048x32xf32, #tpu.memory_space<hbm>> -> memref<1x50048x32xf32, #tpu.memory_space<hbm>>
      %dma_wait3A_90 = tpu.memref_squeeze %dma_wait3A_89 : memref<1x50048x32xf32, #tpu.memory_space<hbm>> -> memref<50048x32xf32, #tpu.memory_space<hbm>>
      %dma_wait3A_91 = arith.constant 0 : i32
      %dma_wait3A_92 = tpu.memref_slice %dma_wait3A_90[%mul3A_0, %dma_wait3A_91] : memref<50048x32xf32, #tpu.memory_space<hbm>> -> memref<3128x32xf32, #tpu.memory_space<hbm>>
      %dma_wait3A_93 = arith.constant 0 : i32
      %dma_wait3A_94 = tpu.memref_slice %arg12[%mul3A_0, %dma_wait3A_93] : memref<50048x32xf32, #tpu.memory_space<vmem_shared>> -> memref<3128x32xf32, #tpu.memory_space<vmem_shared>>
      tpu.wait_dma2 semaphore(%run_scoped3A : memref<!tpu.dma_semaphore, #tpu.memory_space<semaphore_mem>>) src(%dma_wait3A_94 : memref<3128x32xf32, #tpu.memory_space<vmem_shared>>) dst(%dma_wait3A_92 : memref<3128x32xf32, #tpu.memory_space<hbm>>)
      tpu.yield
    }) : () -> ()
    %barrier3A_8 = arith.constant 0 : index
    tpu.barrier barrier_id(%barrier3A_8)
    "tpu.region"() ({
      %run_scoped3A = tpu.sem_alloc : memref<!tpu.dma_semaphore, #tpu.memory_space<semaphore_mem>>
      %dma_start3A = arith.constant 0 : i32
      %dma_start3A_81 = tpu.memref_slice %arg12[%mul3A_0, %dma_start3A] : memref<50048x32xf32, #tpu.memory_space<vmem_shared>> -> memref<3128x32xf32, #tpu.memory_space<vmem_shared>>
      %dma_start3A_82 = arith.constant 0 : i32
      %dma_start3A_83 = arith.constant 0 : i32
      %dma_start3A_84 = tpu.memref_slice %arg3[%arg0, %dma_start3A_82, %dma_start3A_83] : memref<2x50048x32xf32, #tpu.memory_space<hbm>> -> memref<1x50048x32xf32, #tpu.memory_space<hbm>>
      %dma_start3A_85 = tpu.memref_squeeze %dma_start3A_84 : memref<1x50048x32xf32, #tpu.memory_space<hbm>> -> memref<50048x32xf32, #tpu.memory_space<hbm>>
      %dma_start3A_86 = arith.constant 0 : i32
      %dma_start3A_87 = tpu.memref_slice %dma_start3A_85[%mul3A_0, %dma_start3A_86] : memref<50048x32xf32, #tpu.memory_space<hbm>> -> memref<3128x32xf32, #tpu.memory_space<hbm>>
      tpu.enqueue_dma source(%dma_start3A_87 : memref<3128x32xf32, #tpu.memory_space<hbm>>) target(%dma_start3A_81 : memref<3128x32xf32, #tpu.memory_space<vmem_shared>>) target_semaphore(%run_scoped3A : memref<!tpu.dma_semaphore, #tpu.memory_space<semaphore_mem>>)
      %dma_wait3A = arith.constant 0 : i32
      %dma_wait3A_88 = tpu.memref_slice %arg12[%mul3A_0, %dma_wait3A] : memref<50048x32xf32, #tpu.memory_space<vmem_shared>> -> memref<3128x32xf32, #tpu.memory_space<vmem_shared>>
      %dma_wait3A_89 = arith.constant 0 : i32
      %dma_wait3A_90 = arith.constant 0 : i32
      %dma_wait3A_91 = tpu.memref_slice %arg3[%arg0, %dma_wait3A_89, %dma_wait3A_90] : memref<2x50048x32xf32, #tpu.memory_space<hbm>> -> memref<1x50048x32xf32, #tpu.memory_space<hbm>>
      %dma_wait3A_92 = tpu.memref_squeeze %dma_wait3A_91 : memref<1x50048x32xf32, #tpu.memory_space<hbm>> -> memref<50048x32xf32, #tpu.memory_space<hbm>>
      %dma_wait3A_93 = arith.constant 0 : i32
      %dma_wait3A_94 = tpu.memref_slice %dma_wait3A_92[%mul3A_0, %dma_wait3A_93] : memref<50048x32xf32, #tpu.memory_space<hbm>> -> memref<3128x32xf32, #tpu.memory_space<hbm>>
      tpu.wait_dma2 semaphore(%run_scoped3A : memref<!tpu.dma_semaphore, #tpu.memory_space<semaphore_mem>>) src(%dma_wait3A_94 : memref<3128x32xf32, #tpu.memory_space<hbm>>) dst(%dma_wait3A_88 : memref<3128x32xf32, #tpu.memory_space<vmem_shared>>)
      tpu.yield
    }) : () -> ()
    %barrier3A_9 = arith.constant 0 : index
    tpu.barrier barrier_id(%barrier3A_9)
    %scan3A_10 = arith.constant 0 : i32
    %scan3A_11 = arith.constant 400 : i32
    %scan3A_12 = arith.addi %scan3A_10, %scan3A_11 : i32
    %scan3A_13 = arith.constant 1 : i32
    scf.for %scan3A_81 = %scan3A_10 to %scan3A_12 step %scan3A_13  : i32 {
      %mul3A_82 = arith.constant 1 : i32
      %mul3A_83 = arith.muli %scan3A_81, %mul3A_82 : i32
      %add3A = arith.constant 0 : i32
      %add3A_84 = arith.addi %add3A, %mul3A_83 : i32
      %add3A_85 = arith.addi %mul3A_2, %add3A_84 : i32
      %mul3A_86 = arith.constant 128 : i32
      %mul3A_87 = arith.muli %add3A_85, %mul3A_86 : i32
      "tpu.region"() ({
        %run_scoped3A = tpu.sem_alloc : memref<!tpu.dma_semaphore, #tpu.memory_space<semaphore_mem>>
        %dma_start3A_105 = tpu.memref_slice %arg4[%mul3A_87] : memref<819200xi32, #tpu.memory_space<hbm>> -> memref<128xi32, #tpu.memory_space<hbm>>
        %dma_start3A_106 = tpu.memref_slice %arg4[%mul3A_87] : memref<819200xi32, #tpu.memory_space<hbm>> -> memref<128xi32, #tpu.memory_space<hbm>>
        tpu.enqueue_dma source(%dma_start3A_106 : memref<128xi32, #tpu.memory_space<hbm>>) target(%arg8 : memref<128xi32, #tpu.memory_space<vmem>>) target_semaphore(%run_scoped3A : memref<!tpu.dma_semaphore, #tpu.memory_space<semaphore_mem>>)
        %dma_wait3A_107 = tpu.memref_slice %arg4[%mul3A_87] : memref<819200xi32, #tpu.memory_space<hbm>> -> memref<128xi32, #tpu.memory_space<hbm>>
        %dma_wait3A_108 = tpu.memref_slice %arg4[%mul3A_87] : memref<819200xi32, #tpu.memory_space<hbm>> -> memref<128xi32, #tpu.memory_space<hbm>>
        tpu.wait_dma2 semaphore(%run_scoped3A : memref<!tpu.dma_semaphore, #tpu.memory_space<semaphore_mem>>) src(%dma_wait3A_108 : memref<128xi32, #tpu.memory_space<hbm>>) dst(%arg8 : memref<128xi32, #tpu.memory_space<vmem>>)
        tpu.yield
      }) : () -> ()
      "tpu.region"() ({
        %run_scoped3A = tpu.sem_alloc : memref<!tpu.dma_semaphore, #tpu.memory_space<semaphore_mem>>
        %dma_start3A_105 = tpu.memref_slice %arg5[%mul3A_87] : memref<819200xi32, #tpu.memory_space<hbm>> -> memref<128xi32, #tpu.memory_space<hbm>>
        %dma_start3A_106 = tpu.memref_slice %arg5[%mul3A_87] : memref<819200xi32, #tpu.memory_space<hbm>> -> memref<128xi32, #tpu.memory_space<hbm>>
        tpu.enqueue_dma source(%dma_start3A_106 : memref<128xi32, #tpu.memory_space<hbm>>) target(%arg9 : memref<128xi32, #tpu.memory_space<vmem>>) target_semaphore(%run_scoped3A : memref<!tpu.dma_semaphore, #tpu.memory_space<semaphore_mem>>)
        %dma_wait3A_107 = tpu.memref_slice %arg5[%mul3A_87] : memref<819200xi32, #tpu.memory_space<hbm>> -> memref<128xi32, #tpu.memory_space<hbm>>
        %dma_wait3A_108 = tpu.memref_slice %arg5[%mul3A_87] : memref<819200xi32, #tpu.memory_space<hbm>> -> memref<128xi32, #tpu.memory_space<hbm>>
        tpu.wait_dma2 semaphore(%run_scoped3A : memref<!tpu.dma_semaphore, #tpu.memory_space<semaphore_mem>>) src(%dma_wait3A_108 : memref<128xi32, #tpu.memory_space<hbm>>) dst(%arg9 : memref<128xi32, #tpu.memory_space<vmem>>)
        tpu.yield
      }) : () -> ()
      "tpu.region"() ({
        %run_scoped3A = tpu.sem_alloc : memref<!tpu.dma_semaphore, #tpu.memory_space<semaphore_mem>>
        %dma_start3A_105 = tpu.memref_slice %arg6[%mul3A_87] : memref<819200xf32, #tpu.memory_space<hbm>> -> memref<128xf32, #tpu.memory_space<hbm>>
        %dma_start3A_106 = tpu.memref_slice %arg6[%mul3A_87] : memref<819200xf32, #tpu.memory_space<hbm>> -> memref<128xf32, #tpu.memory_space<hbm>>
        tpu.enqueue_dma source(%dma_start3A_106 : memref<128xf32, #tpu.memory_space<hbm>>) target(%arg10 : memref<128xf32, #tpu.memory_space<vmem>>) target_semaphore(%run_scoped3A : memref<!tpu.dma_semaphore, #tpu.memory_space<semaphore_mem>>)
        %dma_wait3A_107 = tpu.memref_slice %arg6[%mul3A_87] : memref<819200xf32, #tpu.memory_space<hbm>> -> memref<128xf32, #tpu.memory_space<hbm>>
        %dma_wait3A_108 = tpu.memref_slice %arg6[%mul3A_87] : memref<819200xf32, #tpu.memory_space<hbm>> -> memref<128xf32, #tpu.memory_space<hbm>>
        tpu.wait_dma2 semaphore(%run_scoped3A : memref<!tpu.dma_semaphore, #tpu.memory_space<semaphore_mem>>) src(%dma_wait3A_108 : memref<128xf32, #tpu.memory_space<hbm>>) dst(%arg10 : memref<128xf32, #tpu.memory_space<vmem>>)
        tpu.yield
      }) : () -> ()
      %dma_start3A = arith.constant 0 : i32
      %dma_start3A_88 = arith.constant 0 : i32
      %dma_start3A_89 = tpu.memref_slice %arg7[%arg0, %dma_start3A, %dma_start3A_88] : memref<2x50048x32xf32, #tpu.memory_space<hbm>> -> memref<1x50048x32xf32, #tpu.memory_space<hbm>>
      %dma_start3A_90 = tpu.memref_squeeze %dma_start3A_89 : memref<1x50048x32xf32, #tpu.memory_space<hbm>> -> memref<50048x32xf32, #tpu.memory_space<hbm>>
      %dma_start3A_91 = arith.constant 0 : i32
      %dma_start3A_92 = arith.constant 0 : i32
      %dma_start3A_93 = tpu.memref_slice %dma_start3A_90[%dma_start3A_91, %dma_start3A_92] : memref<50048x32xf32, #tpu.memory_space<hbm>> -> memref<50048x32xf32, #tpu.memory_space<hbm>>
      tpu.enqueue_indirect_dma source(%dma_start3A_93 : memref<50048x32xf32, #tpu.memory_space<hbm>>) target(%arg11 : memref<128x32xf32, #tpu.memory_space<vmem>>) offsets(%arg8 : memref<128xi32, #tpu.memory_space<vmem>>) semaphore(%arg13 : memref<!tpu.dma_semaphore, #tpu.memory_space<semaphore_mem>>)
      %dma_wait3A = arith.constant 0 : i32
      %dma_wait3A_94 = arith.constant 0 : i32
      %dma_wait3A_95 = tpu.memref_slice %arg7[%arg0, %dma_wait3A, %dma_wait3A_94] : memref<2x50048x32xf32, #tpu.memory_space<hbm>> -> memref<1x50048x32xf32, #tpu.memory_space<hbm>>
      %dma_wait3A_96 = tpu.memref_squeeze %dma_wait3A_95 : memref<1x50048x32xf32, #tpu.memory_space<hbm>> -> memref<50048x32xf32, #tpu.memory_space<hbm>>
      %dma_wait3A_97 = arith.constant 0 : i32
      %dma_wait3A_98 = arith.constant 0 : i32
      %dma_wait3A_99 = tpu.memref_slice %dma_wait3A_96[%dma_wait3A_97, %dma_wait3A_98] : memref<50048x32xf32, #tpu.memory_space<hbm>> -> memref<50048x32xf32, #tpu.memory_space<hbm>>
      tpu.wait_indirect_dma semaphore(%arg13 : memref<!tpu.dma_semaphore, #tpu.memory_space<semaphore_mem>>) src(%dma_wait3A_99 : memref<50048x32xf32, #tpu.memory_space<hbm>>) dst(%arg11 : memref<128x32xf32, #tpu.memory_space<vmem>>)
      %scan3A_100 = arith.constant 0 : i32
      %scan3A_101 = arith.constant 128 : i32
      %scan3A_102 = arith.addi %scan3A_100, %scan3A_101 : i32
      %scan3A_103 = arith.constant 1 : i32
      scf.for %scan3A_105 = %scan3A_100 to %scan3A_102 step %scan3A_103  : i32 {
        %mul3A_106 = arith.constant 1 : i32
        %mul3A_107 = arith.muli %scan3A_105, %mul3A_106 : i32
        %add3A_108 = arith.constant 0 : i32
        %add3A_109 = arith.addi %add3A_108, %mul3A_107 : i32
        %broadcast_in_dim3A = vector.broadcast %add3A_109 : i32 to vector<16xi32>
        %gather3A = tpu.vector_load_idx %arg10[%broadcast_in_dim3A] : memref<128xf32, #tpu.memory_space<vmem>>[vector<16xi32>], vector<16xf32>,
        %mul3A_110 = arith.constant 5.000000e-01 : f32
        %mul3A_111 = vector.broadcast %mul3A_110 : f32 to vector<16xf32>
        %mul3A_112 = arith.mulf %gather3A, %mul3A_111 : vector<16xf32>
        %get3A = arith.index_cast %add3A_109 : i32 to index
        %get3A_113 = arith.constant 0 : index
        %get3A_114 = tpu.vector_load %arg11[%get3A, %get3A_113] {strides = array<i32>} : memref<128x32xf32, #tpu.memory_space<vmem>>, vector<16xf32>,
        %mul3A_115 = arith.mulf %get3A_114, %mul3A_112 : vector<16xf32>
        %swap3A = arith.index_cast %add3A_109 : i32 to index
        %swap3A_116 = arith.constant 0 : index
        %swap3A_117 = tpu.vector_load %arg11[%swap3A, %swap3A_116] {strides = array<i32>} : memref<128x32xf32, #tpu.memory_space<vmem>>, vector<16xf32>,
        tpu.vector_store %arg11[%swap3A, %swap3A_116], %mul3A_115 {strides = array<i32>} : memref<128x32xf32, #tpu.memory_space<vmem>>, vector<16xf32>,
        %get3A_118 = arith.index_cast %add3A_109 : i32 to index
        %get3A_119 = arith.constant 16 : index
        %get3A_120 = tpu.vector_load %arg11[%get3A_118, %get3A_119] {strides = array<i32>} : memref<128x32xf32, #tpu.memory_space<vmem>>, vector<16xf32>,
        %mul3A_121 = arith.mulf %get3A_120, %mul3A_112 : vector<16xf32>
        %swap3A_122 = arith.index_cast %add3A_109 : i32 to index
        %swap3A_123 = arith.constant 16 : index
        %swap3A_124 = tpu.vector_load %arg11[%swap3A_122, %swap3A_123] {strides = array<i32>} : memref<128x32xf32, #tpu.memory_space<vmem>>, vector<16xf32>,
        tpu.vector_store %arg11[%swap3A_122, %swap3A_123], %mul3A_121 {strides = array<i32>} : memref<128x32xf32, #tpu.memory_space<vmem>>, vector<16xf32>,
      }
      %scan3A_104 = arith.constant 128 : i32
      "tpu.region"() ({
        %run_scoped3A = tpu.sem_alloc : memref<!tpu.dma_semaphore, #tpu.memory_space<semaphore_mem>>
        %dma_start3A_105 = arith.constant 0 : i32
        %dma_start3A_106 = arith.constant 0 : i32
        %dma_start3A_107 = tpu.memref_slice %arg12[%dma_start3A_105, %dma_start3A_106] : memref<50048x32xf32, #tpu.memory_space<vmem_shared>> -> memref<50048x32xf32, #tpu.memory_space<vmem_shared>>
        tpu.enqueue_indirect_dma source(%arg11 : memref<128x32xf32, #tpu.memory_space<vmem>>) target(%dma_start3A_107 : memref<50048x32xf32, #tpu.memory_space<vmem_shared>>) offsets(%arg9 : memref<128xi32, #tpu.memory_space<vmem>>) semaphore(%run_scoped3A : memref<!tpu.dma_semaphore, #tpu.memory_space<semaphore_mem>>) {add = true}
        %dma_wait3A_108 = arith.constant 0 : i32
        %dma_wait3A_109 = arith.constant 0 : i32
        %dma_wait3A_110 = tpu.memref_slice %arg12[%dma_wait3A_108, %dma_wait3A_109] : memref<50048x32xf32, #tpu.memory_space<vmem_shared>> -> memref<50048x32xf32, #tpu.memory_space<vmem_shared>>
        tpu.wait_indirect_dma semaphore(%run_scoped3A : memref<!tpu.dma_semaphore, #tpu.memory_space<semaphore_mem>>) src(%arg11 : memref<128x32xf32, #tpu.memory_space<vmem>>) dst(%dma_wait3A_110 : memref<50048x32xf32, #tpu.memory_space<vmem_shared>>)
        tpu.yield
      }) : () -> ()
    }
    %scan3A_14 = arith.constant 400 : i32
    %barrier3A_15 = arith.constant 0 : index
    tpu.barrier barrier_id(%barrier3A_15)
    "tpu.region"() ({
      %run_scoped3A = tpu.sem_alloc : memref<!tpu.dma_semaphore, #tpu.memory_space<semaphore_mem>>
      %dma_start3A = arith.constant 0 : i32
      %dma_start3A_81 = arith.constant 0 : i32
      %dma_start3A_82 = tpu.memref_slice %arg7[%arg0, %dma_start3A, %dma_start3A_81] : memref<2x50048x32xf32, #tpu.memory_space<hbm>> -> memref<1x50048x32xf32, #tpu.memory_space<hbm>>
      %dma_start3A_83 = tpu.memref_squeeze %dma_start3A_82 : memref<1x50048x32xf32, #tpu.memory_space<hbm>> -> memref<50048x32xf32, #tpu.memory_space<hbm>>
      %dma_start3A_84 = arith.constant 0 : i32
      %dma_start3A_85 = tpu.memref_slice %dma_start3A_83[%mul3A_0, %dma_start3A_84] : memref<50048x32xf32, #tpu.memory_space<hbm>> -> memref<3128x32xf32, #tpu.memory_space<hbm>>
      %dma_start3A_86 = arith.constant 0 : i32
      %dma_start3A_87 = tpu.memref_slice %arg12[%mul3A_0, %dma_start3A_86] : memref<50048x32xf32, #tpu.memory_space<vmem_shared>> -> memref<3128x32xf32, #tpu.memory_space<vmem_shared>>
      tpu.enqueue_dma source(%dma_start3A_87 : memref<3128x32xf32, #tpu.memory_space<vmem_shared>>) target(%dma_start3A_85 : memref<3128x32xf32, #tpu.memory_space<hbm>>) target_semaphore(%run_scoped3A : memref<!tpu.dma_semaphore, #tpu.memory_space<semaphore_mem>>)
      %dma_wait3A = arith.constant 0 : i32
      %dma_wait3A_88 = arith.constant 0 : i32
      %dma_wait3A_89 = tpu.memref_slice %arg7[%arg0, %dma_wait3A, %dma_wait3A_88] : memref<2x50048x32xf32, #tpu.memory_space<hbm>> -> memref<1x50048x32xf32, #tpu.memory_space<hbm>>
      %dma_wait3A_90 = tpu.memref_squeeze %dma_wait3A_89 : memref<1x50048x32xf32, #tpu.memory_space<hbm>> -> memref<50048x32xf32, #tpu.memory_space<hbm>>
      %dma_wait3A_91 = arith.constant 0 : i32
      %dma_wait3A_92 = tpu.memref_slice %dma_wait3A_90[%mul3A_0, %dma_wait3A_91] : memref<50048x32xf32, #tpu.memory_space<hbm>> -> memref<3128x32xf32, #tpu.memory_space<hbm>>
      %dma_wait3A_93 = arith.constant 0 : i32
      %dma_wait3A_94 = tpu.memref_slice %arg12[%mul3A_0, %dma_wait3A_93] : memref<50048x32xf32, #tpu.memory_space<vmem_shared>> -> memref<3128x32xf32, #tpu.memory_space<vmem_shared>>
      tpu.wait_dma2 semaphore(%run_scoped3A : memref<!tpu.dma_semaphore, #tpu.memory_space<semaphore_mem>>) src(%dma_wait3A_94 : memref<3128x32xf32, #tpu.memory_space<vmem_shared>>) dst(%dma_wait3A_92 : memref<3128x32xf32, #tpu.memory_space<hbm>>)
      tpu.yield
    }) : () -> ()
    %barrier3A_16 = arith.constant 0 : index
    tpu.barrier barrier_id(%barrier3A_16)
    "tpu.region"() ({
      %run_scoped3A = tpu.sem_alloc : memref<!tpu.dma_semaphore, #tpu.memory_space<semaphore_mem>>
      %dma_start3A = arith.constant 0 : i32
      %dma_start3A_81 = tpu.memref_slice %arg12[%mul3A_0, %dma_start3A] : memref<50048x32xf32, #tpu.memory_space<vmem_shared>> -> memref<3128x32xf32, #tpu.memory_space<vmem_shared>>
      %dma_start3A_82 = arith.constant 0 : i32
      %dma_start3A_83 = arith.constant 0 : i32
      %dma_start3A_84 = tpu.memref_slice %arg3[%arg0, %dma_start3A_82, %dma_start3A_83] : memref<2x50048x32xf32, #tpu.memory_space<hbm>> -> memref<1x50048x32xf32, #tpu.memory_space<hbm>>
      %dma_start3A_85 = tpu.memref_squeeze %dma_start3A_84 : memref<1x50048x32xf32, #tpu.memory_space<hbm>> -> memref<50048x32xf32, #tpu.memory_space<hbm>>
      %dma_start3A_86 = arith.constant 0 : i32
      %dma_start3A_87 = tpu.memref_slice %dma_start3A_85[%mul3A_0, %dma_start3A_86] : memref<50048x32xf32, #tpu.memory_space<hbm>> -> memref<3128x32xf32, #tpu.memory_space<hbm>>
      tpu.enqueue_dma source(%dma_start3A_87 : memref<3128x32xf32, #tpu.memory_space<hbm>>) target(%dma_start3A_81 : memref<3128x32xf32, #tpu.memory_space<vmem_shared>>) target_semaphore(%run_scoped3A : memref<!tpu.dma_semaphore, #tpu.memory_space<semaphore_mem>>)
      %dma_wait3A = arith.constant 0 : i32
      %dma_wait3A_88 = tpu.memref_slice %arg12[%mul3A_0, %dma_wait3A] : memref<50048x32xf32, #tpu.memory_space<vmem_shared>> -> memref<3128x32xf32, #tpu.memory_space<vmem_shared>>
      %dma_wait3A_89 = arith.constant 0 : i32
      %dma_wait3A_90 = arith.constant 0 : i32
      %dma_wait3A_91 = tpu.memref_slice %arg3[%arg0, %dma_wait3A_89, %dma_wait3A_90] : memref<2x50048x32xf32, #tpu.memory_space<hbm>> -> memref<1x50048x32xf32, #tpu.memory_space<hbm>>
      %dma_wait3A_92 = tpu.memref_squeeze %dma_wait3A_91 : memref<1x50048x32xf32, #tpu.memory_space<hbm>> -> memref<50048x32xf32, #tpu.memory_space<hbm>>
      %dma_wait3A_93 = arith.constant 0 : i32
      %dma_wait3A_94 = tpu.memref_slice %dma_wait3A_92[%mul3A_0, %dma_wait3A_93] : memref<50048x32xf32, #tpu.memory_space<hbm>> -> memref<3128x32xf32, #tpu.memory_space<hbm>>
      tpu.wait_dma2 semaphore(%run_scoped3A : memref<!tpu.dma_semaphore, #tpu.memory_space<semaphore_mem>>) src(%dma_wait3A_94 : memref<3128x32xf32, #tpu.memory_space<hbm>>) dst(%dma_wait3A_88 : memref<3128x32xf32, #tpu.memory_space<vmem_shared>>)
      tpu.yield
    }) : () -> ()
    %barrier3A_17 = arith.constant 0 : index
    tpu.barrier barrier_id(%barrier3A_17)
    %scan3A_18 = arith.constant 0 : i32
    %scan3A_19 = arith.constant 400 : i32
    %scan3A_20 = arith.addi %scan3A_18, %scan3A_19 : i32
    %scan3A_21 = arith.constant 1 : i32
    scf.for %scan3A_81 = %scan3A_18 to %scan3A_20 step %scan3A_21  : i32 {
      %mul3A_82 = arith.constant 1 : i32
      %mul3A_83 = arith.muli %scan3A_81, %mul3A_82 : i32
      %add3A = arith.constant 0 : i32
      %add3A_84 = arith.addi %add3A, %mul3A_83 : i32
      %add3A_85 = arith.addi %mul3A_2, %add3A_84 : i32
      %mul3A_86 = arith.constant 128 : i32
      %mul3A_87 = arith.muli %add3A_85, %mul3A_86 : i32
      "tpu.region"() ({
        %run_scoped3A = tpu.sem_alloc : memref<!tpu.dma_semaphore, #tpu.memory_space<semaphore_mem>>
        %dma_start3A_105 = tpu.memref_slice %arg4[%mul3A_87] : memref<819200xi32, #tpu.memory_space<hbm>> -> memref<128xi32, #tpu.memory_space<hbm>>
        %dma_start3A_106 = tpu.memref_slice %arg4[%mul3A_87] : memref<819200xi32, #tpu.memory_space<hbm>> -> memref<128xi32, #tpu.memory_space<hbm>>
        tpu.enqueue_dma source(%dma_start3A_106 : memref<128xi32, #tpu.memory_space<hbm>>) target(%arg8 : memref<128xi32, #tpu.memory_space<vmem>>) target_semaphore(%run_scoped3A : memref<!tpu.dma_semaphore, #tpu.memory_space<semaphore_mem>>)
        %dma_wait3A_107 = tpu.memref_slice %arg4[%mul3A_87] : memref<819200xi32, #tpu.memory_space<hbm>> -> memref<128xi32, #tpu.memory_space<hbm>>
        %dma_wait3A_108 = tpu.memref_slice %arg4[%mul3A_87] : memref<819200xi32, #tpu.memory_space<hbm>> -> memref<128xi32, #tpu.memory_space<hbm>>
        tpu.wait_dma2 semaphore(%run_scoped3A : memref<!tpu.dma_semaphore, #tpu.memory_space<semaphore_mem>>) src(%dma_wait3A_108 : memref<128xi32, #tpu.memory_space<hbm>>) dst(%arg8 : memref<128xi32, #tpu.memory_space<vmem>>)
        tpu.yield
      }) : () -> ()
      "tpu.region"() ({
        %run_scoped3A = tpu.sem_alloc : memref<!tpu.dma_semaphore, #tpu.memory_space<semaphore_mem>>
        %dma_start3A_105 = tpu.memref_slice %arg5[%mul3A_87] : memref<819200xi32, #tpu.memory_space<hbm>> -> memref<128xi32, #tpu.memory_space<hbm>>
        %dma_start3A_106 = tpu.memref_slice %arg5[%mul3A_87] : memref<819200xi32, #tpu.memory_space<hbm>> -> memref<128xi32, #tpu.memory_space<hbm>>
        tpu.enqueue_dma source(%dma_start3A_106 : memref<128xi32, #tpu.memory_space<hbm>>) target(%arg9 : memref<128xi32, #tpu.memory_space<vmem>>) target_semaphore(%run_scoped3A : memref<!tpu.dma_semaphore, #tpu.memory_space<semaphore_mem>>)
        %dma_wait3A_107 = tpu.memref_slice %arg5[%mul3A_87] : memref<819200xi32, #tpu.memory_space<hbm>> -> memref<128xi32, #tpu.memory_space<hbm>>
        %dma_wait3A_108 = tpu.memref_slice %arg5[%mul3A_87] : memref<819200xi32, #tpu.memory_space<hbm>> -> memref<128xi32, #tpu.memory_space<hbm>>
        tpu.wait_dma2 semaphore(%run_scoped3A : memref<!tpu.dma_semaphore, #tpu.memory_space<semaphore_mem>>) src(%dma_wait3A_108 : memref<128xi32, #tpu.memory_space<hbm>>) dst(%arg9 : memref<128xi32, #tpu.memory_space<vmem>>)
        tpu.yield
      }) : () -> ()
      "tpu.region"() ({
        %run_scoped3A = tpu.sem_alloc : memref<!tpu.dma_semaphore, #tpu.memory_space<semaphore_mem>>
        %dma_start3A_105 = tpu.memref_slice %arg6[%mul3A_87] : memref<819200xf32, #tpu.memory_space<hbm>> -> memref<128xf32, #tpu.memory_space<hbm>>
        %dma_start3A_106 = tpu.memref_slice %arg6[%mul3A_87] : memref<819200xf32, #tpu.memory_space<hbm>> -> memref<128xf32, #tpu.memory_space<hbm>>
        tpu.enqueue_dma source(%dma_start3A_106 : memref<128xf32, #tpu.memory_space<hbm>>) target(%arg10 : memref<128xf32, #tpu.memory_space<vmem>>) target_semaphore(%run_scoped3A : memref<!tpu.dma_semaphore, #tpu.memory_space<semaphore_mem>>)
        %dma_wait3A_107 = tpu.memref_slice %arg6[%mul3A_87] : memref<819200xf32, #tpu.memory_space<hbm>> -> memref<128xf32, #tpu.memory_space<hbm>>
        %dma_wait3A_108 = tpu.memref_slice %arg6[%mul3A_87] : memref<819200xf32, #tpu.memory_space<hbm>> -> memref<128xf32, #tpu.memory_space<hbm>>
        tpu.wait_dma2 semaphore(%run_scoped3A : memref<!tpu.dma_semaphore, #tpu.memory_space<semaphore_mem>>) src(%dma_wait3A_108 : memref<128xf32, #tpu.memory_space<hbm>>) dst(%arg10 : memref<128xf32, #tpu.memory_space<vmem>>)
        tpu.yield
      }) : () -> ()
      %dma_start3A = arith.constant 0 : i32
      %dma_start3A_88 = arith.constant 0 : i32
      %dma_start3A_89 = tpu.memref_slice %arg7[%arg0, %dma_start3A, %dma_start3A_88] : memref<2x50048x32xf32, #tpu.memory_space<hbm>> -> memref<1x50048x32xf32, #tpu.memory_space<hbm>>
      %dma_start3A_90 = tpu.memref_squeeze %dma_start3A_89 : memref<1x50048x32xf32, #tpu.memory_space<hbm>> -> memref<50048x32xf32, #tpu.memory_space<hbm>>
      %dma_start3A_91 = arith.constant 0 : i32
      %dma_start3A_92 = arith.constant 0 : i32
      %dma_start3A_93 = tpu.memref_slice %dma_start3A_90[%dma_start3A_91, %dma_start3A_92] : memref<50048x32xf32, #tpu.memory_space<hbm>> -> memref<50048x32xf32, #tpu.memory_space<hbm>>
      tpu.enqueue_indirect_dma source(%dma_start3A_93 : memref<50048x32xf32, #tpu.memory_space<hbm>>) target(%arg11 : memref<128x32xf32, #tpu.memory_space<vmem>>) offsets(%arg8 : memref<128xi32, #tpu.memory_space<vmem>>) semaphore(%arg13 : memref<!tpu.dma_semaphore, #tpu.memory_space<semaphore_mem>>)
      %dma_wait3A = arith.constant 0 : i32
      %dma_wait3A_94 = arith.constant 0 : i32
      %dma_wait3A_95 = tpu.memref_slice %arg7[%arg0, %dma_wait3A, %dma_wait3A_94] : memref<2x50048x32xf32, #tpu.memory_space<hbm>> -> memref<1x50048x32xf32, #tpu.memory_space<hbm>>
      %dma_wait3A_96 = tpu.memref_squeeze %dma_wait3A_95 : memref<1x50048x32xf32, #tpu.memory_space<hbm>> -> memref<50048x32xf32, #tpu.memory_space<hbm>>
      %dma_wait3A_97 = arith.constant 0 : i32
      %dma_wait3A_98 = arith.constant 0 : i32
      %dma_wait3A_99 = tpu.memref_slice %dma_wait3A_96[%dma_wait3A_97, %dma_wait3A_98] : memref<50048x32xf32, #tpu.memory_space<hbm>> -> memref<50048x32xf32, #tpu.memory_space<hbm>>
      tpu.wait_indirect_dma semaphore(%arg13 : memref<!tpu.dma_semaphore, #tpu.memory_space<semaphore_mem>>) src(%dma_wait3A_99 : memref<50048x32xf32, #tpu.memory_space<hbm>>) dst(%arg11 : memref<128x32xf32, #tpu.memory_space<vmem>>)
      %scan3A_100 = arith.constant 0 : i32
      %scan3A_101 = arith.constant 128 : i32
      %scan3A_102 = arith.addi %scan3A_100, %scan3A_101 : i32
      %scan3A_103 = arith.constant 1 : i32
      scf.for %scan3A_105 = %scan3A_100 to %scan3A_102 step %scan3A_103  : i32 {
        %mul3A_106 = arith.constant 1 : i32
        %mul3A_107 = arith.muli %scan3A_105, %mul3A_106 : i32
        %add3A_108 = arith.constant 0 : i32
        %add3A_109 = arith.addi %add3A_108, %mul3A_107 : i32
        %broadcast_in_dim3A = vector.broadcast %add3A_109 : i32 to vector<16xi32>
        %gather3A = tpu.vector_load_idx %arg10[%broadcast_in_dim3A] : memref<128xf32, #tpu.memory_space<vmem>>[vector<16xi32>], vector<16xf32>,
        %mul3A_110 = arith.constant 5.000000e-01 : f32
        %mul3A_111 = vector.broadcast %mul3A_110 : f32 to vector<16xf32>
        %mul3A_112 = arith.mulf %gather3A, %mul3A_111 : vector<16xf32>
        %get3A = arith.index_cast %add3A_109 : i32 to index
        %get3A_113 = arith.constant 0 : index
        %get3A_114 = tpu.vector_load %arg11[%get3A, %get3A_113] {strides = array<i32>} : memref<128x32xf32, #tpu.memory_space<vmem>>, vector<16xf32>,
        %mul3A_115 = arith.mulf %get3A_114, %mul3A_112 : vector<16xf32>
        %swap3A = arith.index_cast %add3A_109 : i32 to index
        %swap3A_116 = arith.constant 0 : index
        %swap3A_117 = tpu.vector_load %arg11[%swap3A, %swap3A_116] {strides = array<i32>} : memref<128x32xf32, #tpu.memory_space<vmem>>, vector<16xf32>,
        tpu.vector_store %arg11[%swap3A, %swap3A_116], %mul3A_115 {strides = array<i32>} : memref<128x32xf32, #tpu.memory_space<vmem>>, vector<16xf32>,
        %get3A_118 = arith.index_cast %add3A_109 : i32 to index
        %get3A_119 = arith.constant 16 : index
        %get3A_120 = tpu.vector_load %arg11[%get3A_118, %get3A_119] {strides = array<i32>} : memref<128x32xf32, #tpu.memory_space<vmem>>, vector<16xf32>,
        %mul3A_121 = arith.mulf %get3A_120, %mul3A_112 : vector<16xf32>
        %swap3A_122 = arith.index_cast %add3A_109 : i32 to index
        %swap3A_123 = arith.constant 16 : index
        %swap3A_124 = tpu.vector_load %arg11[%swap3A_122, %swap3A_123] {strides = array<i32>} : memref<128x32xf32, #tpu.memory_space<vmem>>, vector<16xf32>,
        tpu.vector_store %arg11[%swap3A_122, %swap3A_123], %mul3A_121 {strides = array<i32>} : memref<128x32xf32, #tpu.memory_space<vmem>>, vector<16xf32>,
      }
      %scan3A_104 = arith.constant 128 : i32
      "tpu.region"() ({
        %run_scoped3A = tpu.sem_alloc : memref<!tpu.dma_semaphore, #tpu.memory_space<semaphore_mem>>
        %dma_start3A_105 = arith.constant 0 : i32
        %dma_start3A_106 = arith.constant 0 : i32
        %dma_start3A_107 = tpu.memref_slice %arg12[%dma_start3A_105, %dma_start3A_106] : memref<50048x32xf32, #tpu.memory_space<vmem_shared>> -> memref<50048x32xf32, #tpu.memory_space<vmem_shared>>
        tpu.enqueue_indirect_dma source(%arg11 : memref<128x32xf32, #tpu.memory_space<vmem>>) target(%dma_start3A_107 : memref<50048x32xf32, #tpu.memory_space<vmem_shared>>) offsets(%arg9 : memref<128xi32, #tpu.memory_space<vmem>>) semaphore(%run_scoped3A : memref<!tpu.dma_semaphore, #tpu.memory_space<semaphore_mem>>) {add = true}
        %dma_wait3A_108 = arith.constant 0 : i32
        %dma_wait3A_109 = arith.constant 0 : i32
        %dma_wait3A_110 = tpu.memref_slice %arg12[%dma_wait3A_108, %dma_wait3A_109] : memref<50048x32xf32, #tpu.memory_space<vmem_shared>> -> memref<50048x32xf32, #tpu.memory_space<vmem_shared>>
        tpu.wait_indirect_dma semaphore(%run_scoped3A : memref<!tpu.dma_semaphore, #tpu.memory_space<semaphore_mem>>) src(%arg11 : memref<128x32xf32, #tpu.memory_space<vmem>>) dst(%dma_wait3A_110 : memref<50048x32xf32, #tpu.memory_space<vmem_shared>>)
        tpu.yield
      }) : () -> ()
    }
    %scan3A_22 = arith.constant 400 : i32
    %barrier3A_23 = arith.constant 0 : index
    tpu.barrier barrier_id(%barrier3A_23)
    "tpu.region"() ({
      %run_scoped3A = tpu.sem_alloc : memref<!tpu.dma_semaphore, #tpu.memory_space<semaphore_mem>>
      %dma_start3A = arith.constant 0 : i32
      %dma_start3A_81 = arith.constant 0 : i32
      %dma_start3A_82 = tpu.memref_slice %arg7[%arg0, %dma_start3A, %dma_start3A_81] : memref<2x50048x32xf32, #tpu.memory_space<hbm>> -> memref<1x50048x32xf32, #tpu.memory_space<hbm>>
      %dma_start3A_83 = tpu.memref_squeeze %dma_start3A_82 : memref<1x50048x32xf32, #tpu.memory_space<hbm>> -> memref<50048x32xf32, #tpu.memory_space<hbm>>
      %dma_start3A_84 = arith.constant 0 : i32
      %dma_start3A_85 = tpu.memref_slice %dma_start3A_83[%mul3A_0, %dma_start3A_84] : memref<50048x32xf32, #tpu.memory_space<hbm>> -> memref<3128x32xf32, #tpu.memory_space<hbm>>
      %dma_start3A_86 = arith.constant 0 : i32
      %dma_start3A_87 = tpu.memref_slice %arg12[%mul3A_0, %dma_start3A_86] : memref<50048x32xf32, #tpu.memory_space<vmem_shared>> -> memref<3128x32xf32, #tpu.memory_space<vmem_shared>>
      tpu.enqueue_dma source(%dma_start3A_87 : memref<3128x32xf32, #tpu.memory_space<vmem_shared>>) target(%dma_start3A_85 : memref<3128x32xf32, #tpu.memory_space<hbm>>) target_semaphore(%run_scoped3A : memref<!tpu.dma_semaphore, #tpu.memory_space<semaphore_mem>>)
      %dma_wait3A = arith.constant 0 : i32
      %dma_wait3A_88 = arith.constant 0 : i32
      %dma_wait3A_89 = tpu.memref_slice %arg7[%arg0, %dma_wait3A, %dma_wait3A_88] : memref<2x50048x32xf32, #tpu.memory_space<hbm>> -> memref<1x50048x32xf32, #tpu.memory_space<hbm>>
      %dma_wait3A_90 = tpu.memref_squeeze %dma_wait3A_89 : memref<1x50048x32xf32, #tpu.memory_space<hbm>> -> memref<50048x32xf32, #tpu.memory_space<hbm>>
      %dma_wait3A_91 = arith.constant 0 : i32
      %dma_wait3A_92 = tpu.memref_slice %dma_wait3A_90[%mul3A_0, %dma_wait3A_91] : memref<50048x32xf32, #tpu.memory_space<hbm>> -> memref<3128x32xf32, #tpu.memory_space<hbm>>
      %dma_wait3A_93 = arith.constant 0 : i32
      %dma_wait3A_94 = tpu.memref_slice %arg12[%mul3A_0, %dma_wait3A_93] : memref<50048x32xf32, #tpu.memory_space<vmem_shared>> -> memref<3128x32xf32, #tpu.memory_space<vmem_shared>>
      tpu.wait_dma2 semaphore(%run_scoped3A : memref<!tpu.dma_semaphore, #tpu.memory_space<semaphore_mem>>) src(%dma_wait3A_94 : memref<3128x32xf32, #tpu.memory_space<vmem_shared>>) dst(%dma_wait3A_92 : memref<3128x32xf32, #tpu.memory_space<hbm>>)
      tpu.yield
    }) : () -> ()
    %barrier3A_24 = arith.constant 0 : index
    tpu.barrier barrier_id(%barrier3A_24)
    "tpu.region"() ({
      %run_scoped3A = tpu.sem_alloc : memref<!tpu.dma_semaphore, #tpu.memory_space<semaphore_mem>>
      %dma_start3A = arith.constant 0 : i32
      %dma_start3A_81 = tpu.memref_slice %arg12[%mul3A_0, %dma_start3A] : memref<50048x32xf32, #tpu.memory_space<vmem_shared>> -> memref<3128x32xf32, #tpu.memory_space<vmem_shared>>
      %dma_start3A_82 = arith.constant 0 : i32
      %dma_start3A_83 = arith.constant 0 : i32
      %dma_start3A_84 = tpu.memref_slice %arg3[%arg0, %dma_start3A_82, %dma_start3A_83] : memref<2x50048x32xf32, #tpu.memory_space<hbm>> -> memref<1x50048x32xf32, #tpu.memory_space<hbm>>
      %dma_start3A_85 = tpu.memref_squeeze %dma_start3A_84 : memref<1x50048x32xf32, #tpu.memory_space<hbm>> -> memref<50048x32xf32, #tpu.memory_space<hbm>>
      %dma_start3A_86 = arith.constant 0 : i32
      %dma_start3A_87 = tpu.memref_slice %dma_start3A_85[%mul3A_0, %dma_start3A_86] : memref<50048x32xf32, #tpu.memory_space<hbm>> -> memref<3128x32xf32, #tpu.memory_space<hbm>>
      tpu.enqueue_dma source(%dma_start3A_87 : memref<3128x32xf32, #tpu.memory_space<hbm>>) target(%dma_start3A_81 : memref<3128x32xf32, #tpu.memory_space<vmem_shared>>) target_semaphore(%run_scoped3A : memref<!tpu.dma_semaphore, #tpu.memory_space<semaphore_mem>>)
      %dma_wait3A = arith.constant 0 : i32
      %dma_wait3A_88 = tpu.memref_slice %arg12[%mul3A_0, %dma_wait3A] : memref<50048x32xf32, #tpu.memory_space<vmem_shared>> -> memref<3128x32xf32, #tpu.memory_space<vmem_shared>>
      %dma_wait3A_89 = arith.constant 0 : i32
      %dma_wait3A_90 = arith.constant 0 : i32
      %dma_wait3A_91 = tpu.memref_slice %arg3[%arg0, %dma_wait3A_89, %dma_wait3A_90] : memref<2x50048x32xf32, #tpu.memory_space<hbm>> -> memref<1x50048x32xf32, #tpu.memory_space<hbm>>
      %dma_wait3A_92 = tpu.memref_squeeze %dma_wait3A_91 : memref<1x50048x32xf32, #tpu.memory_space<hbm>> -> memref<50048x32xf32, #tpu.memory_space<hbm>>
      %dma_wait3A_93 = arith.constant 0 : i32
      %dma_wait3A_94 = tpu.memref_slice %dma_wait3A_92[%mul3A_0, %dma_wait3A_93] : memref<50048x32xf32, #tpu.memory_space<hbm>> -> memref<3128x32xf32, #tpu.memory_space<hbm>>
      tpu.wait_dma2 semaphore(%run_scoped3A : memref<!tpu.dma_semaphore, #tpu.memory_space<semaphore_mem>>) src(%dma_wait3A_94 : memref<3128x32xf32, #tpu.memory_space<hbm>>) dst(%dma_wait3A_88 : memref<3128x32xf32, #tpu.memory_space<vmem_shared>>)
      tpu.yield
    }) : () -> ()
    %barrier3A_25 = arith.constant 0 : index
    tpu.barrier barrier_id(%barrier3A_25)
    %scan3A_26 = arith.constant 0 : i32
    %scan3A_27 = arith.constant 400 : i32
    %scan3A_28 = arith.addi %scan3A_26, %scan3A_27 : i32
    %scan3A_29 = arith.constant 1 : i32
    scf.for %scan3A_81 = %scan3A_26 to %scan3A_28 step %scan3A_29  : i32 {
      %mul3A_82 = arith.constant 1 : i32
      %mul3A_83 = arith.muli %scan3A_81, %mul3A_82 : i32
      %add3A = arith.constant 0 : i32
      %add3A_84 = arith.addi %add3A, %mul3A_83 : i32
      %add3A_85 = arith.addi %mul3A_2, %add3A_84 : i32
      %mul3A_86 = arith.constant 128 : i32
      %mul3A_87 = arith.muli %add3A_85, %mul3A_86 : i32
      "tpu.region"() ({
        %run_scoped3A = tpu.sem_alloc : memref<!tpu.dma_semaphore, #tpu.memory_space<semaphore_mem>>
        %dma_start3A_105 = tpu.memref_slice %arg4[%mul3A_87] : memref<819200xi32, #tpu.memory_space<hbm>> -> memref<128xi32, #tpu.memory_space<hbm>>
        %dma_start3A_106 = tpu.memref_slice %arg4[%mul3A_87] : memref<819200xi32, #tpu.memory_space<hbm>> -> memref<128xi32, #tpu.memory_space<hbm>>
        tpu.enqueue_dma source(%dma_start3A_106 : memref<128xi32, #tpu.memory_space<hbm>>) target(%arg8 : memref<128xi32, #tpu.memory_space<vmem>>) target_semaphore(%run_scoped3A : memref<!tpu.dma_semaphore, #tpu.memory_space<semaphore_mem>>)
        %dma_wait3A_107 = tpu.memref_slice %arg4[%mul3A_87] : memref<819200xi32, #tpu.memory_space<hbm>> -> memref<128xi32, #tpu.memory_space<hbm>>
        %dma_wait3A_108 = tpu.memref_slice %arg4[%mul3A_87] : memref<819200xi32, #tpu.memory_space<hbm>> -> memref<128xi32, #tpu.memory_space<hbm>>
        tpu.wait_dma2 semaphore(%run_scoped3A : memref<!tpu.dma_semaphore, #tpu.memory_space<semaphore_mem>>) src(%dma_wait3A_108 : memref<128xi32, #tpu.memory_space<hbm>>) dst(%arg8 : memref<128xi32, #tpu.memory_space<vmem>>)
        tpu.yield
      }) : () -> ()
      "tpu.region"() ({
        %run_scoped3A = tpu.sem_alloc : memref<!tpu.dma_semaphore, #tpu.memory_space<semaphore_mem>>
        %dma_start3A_105 = tpu.memref_slice %arg5[%mul3A_87] : memref<819200xi32, #tpu.memory_space<hbm>> -> memref<128xi32, #tpu.memory_space<hbm>>
        %dma_start3A_106 = tpu.memref_slice %arg5[%mul3A_87] : memref<819200xi32, #tpu.memory_space<hbm>> -> memref<128xi32, #tpu.memory_space<hbm>>
        tpu.enqueue_dma source(%dma_start3A_106 : memref<128xi32, #tpu.memory_space<hbm>>) target(%arg9 : memref<128xi32, #tpu.memory_space<vmem>>) target_semaphore(%run_scoped3A : memref<!tpu.dma_semaphore, #tpu.memory_space<semaphore_mem>>)
        %dma_wait3A_107 = tpu.memref_slice %arg5[%mul3A_87] : memref<819200xi32, #tpu.memory_space<hbm>> -> memref<128xi32, #tpu.memory_space<hbm>>
        %dma_wait3A_108 = tpu.memref_slice %arg5[%mul3A_87] : memref<819200xi32, #tpu.memory_space<hbm>> -> memref<128xi32, #tpu.memory_space<hbm>>
        tpu.wait_dma2 semaphore(%run_scoped3A : memref<!tpu.dma_semaphore, #tpu.memory_space<semaphore_mem>>) src(%dma_wait3A_108 : memref<128xi32, #tpu.memory_space<hbm>>) dst(%arg9 : memref<128xi32, #tpu.memory_space<vmem>>)
        tpu.yield
      }) : () -> ()
      "tpu.region"() ({
        %run_scoped3A = tpu.sem_alloc : memref<!tpu.dma_semaphore, #tpu.memory_space<semaphore_mem>>
        %dma_start3A_105 = tpu.memref_slice %arg6[%mul3A_87] : memref<819200xf32, #tpu.memory_space<hbm>> -> memref<128xf32, #tpu.memory_space<hbm>>
        %dma_start3A_106 = tpu.memref_slice %arg6[%mul3A_87] : memref<819200xf32, #tpu.memory_space<hbm>> -> memref<128xf32, #tpu.memory_space<hbm>>
        tpu.enqueue_dma source(%dma_start3A_106 : memref<128xf32, #tpu.memory_space<hbm>>) target(%arg10 : memref<128xf32, #tpu.memory_space<vmem>>) target_semaphore(%run_scoped3A : memref<!tpu.dma_semaphore, #tpu.memory_space<semaphore_mem>>)
        %dma_wait3A_107 = tpu.memref_slice %arg6[%mul3A_87] : memref<819200xf32, #tpu.memory_space<hbm>> -> memref<128xf32, #tpu.memory_space<hbm>>
        %dma_wait3A_108 = tpu.memref_slice %arg6[%mul3A_87] : memref<819200xf32, #tpu.memory_space<hbm>> -> memref<128xf32, #tpu.memory_space<hbm>>
        tpu.wait_dma2 semaphore(%run_scoped3A : memref<!tpu.dma_semaphore, #tpu.memory_space<semaphore_mem>>) src(%dma_wait3A_108 : memref<128xf32, #tpu.memory_space<hbm>>) dst(%arg10 : memref<128xf32, #tpu.memory_space<vmem>>)
        tpu.yield
      }) : () -> ()
      %dma_start3A = arith.constant 0 : i32
      %dma_start3A_88 = arith.constant 0 : i32
      %dma_start3A_89 = tpu.memref_slice %arg7[%arg0, %dma_start3A, %dma_start3A_88] : memref<2x50048x32xf32, #tpu.memory_space<hbm>> -> memref<1x50048x32xf32, #tpu.memory_space<hbm>>
      %dma_start3A_90 = tpu.memref_squeeze %dma_start3A_89 : memref<1x50048x32xf32, #tpu.memory_space<hbm>> -> memref<50048x32xf32, #tpu.memory_space<hbm>>
      %dma_start3A_91 = arith.constant 0 : i32
      %dma_start3A_92 = arith.constant 0 : i32
      %dma_start3A_93 = tpu.memref_slice %dma_start3A_90[%dma_start3A_91, %dma_start3A_92] : memref<50048x32xf32, #tpu.memory_space<hbm>> -> memref<50048x32xf32, #tpu.memory_space<hbm>>
      tpu.enqueue_indirect_dma source(%dma_start3A_93 : memref<50048x32xf32, #tpu.memory_space<hbm>>) target(%arg11 : memref<128x32xf32, #tpu.memory_space<vmem>>) offsets(%arg8 : memref<128xi32, #tpu.memory_space<vmem>>) semaphore(%arg13 : memref<!tpu.dma_semaphore, #tpu.memory_space<semaphore_mem>>)
      %dma_wait3A = arith.constant 0 : i32
      %dma_wait3A_94 = arith.constant 0 : i32
      %dma_wait3A_95 = tpu.memref_slice %arg7[%arg0, %dma_wait3A, %dma_wait3A_94] : memref<2x50048x32xf32, #tpu.memory_space<hbm>> -> memref<1x50048x32xf32, #tpu.memory_space<hbm>>
      %dma_wait3A_96 = tpu.memref_squeeze %dma_wait3A_95 : memref<1x50048x32xf32, #tpu.memory_space<hbm>> -> memref<50048x32xf32, #tpu.memory_space<hbm>>
      %dma_wait3A_97 = arith.constant 0 : i32
      %dma_wait3A_98 = arith.constant 0 : i32
      %dma_wait3A_99 = tpu.memref_slice %dma_wait3A_96[%dma_wait3A_97, %dma_wait3A_98] : memref<50048x32xf32, #tpu.memory_space<hbm>> -> memref<50048x32xf32, #tpu.memory_space<hbm>>
      tpu.wait_indirect_dma semaphore(%arg13 : memref<!tpu.dma_semaphore, #tpu.memory_space<semaphore_mem>>) src(%dma_wait3A_99 : memref<50048x32xf32, #tpu.memory_space<hbm>>) dst(%arg11 : memref<128x32xf32, #tpu.memory_space<vmem>>)
      %scan3A_100 = arith.constant 0 : i32
      %scan3A_101 = arith.constant 128 : i32
      %scan3A_102 = arith.addi %scan3A_100, %scan3A_101 : i32
      %scan3A_103 = arith.constant 1 : i32
      scf.for %scan3A_105 = %scan3A_100 to %scan3A_102 step %scan3A_103  : i32 {
        %mul3A_106 = arith.constant 1 : i32
        %mul3A_107 = arith.muli %scan3A_105, %mul3A_106 : i32
        %add3A_108 = arith.constant 0 : i32
        %add3A_109 = arith.addi %add3A_108, %mul3A_107 : i32
        %broadcast_in_dim3A = vector.broadcast %add3A_109 : i32 to vector<16xi32>
        %gather3A = tpu.vector_load_idx %arg10[%broadcast_in_dim3A] : memref<128xf32, #tpu.memory_space<vmem>>[vector<16xi32>], vector<16xf32>,
        %mul3A_110 = arith.constant 5.000000e-01 : f32
        %mul3A_111 = vector.broadcast %mul3A_110 : f32 to vector<16xf32>
        %mul3A_112 = arith.mulf %gather3A, %mul3A_111 : vector<16xf32>
        %get3A = arith.index_cast %add3A_109 : i32 to index
        %get3A_113 = arith.constant 0 : index
        %get3A_114 = tpu.vector_load %arg11[%get3A, %get3A_113] {strides = array<i32>} : memref<128x32xf32, #tpu.memory_space<vmem>>, vector<16xf32>,
        %mul3A_115 = arith.mulf %get3A_114, %mul3A_112 : vector<16xf32>
        %swap3A = arith.index_cast %add3A_109 : i32 to index
        %swap3A_116 = arith.constant 0 : index
        %swap3A_117 = tpu.vector_load %arg11[%swap3A, %swap3A_116] {strides = array<i32>} : memref<128x32xf32, #tpu.memory_space<vmem>>, vector<16xf32>,
        tpu.vector_store %arg11[%swap3A, %swap3A_116], %mul3A_115 {strides = array<i32>} : memref<128x32xf32, #tpu.memory_space<vmem>>, vector<16xf32>,
        %get3A_118 = arith.index_cast %add3A_109 : i32 to index
        %get3A_119 = arith.constant 16 : index
        %get3A_120 = tpu.vector_load %arg11[%get3A_118, %get3A_119] {strides = array<i32>} : memref<128x32xf32, #tpu.memory_space<vmem>>, vector<16xf32>,
        %mul3A_121 = arith.mulf %get3A_120, %mul3A_112 : vector<16xf32>
        %swap3A_122 = arith.index_cast %add3A_109 : i32 to index
        %swap3A_123 = arith.constant 16 : index
        %swap3A_124 = tpu.vector_load %arg11[%swap3A_122, %swap3A_123] {strides = array<i32>} : memref<128x32xf32, #tpu.memory_space<vmem>>, vector<16xf32>,
        tpu.vector_store %arg11[%swap3A_122, %swap3A_123], %mul3A_121 {strides = array<i32>} : memref<128x32xf32, #tpu.memory_space<vmem>>, vector<16xf32>,
      }
      %scan3A_104 = arith.constant 128 : i32
      "tpu.region"() ({
        %run_scoped3A = tpu.sem_alloc : memref<!tpu.dma_semaphore, #tpu.memory_space<semaphore_mem>>
        %dma_start3A_105 = arith.constant 0 : i32
        %dma_start3A_106 = arith.constant 0 : i32
        %dma_start3A_107 = tpu.memref_slice %arg12[%dma_start3A_105, %dma_start3A_106] : memref<50048x32xf32, #tpu.memory_space<vmem_shared>> -> memref<50048x32xf32, #tpu.memory_space<vmem_shared>>
        tpu.enqueue_indirect_dma source(%arg11 : memref<128x32xf32, #tpu.memory_space<vmem>>) target(%dma_start3A_107 : memref<50048x32xf32, #tpu.memory_space<vmem_shared>>) offsets(%arg9 : memref<128xi32, #tpu.memory_space<vmem>>) semaphore(%run_scoped3A : memref<!tpu.dma_semaphore, #tpu.memory_space<semaphore_mem>>) {add = true}
        %dma_wait3A_108 = arith.constant 0 : i32
        %dma_wait3A_109 = arith.constant 0 : i32
        %dma_wait3A_110 = tpu.memref_slice %arg12[%dma_wait3A_108, %dma_wait3A_109] : memref<50048x32xf32, #tpu.memory_space<vmem_shared>> -> memref<50048x32xf32, #tpu.memory_space<vmem_shared>>
        tpu.wait_indirect_dma semaphore(%run_scoped3A : memref<!tpu.dma_semaphore, #tpu.memory_space<semaphore_mem>>) src(%arg11 : memref<128x32xf32, #tpu.memory_space<vmem>>) dst(%dma_wait3A_110 : memref<50048x32xf32, #tpu.memory_space<vmem_shared>>)
        tpu.yield
      }) : () -> ()
    }
    %scan3A_30 = arith.constant 400 : i32
    %barrier3A_31 = arith.constant 0 : index
    tpu.barrier barrier_id(%barrier3A_31)
    "tpu.region"() ({
      %run_scoped3A = tpu.sem_alloc : memref<!tpu.dma_semaphore, #tpu.memory_space<semaphore_mem>>
      %dma_start3A = arith.constant 0 : i32
      %dma_start3A_81 = arith.constant 0 : i32
      %dma_start3A_82 = tpu.memref_slice %arg7[%arg0, %dma_start3A, %dma_start3A_81] : memref<2x50048x32xf32, #tpu.memory_space<hbm>> -> memref<1x50048x32xf32, #tpu.memory_space<hbm>>
      %dma_start3A_83 = tpu.memref_squeeze %dma_start3A_82 : memref<1x50048x32xf32, #tpu.memory_space<hbm>> -> memref<50048x32xf32, #tpu.memory_space<hbm>>
      %dma_start3A_84 = arith.constant 0 : i32
      %dma_start3A_85 = tpu.memref_slice %dma_start3A_83[%mul3A_0, %dma_start3A_84] : memref<50048x32xf32, #tpu.memory_space<hbm>> -> memref<3128x32xf32, #tpu.memory_space<hbm>>
      %dma_start3A_86 = arith.constant 0 : i32
      %dma_start3A_87 = tpu.memref_slice %arg12[%mul3A_0, %dma_start3A_86] : memref<50048x32xf32, #tpu.memory_space<vmem_shared>> -> memref<3128x32xf32, #tpu.memory_space<vmem_shared>>
      tpu.enqueue_dma source(%dma_start3A_87 : memref<3128x32xf32, #tpu.memory_space<vmem_shared>>) target(%dma_start3A_85 : memref<3128x32xf32, #tpu.memory_space<hbm>>) target_semaphore(%run_scoped3A : memref<!tpu.dma_semaphore, #tpu.memory_space<semaphore_mem>>)
      %dma_wait3A = arith.constant 0 : i32
      %dma_wait3A_88 = arith.constant 0 : i32
      %dma_wait3A_89 = tpu.memref_slice %arg7[%arg0, %dma_wait3A, %dma_wait3A_88] : memref<2x50048x32xf32, #tpu.memory_space<hbm>> -> memref<1x50048x32xf32, #tpu.memory_space<hbm>>
      %dma_wait3A_90 = tpu.memref_squeeze %dma_wait3A_89 : memref<1x50048x32xf32, #tpu.memory_space<hbm>> -> memref<50048x32xf32, #tpu.memory_space<hbm>>
      %dma_wait3A_91 = arith.constant 0 : i32
      %dma_wait3A_92 = tpu.memref_slice %dma_wait3A_90[%mul3A_0, %dma_wait3A_91] : memref<50048x32xf32, #tpu.memory_space<hbm>> -> memref<3128x32xf32, #tpu.memory_space<hbm>>
      %dma_wait3A_93 = arith.constant 0 : i32
      %dma_wait3A_94 = tpu.memref_slice %arg12[%mul3A_0, %dma_wait3A_93] : memref<50048x32xf32, #tpu.memory_space<vmem_shared>> -> memref<3128x32xf32, #tpu.memory_space<vmem_shared>>
      tpu.wait_dma2 semaphore(%run_scoped3A : memref<!tpu.dma_semaphore, #tpu.memory_space<semaphore_mem>>) src(%dma_wait3A_94 : memref<3128x32xf32, #tpu.memory_space<vmem_shared>>) dst(%dma_wait3A_92 : memref<3128x32xf32, #tpu.memory_space<hbm>>)
      tpu.yield
    }) : () -> ()
    %barrier3A_32 = arith.constant 0 : index
    tpu.barrier barrier_id(%barrier3A_32)
    "tpu.region"() ({
      %run_scoped3A = tpu.sem_alloc : memref<!tpu.dma_semaphore, #tpu.memory_space<semaphore_mem>>
      %dma_start3A = arith.constant 0 : i32
      %dma_start3A_81 = tpu.memref_slice %arg12[%mul3A_0, %dma_start3A] : memref<50048x32xf32, #tpu.memory_space<vmem_shared>> -> memref<3128x32xf32, #tpu.memory_space<vmem_shared>>
      %dma_start3A_82 = arith.constant 0 : i32
      %dma_start3A_83 = arith.constant 0 : i32
      %dma_start3A_84 = tpu.memref_slice %arg3[%arg0, %dma_start3A_82, %dma_start3A_83] : memref<2x50048x32xf32, #tpu.memory_space<hbm>> -> memref<1x50048x32xf32, #tpu.memory_space<hbm>>
      %dma_start3A_85 = tpu.memref_squeeze %dma_start3A_84 : memref<1x50048x32xf32, #tpu.memory_space<hbm>> -> memref<50048x32xf32, #tpu.memory_space<hbm>>
      %dma_start3A_86 = arith.constant 0 : i32
      %dma_start3A_87 = tpu.memref_slice %dma_start3A_85[%mul3A_0, %dma_start3A_86] : memref<50048x32xf32, #tpu.memory_space<hbm>> -> memref<3128x32xf32, #tpu.memory_space<hbm>>
      tpu.enqueue_dma source(%dma_start3A_87 : memref<3128x32xf32, #tpu.memory_space<hbm>>) target(%dma_start3A_81 : memref<3128x32xf32, #tpu.memory_space<vmem_shared>>) target_semaphore(%run_scoped3A : memref<!tpu.dma_semaphore, #tpu.memory_space<semaphore_mem>>)
      %dma_wait3A = arith.constant 0 : i32
      %dma_wait3A_88 = tpu.memref_slice %arg12[%mul3A_0, %dma_wait3A] : memref<50048x32xf32, #tpu.memory_space<vmem_shared>> -> memref<3128x32xf32, #tpu.memory_space<vmem_shared>>
      %dma_wait3A_89 = arith.constant 0 : i32
      %dma_wait3A_90 = arith.constant 0 : i32
      %dma_wait3A_91 = tpu.memref_slice %arg3[%arg0, %dma_wait3A_89, %dma_wait3A_90] : memref<2x50048x32xf32, #tpu.memory_space<hbm>> -> memref<1x50048x32xf32, #tpu.memory_space<hbm>>
      %dma_wait3A_92 = tpu.memref_squeeze %dma_wait3A_91 : memref<1x50048x32xf32, #tpu.memory_space<hbm>> -> memref<50048x32xf32, #tpu.memory_space<hbm>>
      %dma_wait3A_93 = arith.constant 0 : i32
      %dma_wait3A_94 = tpu.memref_slice %dma_wait3A_92[%mul3A_0, %dma_wait3A_93] : memref<50048x32xf32, #tpu.memory_space<hbm>> -> memref<3128x32xf32, #tpu.memory_space<hbm>>
      tpu.wait_dma2 semaphore(%run_scoped3A : memref<!tpu.dma_semaphore, #tpu.memory_space<semaphore_mem>>) src(%dma_wait3A_94 : memref<3128x32xf32, #tpu.memory_space<hbm>>) dst(%dma_wait3A_88 : memref<3128x32xf32, #tpu.memory_space<vmem_shared>>)
      tpu.yield
    }) : () -> ()
    %barrier3A_33 = arith.constant 0 : index
    tpu.barrier barrier_id(%barrier3A_33)
    %scan3A_34 = arith.constant 0 : i32
    %scan3A_35 = arith.constant 400 : i32
    %scan3A_36 = arith.addi %scan3A_34, %scan3A_35 : i32
    %scan3A_37 = arith.constant 1 : i32
    scf.for %scan3A_81 = %scan3A_34 to %scan3A_36 step %scan3A_37  : i32 {
      %mul3A_82 = arith.constant 1 : i32
      %mul3A_83 = arith.muli %scan3A_81, %mul3A_82 : i32
      %add3A = arith.constant 0 : i32
      %add3A_84 = arith.addi %add3A, %mul3A_83 : i32
      %add3A_85 = arith.addi %mul3A_2, %add3A_84 : i32
      %mul3A_86 = arith.constant 128 : i32
      %mul3A_87 = arith.muli %add3A_85, %mul3A_86 : i32
      "tpu.region"() ({
        %run_scoped3A = tpu.sem_alloc : memref<!tpu.dma_semaphore, #tpu.memory_space<semaphore_mem>>
        %dma_start3A_105 = tpu.memref_slice %arg4[%mul3A_87] : memref<819200xi32, #tpu.memory_space<hbm>> -> memref<128xi32, #tpu.memory_space<hbm>>
        %dma_start3A_106 = tpu.memref_slice %arg4[%mul3A_87] : memref<819200xi32, #tpu.memory_space<hbm>> -> memref<128xi32, #tpu.memory_space<hbm>>
        tpu.enqueue_dma source(%dma_start3A_106 : memref<128xi32, #tpu.memory_space<hbm>>) target(%arg8 : memref<128xi32, #tpu.memory_space<vmem>>) target_semaphore(%run_scoped3A : memref<!tpu.dma_semaphore, #tpu.memory_space<semaphore_mem>>)
        %dma_wait3A_107 = tpu.memref_slice %arg4[%mul3A_87] : memref<819200xi32, #tpu.memory_space<hbm>> -> memref<128xi32, #tpu.memory_space<hbm>>
        %dma_wait3A_108 = tpu.memref_slice %arg4[%mul3A_87] : memref<819200xi32, #tpu.memory_space<hbm>> -> memref<128xi32, #tpu.memory_space<hbm>>
        tpu.wait_dma2 semaphore(%run_scoped3A : memref<!tpu.dma_semaphore, #tpu.memory_space<semaphore_mem>>) src(%dma_wait3A_108 : memref<128xi32, #tpu.memory_space<hbm>>) dst(%arg8 : memref<128xi32, #tpu.memory_space<vmem>>)
        tpu.yield
      }) : () -> ()
      "tpu.region"() ({
        %run_scoped3A = tpu.sem_alloc : memref<!tpu.dma_semaphore, #tpu.memory_space<semaphore_mem>>
        %dma_start3A_105 = tpu.memref_slice %arg5[%mul3A_87] : memref<819200xi32, #tpu.memory_space<hbm>> -> memref<128xi32, #tpu.memory_space<hbm>>
        %dma_start3A_106 = tpu.memref_slice %arg5[%mul3A_87] : memref<819200xi32, #tpu.memory_space<hbm>> -> memref<128xi32, #tpu.memory_space<hbm>>
        tpu.enqueue_dma source(%dma_start3A_106 : memref<128xi32, #tpu.memory_space<hbm>>) target(%arg9 : memref<128xi32, #tpu.memory_space<vmem>>) target_semaphore(%run_scoped3A : memref<!tpu.dma_semaphore, #tpu.memory_space<semaphore_mem>>)
        %dma_wait3A_107 = tpu.memref_slice %arg5[%mul3A_87] : memref<819200xi32, #tpu.memory_space<hbm>> -> memref<128xi32, #tpu.memory_space<hbm>>
        %dma_wait3A_108 = tpu.memref_slice %arg5[%mul3A_87] : memref<819200xi32, #tpu.memory_space<hbm>> -> memref<128xi32, #tpu.memory_space<hbm>>
        tpu.wait_dma2 semaphore(%run_scoped3A : memref<!tpu.dma_semaphore, #tpu.memory_space<semaphore_mem>>) src(%dma_wait3A_108 : memref<128xi32, #tpu.memory_space<hbm>>) dst(%arg9 : memref<128xi32, #tpu.memory_space<vmem>>)
        tpu.yield
      }) : () -> ()
      "tpu.region"() ({
        %run_scoped3A = tpu.sem_alloc : memref<!tpu.dma_semaphore, #tpu.memory_space<semaphore_mem>>
        %dma_start3A_105 = tpu.memref_slice %arg6[%mul3A_87] : memref<819200xf32, #tpu.memory_space<hbm>> -> memref<128xf32, #tpu.memory_space<hbm>>
        %dma_start3A_106 = tpu.memref_slice %arg6[%mul3A_87] : memref<819200xf32, #tpu.memory_space<hbm>> -> memref<128xf32, #tpu.memory_space<hbm>>
        tpu.enqueue_dma source(%dma_start3A_106 : memref<128xf32, #tpu.memory_space<hbm>>) target(%arg10 : memref<128xf32, #tpu.memory_space<vmem>>) target_semaphore(%run_scoped3A : memref<!tpu.dma_semaphore, #tpu.memory_space<semaphore_mem>>)
        %dma_wait3A_107 = tpu.memref_slice %arg6[%mul3A_87] : memref<819200xf32, #tpu.memory_space<hbm>> -> memref<128xf32, #tpu.memory_space<hbm>>
        %dma_wait3A_108 = tpu.memref_slice %arg6[%mul3A_87] : memref<819200xf32, #tpu.memory_space<hbm>> -> memref<128xf32, #tpu.memory_space<hbm>>
        tpu.wait_dma2 semaphore(%run_scoped3A : memref<!tpu.dma_semaphore, #tpu.memory_space<semaphore_mem>>) src(%dma_wait3A_108 : memref<128xf32, #tpu.memory_space<hbm>>) dst(%arg10 : memref<128xf32, #tpu.memory_space<vmem>>)
        tpu.yield
      }) : () -> ()
      %dma_start3A = arith.constant 0 : i32
      %dma_start3A_88 = arith.constant 0 : i32
      %dma_start3A_89 = tpu.memref_slice %arg7[%arg0, %dma_start3A, %dma_start3A_88] : memref<2x50048x32xf32, #tpu.memory_space<hbm>> -> memref<1x50048x32xf32, #tpu.memory_space<hbm>>
      %dma_start3A_90 = tpu.memref_squeeze %dma_start3A_89 : memref<1x50048x32xf32, #tpu.memory_space<hbm>> -> memref<50048x32xf32, #tpu.memory_space<hbm>>
      %dma_start3A_91 = arith.constant 0 : i32
      %dma_start3A_92 = arith.constant 0 : i32
      %dma_start3A_93 = tpu.memref_slice %dma_start3A_90[%dma_start3A_91, %dma_start3A_92] : memref<50048x32xf32, #tpu.memory_space<hbm>> -> memref<50048x32xf32, #tpu.memory_space<hbm>>
      tpu.enqueue_indirect_dma source(%dma_start3A_93 : memref<50048x32xf32, #tpu.memory_space<hbm>>) target(%arg11 : memref<128x32xf32, #tpu.memory_space<vmem>>) offsets(%arg8 : memref<128xi32, #tpu.memory_space<vmem>>) semaphore(%arg13 : memref<!tpu.dma_semaphore, #tpu.memory_space<semaphore_mem>>)
      %dma_wait3A = arith.constant 0 : i32
      %dma_wait3A_94 = arith.constant 0 : i32
      %dma_wait3A_95 = tpu.memref_slice %arg7[%arg0, %dma_wait3A, %dma_wait3A_94] : memref<2x50048x32xf32, #tpu.memory_space<hbm>> -> memref<1x50048x32xf32, #tpu.memory_space<hbm>>
      %dma_wait3A_96 = tpu.memref_squeeze %dma_wait3A_95 : memref<1x50048x32xf32, #tpu.memory_space<hbm>> -> memref<50048x32xf32, #tpu.memory_space<hbm>>
      %dma_wait3A_97 = arith.constant 0 : i32
      %dma_wait3A_98 = arith.constant 0 : i32
      %dma_wait3A_99 = tpu.memref_slice %dma_wait3A_96[%dma_wait3A_97, %dma_wait3A_98] : memref<50048x32xf32, #tpu.memory_space<hbm>> -> memref<50048x32xf32, #tpu.memory_space<hbm>>
      tpu.wait_indirect_dma semaphore(%arg13 : memref<!tpu.dma_semaphore, #tpu.memory_space<semaphore_mem>>) src(%dma_wait3A_99 : memref<50048x32xf32, #tpu.memory_space<hbm>>) dst(%arg11 : memref<128x32xf32, #tpu.memory_space<vmem>>)
      %scan3A_100 = arith.constant 0 : i32
      %scan3A_101 = arith.constant 128 : i32
      %scan3A_102 = arith.addi %scan3A_100, %scan3A_101 : i32
      %scan3A_103 = arith.constant 1 : i32
      scf.for %scan3A_105 = %scan3A_100 to %scan3A_102 step %scan3A_103  : i32 {
        %mul3A_106 = arith.constant 1 : i32
        %mul3A_107 = arith.muli %scan3A_105, %mul3A_106 : i32
        %add3A_108 = arith.constant 0 : i32
        %add3A_109 = arith.addi %add3A_108, %mul3A_107 : i32
        %broadcast_in_dim3A = vector.broadcast %add3A_109 : i32 to vector<16xi32>
        %gather3A = tpu.vector_load_idx %arg10[%broadcast_in_dim3A] : memref<128xf32, #tpu.memory_space<vmem>>[vector<16xi32>], vector<16xf32>,
        %mul3A_110 = arith.constant 5.000000e-01 : f32
        %mul3A_111 = vector.broadcast %mul3A_110 : f32 to vector<16xf32>
        %mul3A_112 = arith.mulf %gather3A, %mul3A_111 : vector<16xf32>
        %get3A = arith.index_cast %add3A_109 : i32 to index
        %get3A_113 = arith.constant 0 : index
        %get3A_114 = tpu.vector_load %arg11[%get3A, %get3A_113] {strides = array<i32>} : memref<128x32xf32, #tpu.memory_space<vmem>>, vector<16xf32>,
        %mul3A_115 = arith.mulf %get3A_114, %mul3A_112 : vector<16xf32>
        %swap3A = arith.index_cast %add3A_109 : i32 to index
        %swap3A_116 = arith.constant 0 : index
        %swap3A_117 = tpu.vector_load %arg11[%swap3A, %swap3A_116] {strides = array<i32>} : memref<128x32xf32, #tpu.memory_space<vmem>>, vector<16xf32>,
        tpu.vector_store %arg11[%swap3A, %swap3A_116], %mul3A_115 {strides = array<i32>} : memref<128x32xf32, #tpu.memory_space<vmem>>, vector<16xf32>,
        %get3A_118 = arith.index_cast %add3A_109 : i32 to index
        %get3A_119 = arith.constant 16 : index
        %get3A_120 = tpu.vector_load %arg11[%get3A_118, %get3A_119] {strides = array<i32>} : memref<128x32xf32, #tpu.memory_space<vmem>>, vector<16xf32>,
        %mul3A_121 = arith.mulf %get3A_120, %mul3A_112 : vector<16xf32>
        %swap3A_122 = arith.index_cast %add3A_109 : i32 to index
        %swap3A_123 = arith.constant 16 : index
        %swap3A_124 = tpu.vector_load %arg11[%swap3A_122, %swap3A_123] {strides = array<i32>} : memref<128x32xf32, #tpu.memory_space<vmem>>, vector<16xf32>,
        tpu.vector_store %arg11[%swap3A_122, %swap3A_123], %mul3A_121 {strides = array<i32>} : memref<128x32xf32, #tpu.memory_space<vmem>>, vector<16xf32>,
      }
      %scan3A_104 = arith.constant 128 : i32
      "tpu.region"() ({
        %run_scoped3A = tpu.sem_alloc : memref<!tpu.dma_semaphore, #tpu.memory_space<semaphore_mem>>
        %dma_start3A_105 = arith.constant 0 : i32
        %dma_start3A_106 = arith.constant 0 : i32
        %dma_start3A_107 = tpu.memref_slice %arg12[%dma_start3A_105, %dma_start3A_106] : memref<50048x32xf32, #tpu.memory_space<vmem_shared>> -> memref<50048x32xf32, #tpu.memory_space<vmem_shared>>
        tpu.enqueue_indirect_dma source(%arg11 : memref<128x32xf32, #tpu.memory_space<vmem>>) target(%dma_start3A_107 : memref<50048x32xf32, #tpu.memory_space<vmem_shared>>) offsets(%arg9 : memref<128xi32, #tpu.memory_space<vmem>>) semaphore(%run_scoped3A : memref<!tpu.dma_semaphore, #tpu.memory_space<semaphore_mem>>) {add = true}
        %dma_wait3A_108 = arith.constant 0 : i32
        %dma_wait3A_109 = arith.constant 0 : i32
        %dma_wait3A_110 = tpu.memref_slice %arg12[%dma_wait3A_108, %dma_wait3A_109] : memref<50048x32xf32, #tpu.memory_space<vmem_shared>> -> memref<50048x32xf32, #tpu.memory_space<vmem_shared>>
        tpu.wait_indirect_dma semaphore(%run_scoped3A : memref<!tpu.dma_semaphore, #tpu.memory_space<semaphore_mem>>) src(%arg11 : memref<128x32xf32, #tpu.memory_space<vmem>>) dst(%dma_wait3A_110 : memref<50048x32xf32, #tpu.memory_space<vmem_shared>>)
        tpu.yield
      }) : () -> ()
    }
    %scan3A_38 = arith.constant 400 : i32
    %barrier3A_39 = arith.constant 0 : index
    tpu.barrier barrier_id(%barrier3A_39)
    "tpu.region"() ({
      %run_scoped3A = tpu.sem_alloc : memref<!tpu.dma_semaphore, #tpu.memory_space<semaphore_mem>>
      %dma_start3A = arith.constant 0 : i32
      %dma_start3A_81 = arith.constant 0 : i32
      %dma_start3A_82 = tpu.memref_slice %arg7[%arg0, %dma_start3A, %dma_start3A_81] : memref<2x50048x32xf32, #tpu.memory_space<hbm>> -> memref<1x50048x32xf32, #tpu.memory_space<hbm>>
      %dma_start3A_83 = tpu.memref_squeeze %dma_start3A_82 : memref<1x50048x32xf32, #tpu.memory_space<hbm>> -> memref<50048x32xf32, #tpu.memory_space<hbm>>
      %dma_start3A_84 = arith.constant 0 : i32
      %dma_start3A_85 = tpu.memref_slice %dma_start3A_83[%mul3A_0, %dma_start3A_84] : memref<50048x32xf32, #tpu.memory_space<hbm>> -> memref<3128x32xf32, #tpu.memory_space<hbm>>
      %dma_start3A_86 = arith.constant 0 : i32
      %dma_start3A_87 = tpu.memref_slice %arg12[%mul3A_0, %dma_start3A_86] : memref<50048x32xf32, #tpu.memory_space<vmem_shared>> -> memref<3128x32xf32, #tpu.memory_space<vmem_shared>>
      tpu.enqueue_dma source(%dma_start3A_87 : memref<3128x32xf32, #tpu.memory_space<vmem_shared>>) target(%dma_start3A_85 : memref<3128x32xf32, #tpu.memory_space<hbm>>) target_semaphore(%run_scoped3A : memref<!tpu.dma_semaphore, #tpu.memory_space<semaphore_mem>>)
      %dma_wait3A = arith.constant 0 : i32
      %dma_wait3A_88 = arith.constant 0 : i32
      %dma_wait3A_89 = tpu.memref_slice %arg7[%arg0, %dma_wait3A, %dma_wait3A_88] : memref<2x50048x32xf32, #tpu.memory_space<hbm>> -> memref<1x50048x32xf32, #tpu.memory_space<hbm>>
      %dma_wait3A_90 = tpu.memref_squeeze %dma_wait3A_89 : memref<1x50048x32xf32, #tpu.memory_space<hbm>> -> memref<50048x32xf32, #tpu.memory_space<hbm>>
      %dma_wait3A_91 = arith.constant 0 : i32
      %dma_wait3A_92 = tpu.memref_slice %dma_wait3A_90[%mul3A_0, %dma_wait3A_91] : memref<50048x32xf32, #tpu.memory_space<hbm>> -> memref<3128x32xf32, #tpu.memory_space<hbm>>
      %dma_wait3A_93 = arith.constant 0 : i32
      %dma_wait3A_94 = tpu.memref_slice %arg12[%mul3A_0, %dma_wait3A_93] : memref<50048x32xf32, #tpu.memory_space<vmem_shared>> -> memref<3128x32xf32, #tpu.memory_space<vmem_shared>>
      tpu.wait_dma2 semaphore(%run_scoped3A : memref<!tpu.dma_semaphore, #tpu.memory_space<semaphore_mem>>) src(%dma_wait3A_94 : memref<3128x32xf32, #tpu.memory_space<vmem_shared>>) dst(%dma_wait3A_92 : memref<3128x32xf32, #tpu.memory_space<hbm>>)
      tpu.yield
    }) : () -> ()
    %barrier3A_40 = arith.constant 0 : index
    tpu.barrier barrier_id(%barrier3A_40)
    "tpu.region"() ({
      %run_scoped3A = tpu.sem_alloc : memref<!tpu.dma_semaphore, #tpu.memory_space<semaphore_mem>>
      %dma_start3A = arith.constant 0 : i32
      %dma_start3A_81 = tpu.memref_slice %arg12[%mul3A_0, %dma_start3A] : memref<50048x32xf32, #tpu.memory_space<vmem_shared>> -> memref<3128x32xf32, #tpu.memory_space<vmem_shared>>
      %dma_start3A_82 = arith.constant 0 : i32
      %dma_start3A_83 = arith.constant 0 : i32
      %dma_start3A_84 = tpu.memref_slice %arg3[%arg0, %dma_start3A_82, %dma_start3A_83] : memref<2x50048x32xf32, #tpu.memory_space<hbm>> -> memref<1x50048x32xf32, #tpu.memory_space<hbm>>
      %dma_start3A_85 = tpu.memref_squeeze %dma_start3A_84 : memref<1x50048x32xf32, #tpu.memory_space<hbm>> -> memref<50048x32xf32, #tpu.memory_space<hbm>>
      %dma_start3A_86 = arith.constant 0 : i32
      %dma_start3A_87 = tpu.memref_slice %dma_start3A_85[%mul3A_0, %dma_start3A_86] : memref<50048x32xf32, #tpu.memory_space<hbm>> -> memref<3128x32xf32, #tpu.memory_space<hbm>>
      tpu.enqueue_dma source(%dma_start3A_87 : memref<3128x32xf32, #tpu.memory_space<hbm>>) target(%dma_start3A_81 : memref<3128x32xf32, #tpu.memory_space<vmem_shared>>) target_semaphore(%run_scoped3A : memref<!tpu.dma_semaphore, #tpu.memory_space<semaphore_mem>>)
      %dma_wait3A = arith.constant 0 : i32
      %dma_wait3A_88 = tpu.memref_slice %arg12[%mul3A_0, %dma_wait3A] : memref<50048x32xf32, #tpu.memory_space<vmem_shared>> -> memref<3128x32xf32, #tpu.memory_space<vmem_shared>>
      %dma_wait3A_89 = arith.constant 0 : i32
      %dma_wait3A_90 = arith.constant 0 : i32
      %dma_wait3A_91 = tpu.memref_slice %arg3[%arg0, %dma_wait3A_89, %dma_wait3A_90] : memref<2x50048x32xf32, #tpu.memory_space<hbm>> -> memref<1x50048x32xf32, #tpu.memory_space<hbm>>
      %dma_wait3A_92 = tpu.memref_squeeze %dma_wait3A_91 : memref<1x50048x32xf32, #tpu.memory_space<hbm>> -> memref<50048x32xf32, #tpu.memory_space<hbm>>
      %dma_wait3A_93 = arith.constant 0 : i32
      %dma_wait3A_94 = tpu.memref_slice %dma_wait3A_92[%mul3A_0, %dma_wait3A_93] : memref<50048x32xf32, #tpu.memory_space<hbm>> -> memref<3128x32xf32, #tpu.memory_space<hbm>>
      tpu.wait_dma2 semaphore(%run_scoped3A : memref<!tpu.dma_semaphore, #tpu.memory_space<semaphore_mem>>) src(%dma_wait3A_94 : memref<3128x32xf32, #tpu.memory_space<hbm>>) dst(%dma_wait3A_88 : memref<3128x32xf32, #tpu.memory_space<vmem_shared>>)
      tpu.yield
    }) : () -> ()
    %barrier3A_41 = arith.constant 0 : index
    tpu.barrier barrier_id(%barrier3A_41)
    %scan3A_42 = arith.constant 0 : i32
    %scan3A_43 = arith.constant 400 : i32
    %scan3A_44 = arith.addi %scan3A_42, %scan3A_43 : i32
    %scan3A_45 = arith.constant 1 : i32
    scf.for %scan3A_81 = %scan3A_42 to %scan3A_44 step %scan3A_45  : i32 {
      %mul3A_82 = arith.constant 1 : i32
      %mul3A_83 = arith.muli %scan3A_81, %mul3A_82 : i32
      %add3A = arith.constant 0 : i32
      %add3A_84 = arith.addi %add3A, %mul3A_83 : i32
      %add3A_85 = arith.addi %mul3A_2, %add3A_84 : i32
      %mul3A_86 = arith.constant 128 : i32
      %mul3A_87 = arith.muli %add3A_85, %mul3A_86 : i32
      "tpu.region"() ({
        %run_scoped3A = tpu.sem_alloc : memref<!tpu.dma_semaphore, #tpu.memory_space<semaphore_mem>>
        %dma_start3A_105 = tpu.memref_slice %arg4[%mul3A_87] : memref<819200xi32, #tpu.memory_space<hbm>> -> memref<128xi32, #tpu.memory_space<hbm>>
        %dma_start3A_106 = tpu.memref_slice %arg4[%mul3A_87] : memref<819200xi32, #tpu.memory_space<hbm>> -> memref<128xi32, #tpu.memory_space<hbm>>
        tpu.enqueue_dma source(%dma_start3A_106 : memref<128xi32, #tpu.memory_space<hbm>>) target(%arg8 : memref<128xi32, #tpu.memory_space<vmem>>) target_semaphore(%run_scoped3A : memref<!tpu.dma_semaphore, #tpu.memory_space<semaphore_mem>>)
        %dma_wait3A_107 = tpu.memref_slice %arg4[%mul3A_87] : memref<819200xi32, #tpu.memory_space<hbm>> -> memref<128xi32, #tpu.memory_space<hbm>>
        %dma_wait3A_108 = tpu.memref_slice %arg4[%mul3A_87] : memref<819200xi32, #tpu.memory_space<hbm>> -> memref<128xi32, #tpu.memory_space<hbm>>
        tpu.wait_dma2 semaphore(%run_scoped3A : memref<!tpu.dma_semaphore, #tpu.memory_space<semaphore_mem>>) src(%dma_wait3A_108 : memref<128xi32, #tpu.memory_space<hbm>>) dst(%arg8 : memref<128xi32, #tpu.memory_space<vmem>>)
        tpu.yield
      }) : () -> ()
      "tpu.region"() ({
        %run_scoped3A = tpu.sem_alloc : memref<!tpu.dma_semaphore, #tpu.memory_space<semaphore_mem>>
        %dma_start3A_105 = tpu.memref_slice %arg5[%mul3A_87] : memref<819200xi32, #tpu.memory_space<hbm>> -> memref<128xi32, #tpu.memory_space<hbm>>
        %dma_start3A_106 = tpu.memref_slice %arg5[%mul3A_87] : memref<819200xi32, #tpu.memory_space<hbm>> -> memref<128xi32, #tpu.memory_space<hbm>>
        tpu.enqueue_dma source(%dma_start3A_106 : memref<128xi32, #tpu.memory_space<hbm>>) target(%arg9 : memref<128xi32, #tpu.memory_space<vmem>>) target_semaphore(%run_scoped3A : memref<!tpu.dma_semaphore, #tpu.memory_space<semaphore_mem>>)
        %dma_wait3A_107 = tpu.memref_slice %arg5[%mul3A_87] : memref<819200xi32, #tpu.memory_space<hbm>> -> memref<128xi32, #tpu.memory_space<hbm>>
        %dma_wait3A_108 = tpu.memref_slice %arg5[%mul3A_87] : memref<819200xi32, #tpu.memory_space<hbm>> -> memref<128xi32, #tpu.memory_space<hbm>>
        tpu.wait_dma2 semaphore(%run_scoped3A : memref<!tpu.dma_semaphore, #tpu.memory_space<semaphore_mem>>) src(%dma_wait3A_108 : memref<128xi32, #tpu.memory_space<hbm>>) dst(%arg9 : memref<128xi32, #tpu.memory_space<vmem>>)
        tpu.yield
      }) : () -> ()
      "tpu.region"() ({
        %run_scoped3A = tpu.sem_alloc : memref<!tpu.dma_semaphore, #tpu.memory_space<semaphore_mem>>
        %dma_start3A_105 = tpu.memref_slice %arg6[%mul3A_87] : memref<819200xf32, #tpu.memory_space<hbm>> -> memref<128xf32, #tpu.memory_space<hbm>>
        %dma_start3A_106 = tpu.memref_slice %arg6[%mul3A_87] : memref<819200xf32, #tpu.memory_space<hbm>> -> memref<128xf32, #tpu.memory_space<hbm>>
        tpu.enqueue_dma source(%dma_start3A_106 : memref<128xf32, #tpu.memory_space<hbm>>) target(%arg10 : memref<128xf32, #tpu.memory_space<vmem>>) target_semaphore(%run_scoped3A : memref<!tpu.dma_semaphore, #tpu.memory_space<semaphore_mem>>)
        %dma_wait3A_107 = tpu.memref_slice %arg6[%mul3A_87] : memref<819200xf32, #tpu.memory_space<hbm>> -> memref<128xf32, #tpu.memory_space<hbm>>
        %dma_wait3A_108 = tpu.memref_slice %arg6[%mul3A_87] : memref<819200xf32, #tpu.memory_space<hbm>> -> memref<128xf32, #tpu.memory_space<hbm>>
        tpu.wait_dma2 semaphore(%run_scoped3A : memref<!tpu.dma_semaphore, #tpu.memory_space<semaphore_mem>>) src(%dma_wait3A_108 : memref<128xf32, #tpu.memory_space<hbm>>) dst(%arg10 : memref<128xf32, #tpu.memory_space<vmem>>)
        tpu.yield
      }) : () -> ()
      %dma_start3A = arith.constant 0 : i32
      %dma_start3A_88 = arith.constant 0 : i32
      %dma_start3A_89 = tpu.memref_slice %arg7[%arg0, %dma_start3A, %dma_start3A_88] : memref<2x50048x32xf32, #tpu.memory_space<hbm>> -> memref<1x50048x32xf32, #tpu.memory_space<hbm>>
      %dma_start3A_90 = tpu.memref_squeeze %dma_start3A_89 : memref<1x50048x32xf32, #tpu.memory_space<hbm>> -> memref<50048x32xf32, #tpu.memory_space<hbm>>
      %dma_start3A_91 = arith.constant 0 : i32
      %dma_start3A_92 = arith.constant 0 : i32
      %dma_start3A_93 = tpu.memref_slice %dma_start3A_90[%dma_start3A_91, %dma_start3A_92] : memref<50048x32xf32, #tpu.memory_space<hbm>> -> memref<50048x32xf32, #tpu.memory_space<hbm>>
      tpu.enqueue_indirect_dma source(%dma_start3A_93 : memref<50048x32xf32, #tpu.memory_space<hbm>>) target(%arg11 : memref<128x32xf32, #tpu.memory_space<vmem>>) offsets(%arg8 : memref<128xi32, #tpu.memory_space<vmem>>) semaphore(%arg13 : memref<!tpu.dma_semaphore, #tpu.memory_space<semaphore_mem>>)
      %dma_wait3A = arith.constant 0 : i32
      %dma_wait3A_94 = arith.constant 0 : i32
      %dma_wait3A_95 = tpu.memref_slice %arg7[%arg0, %dma_wait3A, %dma_wait3A_94] : memref<2x50048x32xf32, #tpu.memory_space<hbm>> -> memref<1x50048x32xf32, #tpu.memory_space<hbm>>
      %dma_wait3A_96 = tpu.memref_squeeze %dma_wait3A_95 : memref<1x50048x32xf32, #tpu.memory_space<hbm>> -> memref<50048x32xf32, #tpu.memory_space<hbm>>
      %dma_wait3A_97 = arith.constant 0 : i32
      %dma_wait3A_98 = arith.constant 0 : i32
      %dma_wait3A_99 = tpu.memref_slice %dma_wait3A_96[%dma_wait3A_97, %dma_wait3A_98] : memref<50048x32xf32, #tpu.memory_space<hbm>> -> memref<50048x32xf32, #tpu.memory_space<hbm>>
      tpu.wait_indirect_dma semaphore(%arg13 : memref<!tpu.dma_semaphore, #tpu.memory_space<semaphore_mem>>) src(%dma_wait3A_99 : memref<50048x32xf32, #tpu.memory_space<hbm>>) dst(%arg11 : memref<128x32xf32, #tpu.memory_space<vmem>>)
      %scan3A_100 = arith.constant 0 : i32
      %scan3A_101 = arith.constant 128 : i32
      %scan3A_102 = arith.addi %scan3A_100, %scan3A_101 : i32
      %scan3A_103 = arith.constant 1 : i32
      scf.for %scan3A_105 = %scan3A_100 to %scan3A_102 step %scan3A_103  : i32 {
        %mul3A_106 = arith.constant 1 : i32
        %mul3A_107 = arith.muli %scan3A_105, %mul3A_106 : i32
        %add3A_108 = arith.constant 0 : i32
        %add3A_109 = arith.addi %add3A_108, %mul3A_107 : i32
        %broadcast_in_dim3A = vector.broadcast %add3A_109 : i32 to vector<16xi32>
        %gather3A = tpu.vector_load_idx %arg10[%broadcast_in_dim3A] : memref<128xf32, #tpu.memory_space<vmem>>[vector<16xi32>], vector<16xf32>,
        %mul3A_110 = arith.constant 5.000000e-01 : f32
        %mul3A_111 = vector.broadcast %mul3A_110 : f32 to vector<16xf32>
        %mul3A_112 = arith.mulf %gather3A, %mul3A_111 : vector<16xf32>
        %get3A = arith.index_cast %add3A_109 : i32 to index
        %get3A_113 = arith.constant 0 : index
        %get3A_114 = tpu.vector_load %arg11[%get3A, %get3A_113] {strides = array<i32>} : memref<128x32xf32, #tpu.memory_space<vmem>>, vector<16xf32>,
        %mul3A_115 = arith.mulf %get3A_114, %mul3A_112 : vector<16xf32>
        %swap3A = arith.index_cast %add3A_109 : i32 to index
        %swap3A_116 = arith.constant 0 : index
        %swap3A_117 = tpu.vector_load %arg11[%swap3A, %swap3A_116] {strides = array<i32>} : memref<128x32xf32, #tpu.memory_space<vmem>>, vector<16xf32>,
        tpu.vector_store %arg11[%swap3A, %swap3A_116], %mul3A_115 {strides = array<i32>} : memref<128x32xf32, #tpu.memory_space<vmem>>, vector<16xf32>,
        %get3A_118 = arith.index_cast %add3A_109 : i32 to index
        %get3A_119 = arith.constant 16 : index
        %get3A_120 = tpu.vector_load %arg11[%get3A_118, %get3A_119] {strides = array<i32>} : memref<128x32xf32, #tpu.memory_space<vmem>>, vector<16xf32>,
        %mul3A_121 = arith.mulf %get3A_120, %mul3A_112 : vector<16xf32>
        %swap3A_122 = arith.index_cast %add3A_109 : i32 to index
        %swap3A_123 = arith.constant 16 : index
        %swap3A_124 = tpu.vector_load %arg11[%swap3A_122, %swap3A_123] {strides = array<i32>} : memref<128x32xf32, #tpu.memory_space<vmem>>, vector<16xf32>,
        tpu.vector_store %arg11[%swap3A_122, %swap3A_123], %mul3A_121 {strides = array<i32>} : memref<128x32xf32, #tpu.memory_space<vmem>>, vector<16xf32>,
      }
      %scan3A_104 = arith.constant 128 : i32
      "tpu.region"() ({
        %run_scoped3A = tpu.sem_alloc : memref<!tpu.dma_semaphore, #tpu.memory_space<semaphore_mem>>
        %dma_start3A_105 = arith.constant 0 : i32
        %dma_start3A_106 = arith.constant 0 : i32
        %dma_start3A_107 = tpu.memref_slice %arg12[%dma_start3A_105, %dma_start3A_106] : memref<50048x32xf32, #tpu.memory_space<vmem_shared>> -> memref<50048x32xf32, #tpu.memory_space<vmem_shared>>
        tpu.enqueue_indirect_dma source(%arg11 : memref<128x32xf32, #tpu.memory_space<vmem>>) target(%dma_start3A_107 : memref<50048x32xf32, #tpu.memory_space<vmem_shared>>) offsets(%arg9 : memref<128xi32, #tpu.memory_space<vmem>>) semaphore(%run_scoped3A : memref<!tpu.dma_semaphore, #tpu.memory_space<semaphore_mem>>) {add = true}
        %dma_wait3A_108 = arith.constant 0 : i32
        %dma_wait3A_109 = arith.constant 0 : i32
        %dma_wait3A_110 = tpu.memref_slice %arg12[%dma_wait3A_108, %dma_wait3A_109] : memref<50048x32xf32, #tpu.memory_space<vmem_shared>> -> memref<50048x32xf32, #tpu.memory_space<vmem_shared>>
        tpu.wait_indirect_dma semaphore(%run_scoped3A : memref<!tpu.dma_semaphore, #tpu.memory_space<semaphore_mem>>) src(%arg11 : memref<128x32xf32, #tpu.memory_space<vmem>>) dst(%dma_wait3A_110 : memref<50048x32xf32, #tpu.memory_space<vmem_shared>>)
        tpu.yield
      }) : () -> ()
    }
    %scan3A_46 = arith.constant 400 : i32
    %barrier3A_47 = arith.constant 0 : index
    tpu.barrier barrier_id(%barrier3A_47)
    "tpu.region"() ({
      %run_scoped3A = tpu.sem_alloc : memref<!tpu.dma_semaphore, #tpu.memory_space<semaphore_mem>>
      %dma_start3A = arith.constant 0 : i32
      %dma_start3A_81 = arith.constant 0 : i32
      %dma_start3A_82 = tpu.memref_slice %arg7[%arg0, %dma_start3A, %dma_start3A_81] : memref<2x50048x32xf32, #tpu.memory_space<hbm>> -> memref<1x50048x32xf32, #tpu.memory_space<hbm>>
      %dma_start3A_83 = tpu.memref_squeeze %dma_start3A_82 : memref<1x50048x32xf32, #tpu.memory_space<hbm>> -> memref<50048x32xf32, #tpu.memory_space<hbm>>
      %dma_start3A_84 = arith.constant 0 : i32
      %dma_start3A_85 = tpu.memref_slice %dma_start3A_83[%mul3A_0, %dma_start3A_84] : memref<50048x32xf32, #tpu.memory_space<hbm>> -> memref<3128x32xf32, #tpu.memory_space<hbm>>
      %dma_start3A_86 = arith.constant 0 : i32
      %dma_start3A_87 = tpu.memref_slice %arg12[%mul3A_0, %dma_start3A_86] : memref<50048x32xf32, #tpu.memory_space<vmem_shared>> -> memref<3128x32xf32, #tpu.memory_space<vmem_shared>>
      tpu.enqueue_dma source(%dma_start3A_87 : memref<3128x32xf32, #tpu.memory_space<vmem_shared>>) target(%dma_start3A_85 : memref<3128x32xf32, #tpu.memory_space<hbm>>) target_semaphore(%run_scoped3A : memref<!tpu.dma_semaphore, #tpu.memory_space<semaphore_mem>>)
      %dma_wait3A = arith.constant 0 : i32
      %dma_wait3A_88 = arith.constant 0 : i32
      %dma_wait3A_89 = tpu.memref_slice %arg7[%arg0, %dma_wait3A, %dma_wait3A_88] : memref<2x50048x32xf32, #tpu.memory_space<hbm>> -> memref<1x50048x32xf32, #tpu.memory_space<hbm>>
      %dma_wait3A_90 = tpu.memref_squeeze %dma_wait3A_89 : memref<1x50048x32xf32, #tpu.memory_space<hbm>> -> memref<50048x32xf32, #tpu.memory_space<hbm>>
      %dma_wait3A_91 = arith.constant 0 : i32
      %dma_wait3A_92 = tpu.memref_slice %dma_wait3A_90[%mul3A_0, %dma_wait3A_91] : memref<50048x32xf32, #tpu.memory_space<hbm>> -> memref<3128x32xf32, #tpu.memory_space<hbm>>
      %dma_wait3A_93 = arith.constant 0 : i32
      %dma_wait3A_94 = tpu.memref_slice %arg12[%mul3A_0, %dma_wait3A_93] : memref<50048x32xf32, #tpu.memory_space<vmem_shared>> -> memref<3128x32xf32, #tpu.memory_space<vmem_shared>>
      tpu.wait_dma2 semaphore(%run_scoped3A : memref<!tpu.dma_semaphore, #tpu.memory_space<semaphore_mem>>) src(%dma_wait3A_94 : memref<3128x32xf32, #tpu.memory_space<vmem_shared>>) dst(%dma_wait3A_92 : memref<3128x32xf32, #tpu.memory_space<hbm>>)
      tpu.yield
    }) : () -> ()
    %barrier3A_48 = arith.constant 0 : index
    tpu.barrier barrier_id(%barrier3A_48)
    "tpu.region"() ({
      %run_scoped3A = tpu.sem_alloc : memref<!tpu.dma_semaphore, #tpu.memory_space<semaphore_mem>>
      %dma_start3A = arith.constant 0 : i32
      %dma_start3A_81 = tpu.memref_slice %arg12[%mul3A_0, %dma_start3A] : memref<50048x32xf32, #tpu.memory_space<vmem_shared>> -> memref<3128x32xf32, #tpu.memory_space<vmem_shared>>
      %dma_start3A_82 = arith.constant 0 : i32
      %dma_start3A_83 = arith.constant 0 : i32
      %dma_start3A_84 = tpu.memref_slice %arg3[%arg0, %dma_start3A_82, %dma_start3A_83] : memref<2x50048x32xf32, #tpu.memory_space<hbm>> -> memref<1x50048x32xf32, #tpu.memory_space<hbm>>
      %dma_start3A_85 = tpu.memref_squeeze %dma_start3A_84 : memref<1x50048x32xf32, #tpu.memory_space<hbm>> -> memref<50048x32xf32, #tpu.memory_space<hbm>>
      %dma_start3A_86 = arith.constant 0 : i32
      %dma_start3A_87 = tpu.memref_slice %dma_start3A_85[%mul3A_0, %dma_start3A_86] : memref<50048x32xf32, #tpu.memory_space<hbm>> -> memref<3128x32xf32, #tpu.memory_space<hbm>>
      tpu.enqueue_dma source(%dma_start3A_87 : memref<3128x32xf32, #tpu.memory_space<hbm>>) target(%dma_start3A_81 : memref<3128x32xf32, #tpu.memory_space<vmem_shared>>) target_semaphore(%run_scoped3A : memref<!tpu.dma_semaphore, #tpu.memory_space<semaphore_mem>>)
      %dma_wait3A = arith.constant 0 : i32
      %dma_wait3A_88 = tpu.memref_slice %arg12[%mul3A_0, %dma_wait3A] : memref<50048x32xf32, #tpu.memory_space<vmem_shared>> -> memref<3128x32xf32, #tpu.memory_space<vmem_shared>>
      %dma_wait3A_89 = arith.constant 0 : i32
      %dma_wait3A_90 = arith.constant 0 : i32
      %dma_wait3A_91 = tpu.memref_slice %arg3[%arg0, %dma_wait3A_89, %dma_wait3A_90] : memref<2x50048x32xf32, #tpu.memory_space<hbm>> -> memref<1x50048x32xf32, #tpu.memory_space<hbm>>
      %dma_wait3A_92 = tpu.memref_squeeze %dma_wait3A_91 : memref<1x50048x32xf32, #tpu.memory_space<hbm>> -> memref<50048x32xf32, #tpu.memory_space<hbm>>
      %dma_wait3A_93 = arith.constant 0 : i32
      %dma_wait3A_94 = tpu.memref_slice %dma_wait3A_92[%mul3A_0, %dma_wait3A_93] : memref<50048x32xf32, #tpu.memory_space<hbm>> -> memref<3128x32xf32, #tpu.memory_space<hbm>>
      tpu.wait_dma2 semaphore(%run_scoped3A : memref<!tpu.dma_semaphore, #tpu.memory_space<semaphore_mem>>) src(%dma_wait3A_94 : memref<3128x32xf32, #tpu.memory_space<hbm>>) dst(%dma_wait3A_88 : memref<3128x32xf32, #tpu.memory_space<vmem_shared>>)
      tpu.yield
    }) : () -> ()
    %barrier3A_49 = arith.constant 0 : index
    tpu.barrier barrier_id(%barrier3A_49)
    %scan3A_50 = arith.constant 0 : i32
    %scan3A_51 = arith.constant 400 : i32
    %scan3A_52 = arith.addi %scan3A_50, %scan3A_51 : i32
    %scan3A_53 = arith.constant 1 : i32
    scf.for %scan3A_81 = %scan3A_50 to %scan3A_52 step %scan3A_53  : i32 {
      %mul3A_82 = arith.constant 1 : i32
      %mul3A_83 = arith.muli %scan3A_81, %mul3A_82 : i32
      %add3A = arith.constant 0 : i32
      %add3A_84 = arith.addi %add3A, %mul3A_83 : i32
      %add3A_85 = arith.addi %mul3A_2, %add3A_84 : i32
      %mul3A_86 = arith.constant 128 : i32
      %mul3A_87 = arith.muli %add3A_85, %mul3A_86 : i32
      "tpu.region"() ({
        %run_scoped3A = tpu.sem_alloc : memref<!tpu.dma_semaphore, #tpu.memory_space<semaphore_mem>>
        %dma_start3A_105 = tpu.memref_slice %arg4[%mul3A_87] : memref<819200xi32, #tpu.memory_space<hbm>> -> memref<128xi32, #tpu.memory_space<hbm>>
        %dma_start3A_106 = tpu.memref_slice %arg4[%mul3A_87] : memref<819200xi32, #tpu.memory_space<hbm>> -> memref<128xi32, #tpu.memory_space<hbm>>
        tpu.enqueue_dma source(%dma_start3A_106 : memref<128xi32, #tpu.memory_space<hbm>>) target(%arg8 : memref<128xi32, #tpu.memory_space<vmem>>) target_semaphore(%run_scoped3A : memref<!tpu.dma_semaphore, #tpu.memory_space<semaphore_mem>>)
        %dma_wait3A_107 = tpu.memref_slice %arg4[%mul3A_87] : memref<819200xi32, #tpu.memory_space<hbm>> -> memref<128xi32, #tpu.memory_space<hbm>>
        %dma_wait3A_108 = tpu.memref_slice %arg4[%mul3A_87] : memref<819200xi32, #tpu.memory_space<hbm>> -> memref<128xi32, #tpu.memory_space<hbm>>
        tpu.wait_dma2 semaphore(%run_scoped3A : memref<!tpu.dma_semaphore, #tpu.memory_space<semaphore_mem>>) src(%dma_wait3A_108 : memref<128xi32, #tpu.memory_space<hbm>>) dst(%arg8 : memref<128xi32, #tpu.memory_space<vmem>>)
        tpu.yield
      }) : () -> ()
      "tpu.region"() ({
        %run_scoped3A = tpu.sem_alloc : memref<!tpu.dma_semaphore, #tpu.memory_space<semaphore_mem>>
        %dma_start3A_105 = tpu.memref_slice %arg5[%mul3A_87] : memref<819200xi32, #tpu.memory_space<hbm>> -> memref<128xi32, #tpu.memory_space<hbm>>
        %dma_start3A_106 = tpu.memref_slice %arg5[%mul3A_87] : memref<819200xi32, #tpu.memory_space<hbm>> -> memref<128xi32, #tpu.memory_space<hbm>>
        tpu.enqueue_dma source(%dma_start3A_106 : memref<128xi32, #tpu.memory_space<hbm>>) target(%arg9 : memref<128xi32, #tpu.memory_space<vmem>>) target_semaphore(%run_scoped3A : memref<!tpu.dma_semaphore, #tpu.memory_space<semaphore_mem>>)
        %dma_wait3A_107 = tpu.memref_slice %arg5[%mul3A_87] : memref<819200xi32, #tpu.memory_space<hbm>> -> memref<128xi32, #tpu.memory_space<hbm>>
        %dma_wait3A_108 = tpu.memref_slice %arg5[%mul3A_87] : memref<819200xi32, #tpu.memory_space<hbm>> -> memref<128xi32, #tpu.memory_space<hbm>>
        tpu.wait_dma2 semaphore(%run_scoped3A : memref<!tpu.dma_semaphore, #tpu.memory_space<semaphore_mem>>) src(%dma_wait3A_108 : memref<128xi32, #tpu.memory_space<hbm>>) dst(%arg9 : memref<128xi32, #tpu.memory_space<vmem>>)
        tpu.yield
      }) : () -> ()
      "tpu.region"() ({
        %run_scoped3A = tpu.sem_alloc : memref<!tpu.dma_semaphore, #tpu.memory_space<semaphore_mem>>
        %dma_start3A_105 = tpu.memref_slice %arg6[%mul3A_87] : memref<819200xf32, #tpu.memory_space<hbm>> -> memref<128xf32, #tpu.memory_space<hbm>>
        %dma_start3A_106 = tpu.memref_slice %arg6[%mul3A_87] : memref<819200xf32, #tpu.memory_space<hbm>> -> memref<128xf32, #tpu.memory_space<hbm>>
        tpu.enqueue_dma source(%dma_start3A_106 : memref<128xf32, #tpu.memory_space<hbm>>) target(%arg10 : memref<128xf32, #tpu.memory_space<vmem>>) target_semaphore(%run_scoped3A : memref<!tpu.dma_semaphore, #tpu.memory_space<semaphore_mem>>)
        %dma_wait3A_107 = tpu.memref_slice %arg6[%mul3A_87] : memref<819200xf32, #tpu.memory_space<hbm>> -> memref<128xf32, #tpu.memory_space<hbm>>
        %dma_wait3A_108 = tpu.memref_slice %arg6[%mul3A_87] : memref<819200xf32, #tpu.memory_space<hbm>> -> memref<128xf32, #tpu.memory_space<hbm>>
        tpu.wait_dma2 semaphore(%run_scoped3A : memref<!tpu.dma_semaphore, #tpu.memory_space<semaphore_mem>>) src(%dma_wait3A_108 : memref<128xf32, #tpu.memory_space<hbm>>) dst(%arg10 : memref<128xf32, #tpu.memory_space<vmem>>)
        tpu.yield
      }) : () -> ()
      %dma_start3A = arith.constant 0 : i32
      %dma_start3A_88 = arith.constant 0 : i32
      %dma_start3A_89 = tpu.memref_slice %arg7[%arg0, %dma_start3A, %dma_start3A_88] : memref<2x50048x32xf32, #tpu.memory_space<hbm>> -> memref<1x50048x32xf32, #tpu.memory_space<hbm>>
      %dma_start3A_90 = tpu.memref_squeeze %dma_start3A_89 : memref<1x50048x32xf32, #tpu.memory_space<hbm>> -> memref<50048x32xf32, #tpu.memory_space<hbm>>
      %dma_start3A_91 = arith.constant 0 : i32
      %dma_start3A_92 = arith.constant 0 : i32
      %dma_start3A_93 = tpu.memref_slice %dma_start3A_90[%dma_start3A_91, %dma_start3A_92] : memref<50048x32xf32, #tpu.memory_space<hbm>> -> memref<50048x32xf32, #tpu.memory_space<hbm>>
      tpu.enqueue_indirect_dma source(%dma_start3A_93 : memref<50048x32xf32, #tpu.memory_space<hbm>>) target(%arg11 : memref<128x32xf32, #tpu.memory_space<vmem>>) offsets(%arg8 : memref<128xi32, #tpu.memory_space<vmem>>) semaphore(%arg13 : memref<!tpu.dma_semaphore, #tpu.memory_space<semaphore_mem>>)
      %dma_wait3A = arith.constant 0 : i32
      %dma_wait3A_94 = arith.constant 0 : i32
      %dma_wait3A_95 = tpu.memref_slice %arg7[%arg0, %dma_wait3A, %dma_wait3A_94] : memref<2x50048x32xf32, #tpu.memory_space<hbm>> -> memref<1x50048x32xf32, #tpu.memory_space<hbm>>
      %dma_wait3A_96 = tpu.memref_squeeze %dma_wait3A_95 : memref<1x50048x32xf32, #tpu.memory_space<hbm>> -> memref<50048x32xf32, #tpu.memory_space<hbm>>
      %dma_wait3A_97 = arith.constant 0 : i32
      %dma_wait3A_98 = arith.constant 0 : i32
      %dma_wait3A_99 = tpu.memref_slice %dma_wait3A_96[%dma_wait3A_97, %dma_wait3A_98] : memref<50048x32xf32, #tpu.memory_space<hbm>> -> memref<50048x32xf32, #tpu.memory_space<hbm>>
      tpu.wait_indirect_dma semaphore(%arg13 : memref<!tpu.dma_semaphore, #tpu.memory_space<semaphore_mem>>) src(%dma_wait3A_99 : memref<50048x32xf32, #tpu.memory_space<hbm>>) dst(%arg11 : memref<128x32xf32, #tpu.memory_space<vmem>>)
      %scan3A_100 = arith.constant 0 : i32
      %scan3A_101 = arith.constant 128 : i32
      %scan3A_102 = arith.addi %scan3A_100, %scan3A_101 : i32
      %scan3A_103 = arith.constant 1 : i32
      scf.for %scan3A_105 = %scan3A_100 to %scan3A_102 step %scan3A_103  : i32 {
        %mul3A_106 = arith.constant 1 : i32
        %mul3A_107 = arith.muli %scan3A_105, %mul3A_106 : i32
        %add3A_108 = arith.constant 0 : i32
        %add3A_109 = arith.addi %add3A_108, %mul3A_107 : i32
        %broadcast_in_dim3A = vector.broadcast %add3A_109 : i32 to vector<16xi32>
        %gather3A = tpu.vector_load_idx %arg10[%broadcast_in_dim3A] : memref<128xf32, #tpu.memory_space<vmem>>[vector<16xi32>], vector<16xf32>,
        %mul3A_110 = arith.constant 5.000000e-01 : f32
        %mul3A_111 = vector.broadcast %mul3A_110 : f32 to vector<16xf32>
        %mul3A_112 = arith.mulf %gather3A, %mul3A_111 : vector<16xf32>
        %get3A = arith.index_cast %add3A_109 : i32 to index
        %get3A_113 = arith.constant 0 : index
        %get3A_114 = tpu.vector_load %arg11[%get3A, %get3A_113] {strides = array<i32>} : memref<128x32xf32, #tpu.memory_space<vmem>>, vector<16xf32>,
        %mul3A_115 = arith.mulf %get3A_114, %mul3A_112 : vector<16xf32>
        %swap3A = arith.index_cast %add3A_109 : i32 to index
        %swap3A_116 = arith.constant 0 : index
        %swap3A_117 = tpu.vector_load %arg11[%swap3A, %swap3A_116] {strides = array<i32>} : memref<128x32xf32, #tpu.memory_space<vmem>>, vector<16xf32>,
        tpu.vector_store %arg11[%swap3A, %swap3A_116], %mul3A_115 {strides = array<i32>} : memref<128x32xf32, #tpu.memory_space<vmem>>, vector<16xf32>,
        %get3A_118 = arith.index_cast %add3A_109 : i32 to index
        %get3A_119 = arith.constant 16 : index
        %get3A_120 = tpu.vector_load %arg11[%get3A_118, %get3A_119] {strides = array<i32>} : memref<128x32xf32, #tpu.memory_space<vmem>>, vector<16xf32>,
        %mul3A_121 = arith.mulf %get3A_120, %mul3A_112 : vector<16xf32>
        %swap3A_122 = arith.index_cast %add3A_109 : i32 to index
        %swap3A_123 = arith.constant 16 : index
        %swap3A_124 = tpu.vector_load %arg11[%swap3A_122, %swap3A_123] {strides = array<i32>} : memref<128x32xf32, #tpu.memory_space<vmem>>, vector<16xf32>,
        tpu.vector_store %arg11[%swap3A_122, %swap3A_123], %mul3A_121 {strides = array<i32>} : memref<128x32xf32, #tpu.memory_space<vmem>>, vector<16xf32>,
      }
      %scan3A_104 = arith.constant 128 : i32
      "tpu.region"() ({
        %run_scoped3A = tpu.sem_alloc : memref<!tpu.dma_semaphore, #tpu.memory_space<semaphore_mem>>
        %dma_start3A_105 = arith.constant 0 : i32
        %dma_start3A_106 = arith.constant 0 : i32
        %dma_start3A_107 = tpu.memref_slice %arg12[%dma_start3A_105, %dma_start3A_106] : memref<50048x32xf32, #tpu.memory_space<vmem_shared>> -> memref<50048x32xf32, #tpu.memory_space<vmem_shared>>
        tpu.enqueue_indirect_dma source(%arg11 : memref<128x32xf32, #tpu.memory_space<vmem>>) target(%dma_start3A_107 : memref<50048x32xf32, #tpu.memory_space<vmem_shared>>) offsets(%arg9 : memref<128xi32, #tpu.memory_space<vmem>>) semaphore(%run_scoped3A : memref<!tpu.dma_semaphore, #tpu.memory_space<semaphore_mem>>) {add = true}
        %dma_wait3A_108 = arith.constant 0 : i32
        %dma_wait3A_109 = arith.constant 0 : i32
        %dma_wait3A_110 = tpu.memref_slice %arg12[%dma_wait3A_108, %dma_wait3A_109] : memref<50048x32xf32, #tpu.memory_space<vmem_shared>> -> memref<50048x32xf32, #tpu.memory_space<vmem_shared>>
        tpu.wait_indirect_dma semaphore(%run_scoped3A : memref<!tpu.dma_semaphore, #tpu.memory_space<semaphore_mem>>) src(%arg11 : memref<128x32xf32, #tpu.memory_space<vmem>>) dst(%dma_wait3A_110 : memref<50048x32xf32, #tpu.memory_space<vmem_shared>>)
        tpu.yield
      }) : () -> ()
    }
    %scan3A_54 = arith.constant 400 : i32
    %barrier3A_55 = arith.constant 0 : index
    tpu.barrier barrier_id(%barrier3A_55)
    "tpu.region"() ({
      %run_scoped3A = tpu.sem_alloc : memref<!tpu.dma_semaphore, #tpu.memory_space<semaphore_mem>>
      %dma_start3A = arith.constant 0 : i32
      %dma_start3A_81 = arith.constant 0 : i32
      %dma_start3A_82 = tpu.memref_slice %arg7[%arg0, %dma_start3A, %dma_start3A_81] : memref<2x50048x32xf32, #tpu.memory_space<hbm>> -> memref<1x50048x32xf32, #tpu.memory_space<hbm>>
      %dma_start3A_83 = tpu.memref_squeeze %dma_start3A_82 : memref<1x50048x32xf32, #tpu.memory_space<hbm>> -> memref<50048x32xf32, #tpu.memory_space<hbm>>
      %dma_start3A_84 = arith.constant 0 : i32
      %dma_start3A_85 = tpu.memref_slice %dma_start3A_83[%mul3A_0, %dma_start3A_84] : memref<50048x32xf32, #tpu.memory_space<hbm>> -> memref<3128x32xf32, #tpu.memory_space<hbm>>
      %dma_start3A_86 = arith.constant 0 : i32
      %dma_start3A_87 = tpu.memref_slice %arg12[%mul3A_0, %dma_start3A_86] : memref<50048x32xf32, #tpu.memory_space<vmem_shared>> -> memref<3128x32xf32, #tpu.memory_space<vmem_shared>>
      tpu.enqueue_dma source(%dma_start3A_87 : memref<3128x32xf32, #tpu.memory_space<vmem_shared>>) target(%dma_start3A_85 : memref<3128x32xf32, #tpu.memory_space<hbm>>) target_semaphore(%run_scoped3A : memref<!tpu.dma_semaphore, #tpu.memory_space<semaphore_mem>>)
      %dma_wait3A = arith.constant 0 : i32
      %dma_wait3A_88 = arith.constant 0 : i32
      %dma_wait3A_89 = tpu.memref_slice %arg7[%arg0, %dma_wait3A, %dma_wait3A_88] : memref<2x50048x32xf32, #tpu.memory_space<hbm>> -> memref<1x50048x32xf32, #tpu.memory_space<hbm>>
      %dma_wait3A_90 = tpu.memref_squeeze %dma_wait3A_89 : memref<1x50048x32xf32, #tpu.memory_space<hbm>> -> memref<50048x32xf32, #tpu.memory_space<hbm>>
      %dma_wait3A_91 = arith.constant 0 : i32
      %dma_wait3A_92 = tpu.memref_slice %dma_wait3A_90[%mul3A_0, %dma_wait3A_91] : memref<50048x32xf32, #tpu.memory_space<hbm>> -> memref<3128x32xf32, #tpu.memory_space<hbm>>
      %dma_wait3A_93 = arith.constant 0 : i32
      %dma_wait3A_94 = tpu.memref_slice %arg12[%mul3A_0, %dma_wait3A_93] : memref<50048x32xf32, #tpu.memory_space<vmem_shared>> -> memref<3128x32xf32, #tpu.memory_space<vmem_shared>>
      tpu.wait_dma2 semaphore(%run_scoped3A : memref<!tpu.dma_semaphore, #tpu.memory_space<semaphore_mem>>) src(%dma_wait3A_94 : memref<3128x32xf32, #tpu.memory_space<vmem_shared>>) dst(%dma_wait3A_92 : memref<3128x32xf32, #tpu.memory_space<hbm>>)
      tpu.yield
    }) : () -> ()
    %barrier3A_56 = arith.constant 0 : index
    tpu.barrier barrier_id(%barrier3A_56)
    "tpu.region"() ({
      %run_scoped3A = tpu.sem_alloc : memref<!tpu.dma_semaphore, #tpu.memory_space<semaphore_mem>>
      %dma_start3A = arith.constant 0 : i32
      %dma_start3A_81 = tpu.memref_slice %arg12[%mul3A_0, %dma_start3A] : memref<50048x32xf32, #tpu.memory_space<vmem_shared>> -> memref<3128x32xf32, #tpu.memory_space<vmem_shared>>
      %dma_start3A_82 = arith.constant 0 : i32
      %dma_start3A_83 = arith.constant 0 : i32
      %dma_start3A_84 = tpu.memref_slice %arg3[%arg0, %dma_start3A_82, %dma_start3A_83] : memref<2x50048x32xf32, #tpu.memory_space<hbm>> -> memref<1x50048x32xf32, #tpu.memory_space<hbm>>
      %dma_start3A_85 = tpu.memref_squeeze %dma_start3A_84 : memref<1x50048x32xf32, #tpu.memory_space<hbm>> -> memref<50048x32xf32, #tpu.memory_space<hbm>>
      %dma_start3A_86 = arith.constant 0 : i32
      %dma_start3A_87 = tpu.memref_slice %dma_start3A_85[%mul3A_0, %dma_start3A_86] : memref<50048x32xf32, #tpu.memory_space<hbm>> -> memref<3128x32xf32, #tpu.memory_space<hbm>>
      tpu.enqueue_dma source(%dma_start3A_87 : memref<3128x32xf32, #tpu.memory_space<hbm>>) target(%dma_start3A_81 : memref<3128x32xf32, #tpu.memory_space<vmem_shared>>) target_semaphore(%run_scoped3A : memref<!tpu.dma_semaphore, #tpu.memory_space<semaphore_mem>>)
      %dma_wait3A = arith.constant 0 : i32
      %dma_wait3A_88 = tpu.memref_slice %arg12[%mul3A_0, %dma_wait3A] : memref<50048x32xf32, #tpu.memory_space<vmem_shared>> -> memref<3128x32xf32, #tpu.memory_space<vmem_shared>>
      %dma_wait3A_89 = arith.constant 0 : i32
      %dma_wait3A_90 = arith.constant 0 : i32
      %dma_wait3A_91 = tpu.memref_slice %arg3[%arg0, %dma_wait3A_89, %dma_wait3A_90] : memref<2x50048x32xf32, #tpu.memory_space<hbm>> -> memref<1x50048x32xf32, #tpu.memory_space<hbm>>
      %dma_wait3A_92 = tpu.memref_squeeze %dma_wait3A_91 : memref<1x50048x32xf32, #tpu.memory_space<hbm>> -> memref<50048x32xf32, #tpu.memory_space<hbm>>
      %dma_wait3A_93 = arith.constant 0 : i32
      %dma_wait3A_94 = tpu.memref_slice %dma_wait3A_92[%mul3A_0, %dma_wait3A_93] : memref<50048x32xf32, #tpu.memory_space<hbm>> -> memref<3128x32xf32, #tpu.memory_space<hbm>>
      tpu.wait_dma2 semaphore(%run_scoped3A : memref<!tpu.dma_semaphore, #tpu.memory_space<semaphore_mem>>) src(%dma_wait3A_94 : memref<3128x32xf32, #tpu.memory_space<hbm>>) dst(%dma_wait3A_88 : memref<3128x32xf32, #tpu.memory_space<vmem_shared>>)
      tpu.yield
    }) : () -> ()
    %barrier3A_57 = arith.constant 0 : index
    tpu.barrier barrier_id(%barrier3A_57)
    %scan3A_58 = arith.constant 0 : i32
    %scan3A_59 = arith.constant 400 : i32
    %scan3A_60 = arith.addi %scan3A_58, %scan3A_59 : i32
    %scan3A_61 = arith.constant 1 : i32
    scf.for %scan3A_81 = %scan3A_58 to %scan3A_60 step %scan3A_61  : i32 {
      %mul3A_82 = arith.constant 1 : i32
      %mul3A_83 = arith.muli %scan3A_81, %mul3A_82 : i32
      %add3A = arith.constant 0 : i32
      %add3A_84 = arith.addi %add3A, %mul3A_83 : i32
      %add3A_85 = arith.addi %mul3A_2, %add3A_84 : i32
      %mul3A_86 = arith.constant 128 : i32
      %mul3A_87 = arith.muli %add3A_85, %mul3A_86 : i32
      "tpu.region"() ({
        %run_scoped3A = tpu.sem_alloc : memref<!tpu.dma_semaphore, #tpu.memory_space<semaphore_mem>>
        %dma_start3A_105 = tpu.memref_slice %arg4[%mul3A_87] : memref<819200xi32, #tpu.memory_space<hbm>> -> memref<128xi32, #tpu.memory_space<hbm>>
        %dma_start3A_106 = tpu.memref_slice %arg4[%mul3A_87] : memref<819200xi32, #tpu.memory_space<hbm>> -> memref<128xi32, #tpu.memory_space<hbm>>
        tpu.enqueue_dma source(%dma_start3A_106 : memref<128xi32, #tpu.memory_space<hbm>>) target(%arg8 : memref<128xi32, #tpu.memory_space<vmem>>) target_semaphore(%run_scoped3A : memref<!tpu.dma_semaphore, #tpu.memory_space<semaphore_mem>>)
        %dma_wait3A_107 = tpu.memref_slice %arg4[%mul3A_87] : memref<819200xi32, #tpu.memory_space<hbm>> -> memref<128xi32, #tpu.memory_space<hbm>>
        %dma_wait3A_108 = tpu.memref_slice %arg4[%mul3A_87] : memref<819200xi32, #tpu.memory_space<hbm>> -> memref<128xi32, #tpu.memory_space<hbm>>
        tpu.wait_dma2 semaphore(%run_scoped3A : memref<!tpu.dma_semaphore, #tpu.memory_space<semaphore_mem>>) src(%dma_wait3A_108 : memref<128xi32, #tpu.memory_space<hbm>>) dst(%arg8 : memref<128xi32, #tpu.memory_space<vmem>>)
        tpu.yield
      }) : () -> ()
      "tpu.region"() ({
        %run_scoped3A = tpu.sem_alloc : memref<!tpu.dma_semaphore, #tpu.memory_space<semaphore_mem>>
        %dma_start3A_105 = tpu.memref_slice %arg5[%mul3A_87] : memref<819200xi32, #tpu.memory_space<hbm>> -> memref<128xi32, #tpu.memory_space<hbm>>
        %dma_start3A_106 = tpu.memref_slice %arg5[%mul3A_87] : memref<819200xi32, #tpu.memory_space<hbm>> -> memref<128xi32, #tpu.memory_space<hbm>>
        tpu.enqueue_dma source(%dma_start3A_106 : memref<128xi32, #tpu.memory_space<hbm>>) target(%arg9 : memref<128xi32, #tpu.memory_space<vmem>>) target_semaphore(%run_scoped3A : memref<!tpu.dma_semaphore, #tpu.memory_space<semaphore_mem>>)
        %dma_wait3A_107 = tpu.memref_slice %arg5[%mul3A_87] : memref<819200xi32, #tpu.memory_space<hbm>> -> memref<128xi32, #tpu.memory_space<hbm>>
        %dma_wait3A_108 = tpu.memref_slice %arg5[%mul3A_87] : memref<819200xi32, #tpu.memory_space<hbm>> -> memref<128xi32, #tpu.memory_space<hbm>>
        tpu.wait_dma2 semaphore(%run_scoped3A : memref<!tpu.dma_semaphore, #tpu.memory_space<semaphore_mem>>) src(%dma_wait3A_108 : memref<128xi32, #tpu.memory_space<hbm>>) dst(%arg9 : memref<128xi32, #tpu.memory_space<vmem>>)
        tpu.yield
      }) : () -> ()
      "tpu.region"() ({
        %run_scoped3A = tpu.sem_alloc : memref<!tpu.dma_semaphore, #tpu.memory_space<semaphore_mem>>
        %dma_start3A_105 = tpu.memref_slice %arg6[%mul3A_87] : memref<819200xf32, #tpu.memory_space<hbm>> -> memref<128xf32, #tpu.memory_space<hbm>>
        %dma_start3A_106 = tpu.memref_slice %arg6[%mul3A_87] : memref<819200xf32, #tpu.memory_space<hbm>> -> memref<128xf32, #tpu.memory_space<hbm>>
        tpu.enqueue_dma source(%dma_start3A_106 : memref<128xf32, #tpu.memory_space<hbm>>) target(%arg10 : memref<128xf32, #tpu.memory_space<vmem>>) target_semaphore(%run_scoped3A : memref<!tpu.dma_semaphore, #tpu.memory_space<semaphore_mem>>)
        %dma_wait3A_107 = tpu.memref_slice %arg6[%mul3A_87] : memref<819200xf32, #tpu.memory_space<hbm>> -> memref<128xf32, #tpu.memory_space<hbm>>
        %dma_wait3A_108 = tpu.memref_slice %arg6[%mul3A_87] : memref<819200xf32, #tpu.memory_space<hbm>> -> memref<128xf32, #tpu.memory_space<hbm>>
        tpu.wait_dma2 semaphore(%run_scoped3A : memref<!tpu.dma_semaphore, #tpu.memory_space<semaphore_mem>>) src(%dma_wait3A_108 : memref<128xf32, #tpu.memory_space<hbm>>) dst(%arg10 : memref<128xf32, #tpu.memory_space<vmem>>)
        tpu.yield
      }) : () -> ()
      %dma_start3A = arith.constant 0 : i32
      %dma_start3A_88 = arith.constant 0 : i32
      %dma_start3A_89 = tpu.memref_slice %arg7[%arg0, %dma_start3A, %dma_start3A_88] : memref<2x50048x32xf32, #tpu.memory_space<hbm>> -> memref<1x50048x32xf32, #tpu.memory_space<hbm>>
      %dma_start3A_90 = tpu.memref_squeeze %dma_start3A_89 : memref<1x50048x32xf32, #tpu.memory_space<hbm>> -> memref<50048x32xf32, #tpu.memory_space<hbm>>
      %dma_start3A_91 = arith.constant 0 : i32
      %dma_start3A_92 = arith.constant 0 : i32
      %dma_start3A_93 = tpu.memref_slice %dma_start3A_90[%dma_start3A_91, %dma_start3A_92] : memref<50048x32xf32, #tpu.memory_space<hbm>> -> memref<50048x32xf32, #tpu.memory_space<hbm>>
      tpu.enqueue_indirect_dma source(%dma_start3A_93 : memref<50048x32xf32, #tpu.memory_space<hbm>>) target(%arg11 : memref<128x32xf32, #tpu.memory_space<vmem>>) offsets(%arg8 : memref<128xi32, #tpu.memory_space<vmem>>) semaphore(%arg13 : memref<!tpu.dma_semaphore, #tpu.memory_space<semaphore_mem>>)
      %dma_wait3A = arith.constant 0 : i32
      %dma_wait3A_94 = arith.constant 0 : i32
      %dma_wait3A_95 = tpu.memref_slice %arg7[%arg0, %dma_wait3A, %dma_wait3A_94] : memref<2x50048x32xf32, #tpu.memory_space<hbm>> -> memref<1x50048x32xf32, #tpu.memory_space<hbm>>
      %dma_wait3A_96 = tpu.memref_squeeze %dma_wait3A_95 : memref<1x50048x32xf32, #tpu.memory_space<hbm>> -> memref<50048x32xf32, #tpu.memory_space<hbm>>
      %dma_wait3A_97 = arith.constant 0 : i32
      %dma_wait3A_98 = arith.constant 0 : i32
      %dma_wait3A_99 = tpu.memref_slice %dma_wait3A_96[%dma_wait3A_97, %dma_wait3A_98] : memref<50048x32xf32, #tpu.memory_space<hbm>> -> memref<50048x32xf32, #tpu.memory_space<hbm>>
      tpu.wait_indirect_dma semaphore(%arg13 : memref<!tpu.dma_semaphore, #tpu.memory_space<semaphore_mem>>) src(%dma_wait3A_99 : memref<50048x32xf32, #tpu.memory_space<hbm>>) dst(%arg11 : memref<128x32xf32, #tpu.memory_space<vmem>>)
      %scan3A_100 = arith.constant 0 : i32
      %scan3A_101 = arith.constant 128 : i32
      %scan3A_102 = arith.addi %scan3A_100, %scan3A_101 : i32
      %scan3A_103 = arith.constant 1 : i32
      scf.for %scan3A_105 = %scan3A_100 to %scan3A_102 step %scan3A_103  : i32 {
        %mul3A_106 = arith.constant 1 : i32
        %mul3A_107 = arith.muli %scan3A_105, %mul3A_106 : i32
        %add3A_108 = arith.constant 0 : i32
        %add3A_109 = arith.addi %add3A_108, %mul3A_107 : i32
        %broadcast_in_dim3A = vector.broadcast %add3A_109 : i32 to vector<16xi32>
        %gather3A = tpu.vector_load_idx %arg10[%broadcast_in_dim3A] : memref<128xf32, #tpu.memory_space<vmem>>[vector<16xi32>], vector<16xf32>,
        %mul3A_110 = arith.constant 5.000000e-01 : f32
        %mul3A_111 = vector.broadcast %mul3A_110 : f32 to vector<16xf32>
        %mul3A_112 = arith.mulf %gather3A, %mul3A_111 : vector<16xf32>
        %get3A = arith.index_cast %add3A_109 : i32 to index
        %get3A_113 = arith.constant 0 : index
        %get3A_114 = tpu.vector_load %arg11[%get3A, %get3A_113] {strides = array<i32>} : memref<128x32xf32, #tpu.memory_space<vmem>>, vector<16xf32>,
        %mul3A_115 = arith.mulf %get3A_114, %mul3A_112 : vector<16xf32>
        %swap3A = arith.index_cast %add3A_109 : i32 to index
        %swap3A_116 = arith.constant 0 : index
        %swap3A_117 = tpu.vector_load %arg11[%swap3A, %swap3A_116] {strides = array<i32>} : memref<128x32xf32, #tpu.memory_space<vmem>>, vector<16xf32>,
        tpu.vector_store %arg11[%swap3A, %swap3A_116], %mul3A_115 {strides = array<i32>} : memref<128x32xf32, #tpu.memory_space<vmem>>, vector<16xf32>,
        %get3A_118 = arith.index_cast %add3A_109 : i32 to index
        %get3A_119 = arith.constant 16 : index
        %get3A_120 = tpu.vector_load %arg11[%get3A_118, %get3A_119] {strides = array<i32>} : memref<128x32xf32, #tpu.memory_space<vmem>>, vector<16xf32>,
        %mul3A_121 = arith.mulf %get3A_120, %mul3A_112 : vector<16xf32>
        %swap3A_122 = arith.index_cast %add3A_109 : i32 to index
        %swap3A_123 = arith.constant 16 : index
        %swap3A_124 = tpu.vector_load %arg11[%swap3A_122, %swap3A_123] {strides = array<i32>} : memref<128x32xf32, #tpu.memory_space<vmem>>, vector<16xf32>,
        tpu.vector_store %arg11[%swap3A_122, %swap3A_123], %mul3A_121 {strides = array<i32>} : memref<128x32xf32, #tpu.memory_space<vmem>>, vector<16xf32>,
      }
      %scan3A_104 = arith.constant 128 : i32
      "tpu.region"() ({
        %run_scoped3A = tpu.sem_alloc : memref<!tpu.dma_semaphore, #tpu.memory_space<semaphore_mem>>
        %dma_start3A_105 = arith.constant 0 : i32
        %dma_start3A_106 = arith.constant 0 : i32
        %dma_start3A_107 = tpu.memref_slice %arg12[%dma_start3A_105, %dma_start3A_106] : memref<50048x32xf32, #tpu.memory_space<vmem_shared>> -> memref<50048x32xf32, #tpu.memory_space<vmem_shared>>
        tpu.enqueue_indirect_dma source(%arg11 : memref<128x32xf32, #tpu.memory_space<vmem>>) target(%dma_start3A_107 : memref<50048x32xf32, #tpu.memory_space<vmem_shared>>) offsets(%arg9 : memref<128xi32, #tpu.memory_space<vmem>>) semaphore(%run_scoped3A : memref<!tpu.dma_semaphore, #tpu.memory_space<semaphore_mem>>) {add = true}
        %dma_wait3A_108 = arith.constant 0 : i32
        %dma_wait3A_109 = arith.constant 0 : i32
        %dma_wait3A_110 = tpu.memref_slice %arg12[%dma_wait3A_108, %dma_wait3A_109] : memref<50048x32xf32, #tpu.memory_space<vmem_shared>> -> memref<50048x32xf32, #tpu.memory_space<vmem_shared>>
        tpu.wait_indirect_dma semaphore(%run_scoped3A : memref<!tpu.dma_semaphore, #tpu.memory_space<semaphore_mem>>) src(%arg11 : memref<128x32xf32, #tpu.memory_space<vmem>>) dst(%dma_wait3A_110 : memref<50048x32xf32, #tpu.memory_space<vmem_shared>>)
        tpu.yield
      }) : () -> ()
    }
    %scan3A_62 = arith.constant 400 : i32
    %barrier3A_63 = arith.constant 0 : index
    tpu.barrier barrier_id(%barrier3A_63)
    "tpu.region"() ({
      %run_scoped3A = tpu.sem_alloc : memref<!tpu.dma_semaphore, #tpu.memory_space<semaphore_mem>>
      %dma_start3A = arith.constant 0 : i32
      %dma_start3A_81 = arith.constant 0 : i32
      %dma_start3A_82 = tpu.memref_slice %arg7[%arg0, %dma_start3A, %dma_start3A_81] : memref<2x50048x32xf32, #tpu.memory_space<hbm>> -> memref<1x50048x32xf32, #tpu.memory_space<hbm>>
      %dma_start3A_83 = tpu.memref_squeeze %dma_start3A_82 : memref<1x50048x32xf32, #tpu.memory_space<hbm>> -> memref<50048x32xf32, #tpu.memory_space<hbm>>
      %dma_start3A_84 = arith.constant 0 : i32
      %dma_start3A_85 = tpu.memref_slice %dma_start3A_83[%mul3A_0, %dma_start3A_84] : memref<50048x32xf32, #tpu.memory_space<hbm>> -> memref<3128x32xf32, #tpu.memory_space<hbm>>
      %dma_start3A_86 = arith.constant 0 : i32
      %dma_start3A_87 = tpu.memref_slice %arg12[%mul3A_0, %dma_start3A_86] : memref<50048x32xf32, #tpu.memory_space<vmem_shared>> -> memref<3128x32xf32, #tpu.memory_space<vmem_shared>>
      tpu.enqueue_dma source(%dma_start3A_87 : memref<3128x32xf32, #tpu.memory_space<vmem_shared>>) target(%dma_start3A_85 : memref<3128x32xf32, #tpu.memory_space<hbm>>) target_semaphore(%run_scoped3A : memref<!tpu.dma_semaphore, #tpu.memory_space<semaphore_mem>>)
      %dma_wait3A = arith.constant 0 : i32
      %dma_wait3A_88 = arith.constant 0 : i32
      %dma_wait3A_89 = tpu.memref_slice %arg7[%arg0, %dma_wait3A, %dma_wait3A_88] : memref<2x50048x32xf32, #tpu.memory_space<hbm>> -> memref<1x50048x32xf32, #tpu.memory_space<hbm>>
      %dma_wait3A_90 = tpu.memref_squeeze %dma_wait3A_89 : memref<1x50048x32xf32, #tpu.memory_space<hbm>> -> memref<50048x32xf32, #tpu.memory_space<hbm>>
      %dma_wait3A_91 = arith.constant 0 : i32
      %dma_wait3A_92 = tpu.memref_slice %dma_wait3A_90[%mul3A_0, %dma_wait3A_91] : memref<50048x32xf32, #tpu.memory_space<hbm>> -> memref<3128x32xf32, #tpu.memory_space<hbm>>
      %dma_wait3A_93 = arith.constant 0 : i32
      %dma_wait3A_94 = tpu.memref_slice %arg12[%mul3A_0, %dma_wait3A_93] : memref<50048x32xf32, #tpu.memory_space<vmem_shared>> -> memref<3128x32xf32, #tpu.memory_space<vmem_shared>>
      tpu.wait_dma2 semaphore(%run_scoped3A : memref<!tpu.dma_semaphore, #tpu.memory_space<semaphore_mem>>) src(%dma_wait3A_94 : memref<3128x32xf32, #tpu.memory_space<vmem_shared>>) dst(%dma_wait3A_92 : memref<3128x32xf32, #tpu.memory_space<hbm>>)
      tpu.yield
    }) : () -> ()
    %barrier3A_64 = arith.constant 0 : index
    tpu.barrier barrier_id(%barrier3A_64)
    "tpu.region"() ({
      %run_scoped3A = tpu.sem_alloc : memref<!tpu.dma_semaphore, #tpu.memory_space<semaphore_mem>>
      %dma_start3A = arith.constant 0 : i32
      %dma_start3A_81 = tpu.memref_slice %arg12[%mul3A_0, %dma_start3A] : memref<50048x32xf32, #tpu.memory_space<vmem_shared>> -> memref<3128x32xf32, #tpu.memory_space<vmem_shared>>
      %dma_start3A_82 = arith.constant 0 : i32
      %dma_start3A_83 = arith.constant 0 : i32
      %dma_start3A_84 = tpu.memref_slice %arg3[%arg0, %dma_start3A_82, %dma_start3A_83] : memref<2x50048x32xf32, #tpu.memory_space<hbm>> -> memref<1x50048x32xf32, #tpu.memory_space<hbm>>
      %dma_start3A_85 = tpu.memref_squeeze %dma_start3A_84 : memref<1x50048x32xf32, #tpu.memory_space<hbm>> -> memref<50048x32xf32, #tpu.memory_space<hbm>>
      %dma_start3A_86 = arith.constant 0 : i32
      %dma_start3A_87 = tpu.memref_slice %dma_start3A_85[%mul3A_0, %dma_start3A_86] : memref<50048x32xf32, #tpu.memory_space<hbm>> -> memref<3128x32xf32, #tpu.memory_space<hbm>>
      tpu.enqueue_dma source(%dma_start3A_87 : memref<3128x32xf32, #tpu.memory_space<hbm>>) target(%dma_start3A_81 : memref<3128x32xf32, #tpu.memory_space<vmem_shared>>) target_semaphore(%run_scoped3A : memref<!tpu.dma_semaphore, #tpu.memory_space<semaphore_mem>>)
      %dma_wait3A = arith.constant 0 : i32
      %dma_wait3A_88 = tpu.memref_slice %arg12[%mul3A_0, %dma_wait3A] : memref<50048x32xf32, #tpu.memory_space<vmem_shared>> -> memref<3128x32xf32, #tpu.memory_space<vmem_shared>>
      %dma_wait3A_89 = arith.constant 0 : i32
      %dma_wait3A_90 = arith.constant 0 : i32
      %dma_wait3A_91 = tpu.memref_slice %arg3[%arg0, %dma_wait3A_89, %dma_wait3A_90] : memref<2x50048x32xf32, #tpu.memory_space<hbm>> -> memref<1x50048x32xf32, #tpu.memory_space<hbm>>
      %dma_wait3A_92 = tpu.memref_squeeze %dma_wait3A_91 : memref<1x50048x32xf32, #tpu.memory_space<hbm>> -> memref<50048x32xf32, #tpu.memory_space<hbm>>
      %dma_wait3A_93 = arith.constant 0 : i32
      %dma_wait3A_94 = tpu.memref_slice %dma_wait3A_92[%mul3A_0, %dma_wait3A_93] : memref<50048x32xf32, #tpu.memory_space<hbm>> -> memref<3128x32xf32, #tpu.memory_space<hbm>>
      tpu.wait_dma2 semaphore(%run_scoped3A : memref<!tpu.dma_semaphore, #tpu.memory_space<semaphore_mem>>) src(%dma_wait3A_94 : memref<3128x32xf32, #tpu.memory_space<hbm>>) dst(%dma_wait3A_88 : memref<3128x32xf32, #tpu.memory_space<vmem_shared>>)
      tpu.yield
    }) : () -> ()
    %barrier3A_65 = arith.constant 0 : index
    tpu.barrier barrier_id(%barrier3A_65)
    %scan3A_66 = arith.constant 0 : i32
    %scan3A_67 = arith.constant 400 : i32
    %scan3A_68 = arith.addi %scan3A_66, %scan3A_67 : i32
    %scan3A_69 = arith.constant 1 : i32
    scf.for %scan3A_81 = %scan3A_66 to %scan3A_68 step %scan3A_69  : i32 {
      %mul3A_82 = arith.constant 1 : i32
      %mul3A_83 = arith.muli %scan3A_81, %mul3A_82 : i32
      %add3A = arith.constant 0 : i32
      %add3A_84 = arith.addi %add3A, %mul3A_83 : i32
      %add3A_85 = arith.addi %mul3A_2, %add3A_84 : i32
      %mul3A_86 = arith.constant 128 : i32
      %mul3A_87 = arith.muli %add3A_85, %mul3A_86 : i32
      "tpu.region"() ({
        %run_scoped3A = tpu.sem_alloc : memref<!tpu.dma_semaphore, #tpu.memory_space<semaphore_mem>>
        %dma_start3A_105 = tpu.memref_slice %arg4[%mul3A_87] : memref<819200xi32, #tpu.memory_space<hbm>> -> memref<128xi32, #tpu.memory_space<hbm>>
        %dma_start3A_106 = tpu.memref_slice %arg4[%mul3A_87] : memref<819200xi32, #tpu.memory_space<hbm>> -> memref<128xi32, #tpu.memory_space<hbm>>
        tpu.enqueue_dma source(%dma_start3A_106 : memref<128xi32, #tpu.memory_space<hbm>>) target(%arg8 : memref<128xi32, #tpu.memory_space<vmem>>) target_semaphore(%run_scoped3A : memref<!tpu.dma_semaphore, #tpu.memory_space<semaphore_mem>>)
        %dma_wait3A_107 = tpu.memref_slice %arg4[%mul3A_87] : memref<819200xi32, #tpu.memory_space<hbm>> -> memref<128xi32, #tpu.memory_space<hbm>>
        %dma_wait3A_108 = tpu.memref_slice %arg4[%mul3A_87] : memref<819200xi32, #tpu.memory_space<hbm>> -> memref<128xi32, #tpu.memory_space<hbm>>
        tpu.wait_dma2 semaphore(%run_scoped3A : memref<!tpu.dma_semaphore, #tpu.memory_space<semaphore_mem>>) src(%dma_wait3A_108 : memref<128xi32, #tpu.memory_space<hbm>>) dst(%arg8 : memref<128xi32, #tpu.memory_space<vmem>>)
        tpu.yield
      }) : () -> ()
      "tpu.region"() ({
        %run_scoped3A = tpu.sem_alloc : memref<!tpu.dma_semaphore, #tpu.memory_space<semaphore_mem>>
        %dma_start3A_105 = tpu.memref_slice %arg5[%mul3A_87] : memref<819200xi32, #tpu.memory_space<hbm>> -> memref<128xi32, #tpu.memory_space<hbm>>
        %dma_start3A_106 = tpu.memref_slice %arg5[%mul3A_87] : memref<819200xi32, #tpu.memory_space<hbm>> -> memref<128xi32, #tpu.memory_space<hbm>>
        tpu.enqueue_dma source(%dma_start3A_106 : memref<128xi32, #tpu.memory_space<hbm>>) target(%arg9 : memref<128xi32, #tpu.memory_space<vmem>>) target_semaphore(%run_scoped3A : memref<!tpu.dma_semaphore, #tpu.memory_space<semaphore_mem>>)
        %dma_wait3A_107 = tpu.memref_slice %arg5[%mul3A_87] : memref<819200xi32, #tpu.memory_space<hbm>> -> memref<128xi32, #tpu.memory_space<hbm>>
        %dma_wait3A_108 = tpu.memref_slice %arg5[%mul3A_87] : memref<819200xi32, #tpu.memory_space<hbm>> -> memref<128xi32, #tpu.memory_space<hbm>>
        tpu.wait_dma2 semaphore(%run_scoped3A : memref<!tpu.dma_semaphore, #tpu.memory_space<semaphore_mem>>) src(%dma_wait3A_108 : memref<128xi32, #tpu.memory_space<hbm>>) dst(%arg9 : memref<128xi32, #tpu.memory_space<vmem>>)
        tpu.yield
      }) : () -> ()
      "tpu.region"() ({
        %run_scoped3A = tpu.sem_alloc : memref<!tpu.dma_semaphore, #tpu.memory_space<semaphore_mem>>
        %dma_start3A_105 = tpu.memref_slice %arg6[%mul3A_87] : memref<819200xf32, #tpu.memory_space<hbm>> -> memref<128xf32, #tpu.memory_space<hbm>>
        %dma_start3A_106 = tpu.memref_slice %arg6[%mul3A_87] : memref<819200xf32, #tpu.memory_space<hbm>> -> memref<128xf32, #tpu.memory_space<hbm>>
        tpu.enqueue_dma source(%dma_start3A_106 : memref<128xf32, #tpu.memory_space<hbm>>) target(%arg10 : memref<128xf32, #tpu.memory_space<vmem>>) target_semaphore(%run_scoped3A : memref<!tpu.dma_semaphore, #tpu.memory_space<semaphore_mem>>)
        %dma_wait3A_107 = tpu.memref_slice %arg6[%mul3A_87] : memref<819200xf32, #tpu.memory_space<hbm>> -> memref<128xf32, #tpu.memory_space<hbm>>
        %dma_wait3A_108 = tpu.memref_slice %arg6[%mul3A_87] : memref<819200xf32, #tpu.memory_space<hbm>> -> memref<128xf32, #tpu.memory_space<hbm>>
        tpu.wait_dma2 semaphore(%run_scoped3A : memref<!tpu.dma_semaphore, #tpu.memory_space<semaphore_mem>>) src(%dma_wait3A_108 : memref<128xf32, #tpu.memory_space<hbm>>) dst(%arg10 : memref<128xf32, #tpu.memory_space<vmem>>)
        tpu.yield
      }) : () -> ()
      %dma_start3A = arith.constant 0 : i32
      %dma_start3A_88 = arith.constant 0 : i32
      %dma_start3A_89 = tpu.memref_slice %arg7[%arg0, %dma_start3A, %dma_start3A_88] : memref<2x50048x32xf32, #tpu.memory_space<hbm>> -> memref<1x50048x32xf32, #tpu.memory_space<hbm>>
      %dma_start3A_90 = tpu.memref_squeeze %dma_start3A_89 : memref<1x50048x32xf32, #tpu.memory_space<hbm>> -> memref<50048x32xf32, #tpu.memory_space<hbm>>
      %dma_start3A_91 = arith.constant 0 : i32
      %dma_start3A_92 = arith.constant 0 : i32
      %dma_start3A_93 = tpu.memref_slice %dma_start3A_90[%dma_start3A_91, %dma_start3A_92] : memref<50048x32xf32, #tpu.memory_space<hbm>> -> memref<50048x32xf32, #tpu.memory_space<hbm>>
      tpu.enqueue_indirect_dma source(%dma_start3A_93 : memref<50048x32xf32, #tpu.memory_space<hbm>>) target(%arg11 : memref<128x32xf32, #tpu.memory_space<vmem>>) offsets(%arg8 : memref<128xi32, #tpu.memory_space<vmem>>) semaphore(%arg13 : memref<!tpu.dma_semaphore, #tpu.memory_space<semaphore_mem>>)
      %dma_wait3A = arith.constant 0 : i32
      %dma_wait3A_94 = arith.constant 0 : i32
      %dma_wait3A_95 = tpu.memref_slice %arg7[%arg0, %dma_wait3A, %dma_wait3A_94] : memref<2x50048x32xf32, #tpu.memory_space<hbm>> -> memref<1x50048x32xf32, #tpu.memory_space<hbm>>
      %dma_wait3A_96 = tpu.memref_squeeze %dma_wait3A_95 : memref<1x50048x32xf32, #tpu.memory_space<hbm>> -> memref<50048x32xf32, #tpu.memory_space<hbm>>
      %dma_wait3A_97 = arith.constant 0 : i32
      %dma_wait3A_98 = arith.constant 0 : i32
      %dma_wait3A_99 = tpu.memref_slice %dma_wait3A_96[%dma_wait3A_97, %dma_wait3A_98] : memref<50048x32xf32, #tpu.memory_space<hbm>> -> memref<50048x32xf32, #tpu.memory_space<hbm>>
      tpu.wait_indirect_dma semaphore(%arg13 : memref<!tpu.dma_semaphore, #tpu.memory_space<semaphore_mem>>) src(%dma_wait3A_99 : memref<50048x32xf32, #tpu.memory_space<hbm>>) dst(%arg11 : memref<128x32xf32, #tpu.memory_space<vmem>>)
      %scan3A_100 = arith.constant 0 : i32
      %scan3A_101 = arith.constant 128 : i32
      %scan3A_102 = arith.addi %scan3A_100, %scan3A_101 : i32
      %scan3A_103 = arith.constant 1 : i32
      scf.for %scan3A_105 = %scan3A_100 to %scan3A_102 step %scan3A_103  : i32 {
        %mul3A_106 = arith.constant 1 : i32
        %mul3A_107 = arith.muli %scan3A_105, %mul3A_106 : i32
        %add3A_108 = arith.constant 0 : i32
        %add3A_109 = arith.addi %add3A_108, %mul3A_107 : i32
        %broadcast_in_dim3A = vector.broadcast %add3A_109 : i32 to vector<16xi32>
        %gather3A = tpu.vector_load_idx %arg10[%broadcast_in_dim3A] : memref<128xf32, #tpu.memory_space<vmem>>[vector<16xi32>], vector<16xf32>,
        %mul3A_110 = arith.constant 5.000000e-01 : f32
        %mul3A_111 = vector.broadcast %mul3A_110 : f32 to vector<16xf32>
        %mul3A_112 = arith.mulf %gather3A, %mul3A_111 : vector<16xf32>
        %get3A = arith.index_cast %add3A_109 : i32 to index
        %get3A_113 = arith.constant 0 : index
        %get3A_114 = tpu.vector_load %arg11[%get3A, %get3A_113] {strides = array<i32>} : memref<128x32xf32, #tpu.memory_space<vmem>>, vector<16xf32>,
        %mul3A_115 = arith.mulf %get3A_114, %mul3A_112 : vector<16xf32>
        %swap3A = arith.index_cast %add3A_109 : i32 to index
        %swap3A_116 = arith.constant 0 : index
        %swap3A_117 = tpu.vector_load %arg11[%swap3A, %swap3A_116] {strides = array<i32>} : memref<128x32xf32, #tpu.memory_space<vmem>>, vector<16xf32>,
        tpu.vector_store %arg11[%swap3A, %swap3A_116], %mul3A_115 {strides = array<i32>} : memref<128x32xf32, #tpu.memory_space<vmem>>, vector<16xf32>,
        %get3A_118 = arith.index_cast %add3A_109 : i32 to index
        %get3A_119 = arith.constant 16 : index
        %get3A_120 = tpu.vector_load %arg11[%get3A_118, %get3A_119] {strides = array<i32>} : memref<128x32xf32, #tpu.memory_space<vmem>>, vector<16xf32>,
        %mul3A_121 = arith.mulf %get3A_120, %mul3A_112 : vector<16xf32>
        %swap3A_122 = arith.index_cast %add3A_109 : i32 to index
        %swap3A_123 = arith.constant 16 : index
        %swap3A_124 = tpu.vector_load %arg11[%swap3A_122, %swap3A_123] {strides = array<i32>} : memref<128x32xf32, #tpu.memory_space<vmem>>, vector<16xf32>,
        tpu.vector_store %arg11[%swap3A_122, %swap3A_123], %mul3A_121 {strides = array<i32>} : memref<128x32xf32, #tpu.memory_space<vmem>>, vector<16xf32>,
      }
      %scan3A_104 = arith.constant 128 : i32
      "tpu.region"() ({
        %run_scoped3A = tpu.sem_alloc : memref<!tpu.dma_semaphore, #tpu.memory_space<semaphore_mem>>
        %dma_start3A_105 = arith.constant 0 : i32
        %dma_start3A_106 = arith.constant 0 : i32
        %dma_start3A_107 = tpu.memref_slice %arg12[%dma_start3A_105, %dma_start3A_106] : memref<50048x32xf32, #tpu.memory_space<vmem_shared>> -> memref<50048x32xf32, #tpu.memory_space<vmem_shared>>
        tpu.enqueue_indirect_dma source(%arg11 : memref<128x32xf32, #tpu.memory_space<vmem>>) target(%dma_start3A_107 : memref<50048x32xf32, #tpu.memory_space<vmem_shared>>) offsets(%arg9 : memref<128xi32, #tpu.memory_space<vmem>>) semaphore(%run_scoped3A : memref<!tpu.dma_semaphore, #tpu.memory_space<semaphore_mem>>) {add = true}
        %dma_wait3A_108 = arith.constant 0 : i32
        %dma_wait3A_109 = arith.constant 0 : i32
        %dma_wait3A_110 = tpu.memref_slice %arg12[%dma_wait3A_108, %dma_wait3A_109] : memref<50048x32xf32, #tpu.memory_space<vmem_shared>> -> memref<50048x32xf32, #tpu.memory_space<vmem_shared>>
        tpu.wait_indirect_dma semaphore(%run_scoped3A : memref<!tpu.dma_semaphore, #tpu.memory_space<semaphore_mem>>) src(%arg11 : memref<128x32xf32, #tpu.memory_space<vmem>>) dst(%dma_wait3A_110 : memref<50048x32xf32, #tpu.memory_space<vmem_shared>>)
        tpu.yield
      }) : () -> ()
    }
    %scan3A_70 = arith.constant 400 : i32
    %barrier3A_71 = arith.constant 0 : index
    tpu.barrier barrier_id(%barrier3A_71)
    "tpu.region"() ({
      %run_scoped3A = tpu.sem_alloc : memref<!tpu.dma_semaphore, #tpu.memory_space<semaphore_mem>>
      %dma_start3A = arith.constant 0 : i32
      %dma_start3A_81 = arith.constant 0 : i32
      %dma_start3A_82 = tpu.memref_slice %arg7[%arg0, %dma_start3A, %dma_start3A_81] : memref<2x50048x32xf32, #tpu.memory_space<hbm>> -> memref<1x50048x32xf32, #tpu.memory_space<hbm>>
      %dma_start3A_83 = tpu.memref_squeeze %dma_start3A_82 : memref<1x50048x32xf32, #tpu.memory_space<hbm>> -> memref<50048x32xf32, #tpu.memory_space<hbm>>
      %dma_start3A_84 = arith.constant 0 : i32
      %dma_start3A_85 = tpu.memref_slice %dma_start3A_83[%mul3A_0, %dma_start3A_84] : memref<50048x32xf32, #tpu.memory_space<hbm>> -> memref<3128x32xf32, #tpu.memory_space<hbm>>
      %dma_start3A_86 = arith.constant 0 : i32
      %dma_start3A_87 = tpu.memref_slice %arg12[%mul3A_0, %dma_start3A_86] : memref<50048x32xf32, #tpu.memory_space<vmem_shared>> -> memref<3128x32xf32, #tpu.memory_space<vmem_shared>>
      tpu.enqueue_dma source(%dma_start3A_87 : memref<3128x32xf32, #tpu.memory_space<vmem_shared>>) target(%dma_start3A_85 : memref<3128x32xf32, #tpu.memory_space<hbm>>) target_semaphore(%run_scoped3A : memref<!tpu.dma_semaphore, #tpu.memory_space<semaphore_mem>>)
      %dma_wait3A = arith.constant 0 : i32
      %dma_wait3A_88 = arith.constant 0 : i32
      %dma_wait3A_89 = tpu.memref_slice %arg7[%arg0, %dma_wait3A, %dma_wait3A_88] : memref<2x50048x32xf32, #tpu.memory_space<hbm>> -> memref<1x50048x32xf32, #tpu.memory_space<hbm>>
      %dma_wait3A_90 = tpu.memref_squeeze %dma_wait3A_89 : memref<1x50048x32xf32, #tpu.memory_space<hbm>> -> memref<50048x32xf32, #tpu.memory_space<hbm>>
      %dma_wait3A_91 = arith.constant 0 : i32
      %dma_wait3A_92 = tpu.memref_slice %dma_wait3A_90[%mul3A_0, %dma_wait3A_91] : memref<50048x32xf32, #tpu.memory_space<hbm>> -> memref<3128x32xf32, #tpu.memory_space<hbm>>
      %dma_wait3A_93 = arith.constant 0 : i32
      %dma_wait3A_94 = tpu.memref_slice %arg12[%mul3A_0, %dma_wait3A_93] : memref<50048x32xf32, #tpu.memory_space<vmem_shared>> -> memref<3128x32xf32, #tpu.memory_space<vmem_shared>>
      tpu.wait_dma2 semaphore(%run_scoped3A : memref<!tpu.dma_semaphore, #tpu.memory_space<semaphore_mem>>) src(%dma_wait3A_94 : memref<3128x32xf32, #tpu.memory_space<vmem_shared>>) dst(%dma_wait3A_92 : memref<3128x32xf32, #tpu.memory_space<hbm>>)
      tpu.yield
    }) : () -> ()
    %barrier3A_72 = arith.constant 0 : index
    tpu.barrier barrier_id(%barrier3A_72)
    "tpu.region"() ({
      %run_scoped3A = tpu.sem_alloc : memref<!tpu.dma_semaphore, #tpu.memory_space<semaphore_mem>>
      %dma_start3A = arith.constant 0 : i32
      %dma_start3A_81 = tpu.memref_slice %arg12[%mul3A_0, %dma_start3A] : memref<50048x32xf32, #tpu.memory_space<vmem_shared>> -> memref<3128x32xf32, #tpu.memory_space<vmem_shared>>
      %dma_start3A_82 = arith.constant 0 : i32
      %dma_start3A_83 = arith.constant 0 : i32
      %dma_start3A_84 = tpu.memref_slice %arg3[%arg0, %dma_start3A_82, %dma_start3A_83] : memref<2x50048x32xf32, #tpu.memory_space<hbm>> -> memref<1x50048x32xf32, #tpu.memory_space<hbm>>
      %dma_start3A_85 = tpu.memref_squeeze %dma_start3A_84 : memref<1x50048x32xf32, #tpu.memory_space<hbm>> -> memref<50048x32xf32, #tpu.memory_space<hbm>>
      %dma_start3A_86 = arith.constant 0 : i32
      %dma_start3A_87 = tpu.memref_slice %dma_start3A_85[%mul3A_0, %dma_start3A_86] : memref<50048x32xf32, #tpu.memory_space<hbm>> -> memref<3128x32xf32, #tpu.memory_space<hbm>>
      tpu.enqueue_dma source(%dma_start3A_87 : memref<3128x32xf32, #tpu.memory_space<hbm>>) target(%dma_start3A_81 : memref<3128x32xf32, #tpu.memory_space<vmem_shared>>) target_semaphore(%run_scoped3A : memref<!tpu.dma_semaphore, #tpu.memory_space<semaphore_mem>>)
      %dma_wait3A = arith.constant 0 : i32
      %dma_wait3A_88 = tpu.memref_slice %arg12[%mul3A_0, %dma_wait3A] : memref<50048x32xf32, #tpu.memory_space<vmem_shared>> -> memref<3128x32xf32, #tpu.memory_space<vmem_shared>>
      %dma_wait3A_89 = arith.constant 0 : i32
      %dma_wait3A_90 = arith.constant 0 : i32
      %dma_wait3A_91 = tpu.memref_slice %arg3[%arg0, %dma_wait3A_89, %dma_wait3A_90] : memref<2x50048x32xf32, #tpu.memory_space<hbm>> -> memref<1x50048x32xf32, #tpu.memory_space<hbm>>
      %dma_wait3A_92 = tpu.memref_squeeze %dma_wait3A_91 : memref<1x50048x32xf32, #tpu.memory_space<hbm>> -> memref<50048x32xf32, #tpu.memory_space<hbm>>
      %dma_wait3A_93 = arith.constant 0 : i32
      %dma_wait3A_94 = tpu.memref_slice %dma_wait3A_92[%mul3A_0, %dma_wait3A_93] : memref<50048x32xf32, #tpu.memory_space<hbm>> -> memref<3128x32xf32, #tpu.memory_space<hbm>>
      tpu.wait_dma2 semaphore(%run_scoped3A : memref<!tpu.dma_semaphore, #tpu.memory_space<semaphore_mem>>) src(%dma_wait3A_94 : memref<3128x32xf32, #tpu.memory_space<hbm>>) dst(%dma_wait3A_88 : memref<3128x32xf32, #tpu.memory_space<vmem_shared>>)
      tpu.yield
    }) : () -> ()
    %barrier3A_73 = arith.constant 0 : index
    tpu.barrier barrier_id(%barrier3A_73)
    %scan3A_74 = arith.constant 0 : i32
    %scan3A_75 = arith.constant 400 : i32
    %scan3A_76 = arith.addi %scan3A_74, %scan3A_75 : i32
    %scan3A_77 = arith.constant 1 : i32
    scf.for %scan3A_81 = %scan3A_74 to %scan3A_76 step %scan3A_77  : i32 {
      %mul3A_82 = arith.constant 1 : i32
      %mul3A_83 = arith.muli %scan3A_81, %mul3A_82 : i32
      %add3A = arith.constant 0 : i32
      %add3A_84 = arith.addi %add3A, %mul3A_83 : i32
      %add3A_85 = arith.addi %mul3A_2, %add3A_84 : i32
      %mul3A_86 = arith.constant 128 : i32
      %mul3A_87 = arith.muli %add3A_85, %mul3A_86 : i32
      "tpu.region"() ({
        %run_scoped3A = tpu.sem_alloc : memref<!tpu.dma_semaphore, #tpu.memory_space<semaphore_mem>>
        %dma_start3A_105 = tpu.memref_slice %arg4[%mul3A_87] : memref<819200xi32, #tpu.memory_space<hbm>> -> memref<128xi32, #tpu.memory_space<hbm>>
        %dma_start3A_106 = tpu.memref_slice %arg4[%mul3A_87] : memref<819200xi32, #tpu.memory_space<hbm>> -> memref<128xi32, #tpu.memory_space<hbm>>
        tpu.enqueue_dma source(%dma_start3A_106 : memref<128xi32, #tpu.memory_space<hbm>>) target(%arg8 : memref<128xi32, #tpu.memory_space<vmem>>) target_semaphore(%run_scoped3A : memref<!tpu.dma_semaphore, #tpu.memory_space<semaphore_mem>>)
        %dma_wait3A_107 = tpu.memref_slice %arg4[%mul3A_87] : memref<819200xi32, #tpu.memory_space<hbm>> -> memref<128xi32, #tpu.memory_space<hbm>>
        %dma_wait3A_108 = tpu.memref_slice %arg4[%mul3A_87] : memref<819200xi32, #tpu.memory_space<hbm>> -> memref<128xi32, #tpu.memory_space<hbm>>
        tpu.wait_dma2 semaphore(%run_scoped3A : memref<!tpu.dma_semaphore, #tpu.memory_space<semaphore_mem>>) src(%dma_wait3A_108 : memref<128xi32, #tpu.memory_space<hbm>>) dst(%arg8 : memref<128xi32, #tpu.memory_space<vmem>>)
        tpu.yield
      }) : () -> ()
      "tpu.region"() ({
        %run_scoped3A = tpu.sem_alloc : memref<!tpu.dma_semaphore, #tpu.memory_space<semaphore_mem>>
        %dma_start3A_105 = tpu.memref_slice %arg5[%mul3A_87] : memref<819200xi32, #tpu.memory_space<hbm>> -> memref<128xi32, #tpu.memory_space<hbm>>
        %dma_start3A_106 = tpu.memref_slice %arg5[%mul3A_87] : memref<819200xi32, #tpu.memory_space<hbm>> -> memref<128xi32, #tpu.memory_space<hbm>>
        tpu.enqueue_dma source(%dma_start3A_106 : memref<128xi32, #tpu.memory_space<hbm>>) target(%arg9 : memref<128xi32, #tpu.memory_space<vmem>>) target_semaphore(%run_scoped3A : memref<!tpu.dma_semaphore, #tpu.memory_space<semaphore_mem>>)
        %dma_wait3A_107 = tpu.memref_slice %arg5[%mul3A_87] : memref<819200xi32, #tpu.memory_space<hbm>> -> memref<128xi32, #tpu.memory_space<hbm>>
        %dma_wait3A_108 = tpu.memref_slice %arg5[%mul3A_87] : memref<819200xi32, #tpu.memory_space<hbm>> -> memref<128xi32, #tpu.memory_space<hbm>>
        tpu.wait_dma2 semaphore(%run_scoped3A : memref<!tpu.dma_semaphore, #tpu.memory_space<semaphore_mem>>) src(%dma_wait3A_108 : memref<128xi32, #tpu.memory_space<hbm>>) dst(%arg9 : memref<128xi32, #tpu.memory_space<vmem>>)
        tpu.yield
      }) : () -> ()
      "tpu.region"() ({
        %run_scoped3A = tpu.sem_alloc : memref<!tpu.dma_semaphore, #tpu.memory_space<semaphore_mem>>
        %dma_start3A_105 = tpu.memref_slice %arg6[%mul3A_87] : memref<819200xf32, #tpu.memory_space<hbm>> -> memref<128xf32, #tpu.memory_space<hbm>>
        %dma_start3A_106 = tpu.memref_slice %arg6[%mul3A_87] : memref<819200xf32, #tpu.memory_space<hbm>> -> memref<128xf32, #tpu.memory_space<hbm>>
        tpu.enqueue_dma source(%dma_start3A_106 : memref<128xf32, #tpu.memory_space<hbm>>) target(%arg10 : memref<128xf32, #tpu.memory_space<vmem>>) target_semaphore(%run_scoped3A : memref<!tpu.dma_semaphore, #tpu.memory_space<semaphore_mem>>)
        %dma_wait3A_107 = tpu.memref_slice %arg6[%mul3A_87] : memref<819200xf32, #tpu.memory_space<hbm>> -> memref<128xf32, #tpu.memory_space<hbm>>
        %dma_wait3A_108 = tpu.memref_slice %arg6[%mul3A_87] : memref<819200xf32, #tpu.memory_space<hbm>> -> memref<128xf32, #tpu.memory_space<hbm>>
        tpu.wait_dma2 semaphore(%run_scoped3A : memref<!tpu.dma_semaphore, #tpu.memory_space<semaphore_mem>>) src(%dma_wait3A_108 : memref<128xf32, #tpu.memory_space<hbm>>) dst(%arg10 : memref<128xf32, #tpu.memory_space<vmem>>)
        tpu.yield
      }) : () -> ()
      %dma_start3A = arith.constant 0 : i32
      %dma_start3A_88 = arith.constant 0 : i32
      %dma_start3A_89 = tpu.memref_slice %arg7[%arg0, %dma_start3A, %dma_start3A_88] : memref<2x50048x32xf32, #tpu.memory_space<hbm>> -> memref<1x50048x32xf32, #tpu.memory_space<hbm>>
      %dma_start3A_90 = tpu.memref_squeeze %dma_start3A_89 : memref<1x50048x32xf32, #tpu.memory_space<hbm>> -> memref<50048x32xf32, #tpu.memory_space<hbm>>
      %dma_start3A_91 = arith.constant 0 : i32
      %dma_start3A_92 = arith.constant 0 : i32
      %dma_start3A_93 = tpu.memref_slice %dma_start3A_90[%dma_start3A_91, %dma_start3A_92] : memref<50048x32xf32, #tpu.memory_space<hbm>> -> memref<50048x32xf32, #tpu.memory_space<hbm>>
      tpu.enqueue_indirect_dma source(%dma_start3A_93 : memref<50048x32xf32, #tpu.memory_space<hbm>>) target(%arg11 : memref<128x32xf32, #tpu.memory_space<vmem>>) offsets(%arg8 : memref<128xi32, #tpu.memory_space<vmem>>) semaphore(%arg13 : memref<!tpu.dma_semaphore, #tpu.memory_space<semaphore_mem>>)
      %dma_wait3A = arith.constant 0 : i32
      %dma_wait3A_94 = arith.constant 0 : i32
      %dma_wait3A_95 = tpu.memref_slice %arg7[%arg0, %dma_wait3A, %dma_wait3A_94] : memref<2x50048x32xf32, #tpu.memory_space<hbm>> -> memref<1x50048x32xf32, #tpu.memory_space<hbm>>
      %dma_wait3A_96 = tpu.memref_squeeze %dma_wait3A_95 : memref<1x50048x32xf32, #tpu.memory_space<hbm>> -> memref<50048x32xf32, #tpu.memory_space<hbm>>
      %dma_wait3A_97 = arith.constant 0 : i32
      %dma_wait3A_98 = arith.constant 0 : i32
      %dma_wait3A_99 = tpu.memref_slice %dma_wait3A_96[%dma_wait3A_97, %dma_wait3A_98] : memref<50048x32xf32, #tpu.memory_space<hbm>> -> memref<50048x32xf32, #tpu.memory_space<hbm>>
      tpu.wait_indirect_dma semaphore(%arg13 : memref<!tpu.dma_semaphore, #tpu.memory_space<semaphore_mem>>) src(%dma_wait3A_99 : memref<50048x32xf32, #tpu.memory_space<hbm>>) dst(%arg11 : memref<128x32xf32, #tpu.memory_space<vmem>>)
      %scan3A_100 = arith.constant 0 : i32
      %scan3A_101 = arith.constant 128 : i32
      %scan3A_102 = arith.addi %scan3A_100, %scan3A_101 : i32
      %scan3A_103 = arith.constant 1 : i32
      scf.for %scan3A_105 = %scan3A_100 to %scan3A_102 step %scan3A_103  : i32 {
        %mul3A_106 = arith.constant 1 : i32
        %mul3A_107 = arith.muli %scan3A_105, %mul3A_106 : i32
        %add3A_108 = arith.constant 0 : i32
        %add3A_109 = arith.addi %add3A_108, %mul3A_107 : i32
        %broadcast_in_dim3A = vector.broadcast %add3A_109 : i32 to vector<16xi32>
        %gather3A = tpu.vector_load_idx %arg10[%broadcast_in_dim3A] : memref<128xf32, #tpu.memory_space<vmem>>[vector<16xi32>], vector<16xf32>,
        %mul3A_110 = arith.constant 5.000000e-01 : f32
        %mul3A_111 = vector.broadcast %mul3A_110 : f32 to vector<16xf32>
        %mul3A_112 = arith.mulf %gather3A, %mul3A_111 : vector<16xf32>
        %get3A = arith.index_cast %add3A_109 : i32 to index
        %get3A_113 = arith.constant 0 : index
        %get3A_114 = tpu.vector_load %arg11[%get3A, %get3A_113] {strides = array<i32>} : memref<128x32xf32, #tpu.memory_space<vmem>>, vector<16xf32>,
        %mul3A_115 = arith.mulf %get3A_114, %mul3A_112 : vector<16xf32>
        %swap3A = arith.index_cast %add3A_109 : i32 to index
        %swap3A_116 = arith.constant 0 : index
        %swap3A_117 = tpu.vector_load %arg11[%swap3A, %swap3A_116] {strides = array<i32>} : memref<128x32xf32, #tpu.memory_space<vmem>>, vector<16xf32>,
        tpu.vector_store %arg11[%swap3A, %swap3A_116], %mul3A_115 {strides = array<i32>} : memref<128x32xf32, #tpu.memory_space<vmem>>, vector<16xf32>,
        %get3A_118 = arith.index_cast %add3A_109 : i32 to index
        %get3A_119 = arith.constant 16 : index
        %get3A_120 = tpu.vector_load %arg11[%get3A_118, %get3A_119] {strides = array<i32>} : memref<128x32xf32, #tpu.memory_space<vmem>>, vector<16xf32>,
        %mul3A_121 = arith.mulf %get3A_120, %mul3A_112 : vector<16xf32>
        %swap3A_122 = arith.index_cast %add3A_109 : i32 to index
        %swap3A_123 = arith.constant 16 : index
        %swap3A_124 = tpu.vector_load %arg11[%swap3A_122, %swap3A_123] {strides = array<i32>} : memref<128x32xf32, #tpu.memory_space<vmem>>, vector<16xf32>,
        tpu.vector_store %arg11[%swap3A_122, %swap3A_123], %mul3A_121 {strides = array<i32>} : memref<128x32xf32, #tpu.memory_space<vmem>>, vector<16xf32>,
      }
      %scan3A_104 = arith.constant 128 : i32
      "tpu.region"() ({
        %run_scoped3A = tpu.sem_alloc : memref<!tpu.dma_semaphore, #tpu.memory_space<semaphore_mem>>
        %dma_start3A_105 = arith.constant 0 : i32
        %dma_start3A_106 = arith.constant 0 : i32
        %dma_start3A_107 = tpu.memref_slice %arg12[%dma_start3A_105, %dma_start3A_106] : memref<50048x32xf32, #tpu.memory_space<vmem_shared>> -> memref<50048x32xf32, #tpu.memory_space<vmem_shared>>
        tpu.enqueue_indirect_dma source(%arg11 : memref<128x32xf32, #tpu.memory_space<vmem>>) target(%dma_start3A_107 : memref<50048x32xf32, #tpu.memory_space<vmem_shared>>) offsets(%arg9 : memref<128xi32, #tpu.memory_space<vmem>>) semaphore(%run_scoped3A : memref<!tpu.dma_semaphore, #tpu.memory_space<semaphore_mem>>) {add = true}
        %dma_wait3A_108 = arith.constant 0 : i32
        %dma_wait3A_109 = arith.constant 0 : i32
        %dma_wait3A_110 = tpu.memref_slice %arg12[%dma_wait3A_108, %dma_wait3A_109] : memref<50048x32xf32, #tpu.memory_space<vmem_shared>> -> memref<50048x32xf32, #tpu.memory_space<vmem_shared>>
        tpu.wait_indirect_dma semaphore(%run_scoped3A : memref<!tpu.dma_semaphore, #tpu.memory_space<semaphore_mem>>) src(%arg11 : memref<128x32xf32, #tpu.memory_space<vmem>>) dst(%dma_wait3A_110 : memref<50048x32xf32, #tpu.memory_space<vmem_shared>>)
        tpu.yield
      }) : () -> ()
    }
    %scan3A_78 = arith.constant 400 : i32
    %barrier3A_79 = arith.constant 0 : index
    tpu.barrier barrier_id(%barrier3A_79)
    "tpu.region"() ({
      %run_scoped3A = tpu.sem_alloc : memref<!tpu.dma_semaphore, #tpu.memory_space<semaphore_mem>>
      %dma_start3A = arith.constant 0 : i32
      %dma_start3A_81 = arith.constant 0 : i32
      %dma_start3A_82 = tpu.memref_slice %arg7[%arg0, %dma_start3A, %dma_start3A_81] : memref<2x50048x32xf32, #tpu.memory_space<hbm>> -> memref<1x50048x32xf32, #tpu.memory_space<hbm>>
      %dma_start3A_83 = tpu.memref_squeeze %dma_start3A_82 : memref<1x50048x32xf32, #tpu.memory_space<hbm>> -> memref<50048x32xf32, #tpu.memory_space<hbm>>
      %dma_start3A_84 = arith.constant 0 : i32
      %dma_start3A_85 = tpu.memref_slice %dma_start3A_83[%mul3A_0, %dma_start3A_84] : memref<50048x32xf32, #tpu.memory_space<hbm>> -> memref<3128x32xf32, #tpu.memory_space<hbm>>
      %dma_start3A_86 = arith.constant 0 : i32
      %dma_start3A_87 = tpu.memref_slice %arg12[%mul3A_0, %dma_start3A_86] : memref<50048x32xf32, #tpu.memory_space<vmem_shared>> -> memref<3128x32xf32, #tpu.memory_space<vmem_shared>>
      tpu.enqueue_dma source(%dma_start3A_87 : memref<3128x32xf32, #tpu.memory_space<vmem_shared>>) target(%dma_start3A_85 : memref<3128x32xf32, #tpu.memory_space<hbm>>) target_semaphore(%run_scoped3A : memref<!tpu.dma_semaphore, #tpu.memory_space<semaphore_mem>>)
      %dma_wait3A = arith.constant 0 : i32
      %dma_wait3A_88 = arith.constant 0 : i32
      %dma_wait3A_89 = tpu.memref_slice %arg7[%arg0, %dma_wait3A, %dma_wait3A_88] : memref<2x50048x32xf32, #tpu.memory_space<hbm>> -> memref<1x50048x32xf32, #tpu.memory_space<hbm>>
      %dma_wait3A_90 = tpu.memref_squeeze %dma_wait3A_89 : memref<1x50048x32xf32, #tpu.memory_space<hbm>> -> memref<50048x32xf32, #tpu.memory_space<hbm>>
      %dma_wait3A_91 = arith.constant 0 : i32
      %dma_wait3A_92 = tpu.memref_slice %dma_wait3A_90[%mul3A_0, %dma_wait3A_91] : memref<50048x32xf32, #tpu.memory_space<hbm>> -> memref<3128x32xf32, #tpu.memory_space<hbm>>
      %dma_wait3A_93 = arith.constant 0 : i32
      %dma_wait3A_94 = tpu.memref_slice %arg12[%mul3A_0, %dma_wait3A_93] : memref<50048x32xf32, #tpu.memory_space<vmem_shared>> -> memref<3128x32xf32, #tpu.memory_space<vmem_shared>>
      tpu.wait_dma2 semaphore(%run_scoped3A : memref<!tpu.dma_semaphore, #tpu.memory_space<semaphore_mem>>) src(%dma_wait3A_94 : memref<3128x32xf32, #tpu.memory_space<vmem_shared>>) dst(%dma_wait3A_92 : memref<3128x32xf32, #tpu.memory_space<hbm>>)
      tpu.yield
    }) : () -> ()
    %barrier3A_80 = arith.constant 0 : index
    tpu.barrier barrier_id(%barrier3A_80)
    return
  }
}

module attributes {stable_mosaic.version = 14 : i64} {
  func.func @_mlp_body(%arg0: i32, %arg1: memref<1000x128xf32, #tpu.memory_space<vmem>>, %arg2: memref<128x128xf32, #tpu.memory_space<vmem>>, %arg3: memref<1x128xf32, #tpu.memory_space<vmem>>, %arg4: memref<1x128xf32, #tpu.memory_space<vmem>>, %arg5: memref<1x128xf32, #tpu.memory_space<vmem>>, %arg6: memref<1x128xf32, #tpu.memory_space<vmem>>, %arg7: memref<1x128xf32, #tpu.memory_space<vmem>>, %arg8: memref<128x64xf32, #tpu.memory_space<vmem>>, %arg9: memref<1x64xf32, #tpu.memory_space<vmem>>, %arg10: memref<2x1000x32xf32, #tpu.memory_space<vmem>>, %arg11: memref<2x1000x32xf32, #tpu.memory_space<vmem>>) attributes {dimension_semantics = [#tpu.dimension_semantics<arbitrary>], iteration_bounds = array<i64: 50>, scalar_prefetch = 0 : i64, scratch_operands = 0 : i64, tpu.core_type = #tpu.core_type<tc>, window_params = [{transform_indices = @transform_0, window_bounds = array<i64: 1000, 128>}, {pipeline_mode = #tpu.pipeline_mode<synchronous>, transform_indices = @transform_1, window_bounds = array<i64: 128, 128>}, {pipeline_mode = #tpu.pipeline_mode<synchronous>, transform_indices = @transform_2, window_bounds = array<i64: 1, 128>}, {pipeline_mode = #tpu.pipeline_mode<synchronous>, transform_indices = @transform_3, window_bounds = array<i64: 1, 128>}, {pipeline_mode = #tpu.pipeline_mode<synchronous>, transform_indices = @transform_4, window_bounds = array<i64: 1, 128>}, {pipeline_mode = #tpu.pipeline_mode<synchronous>, transform_indices = @transform_5, window_bounds = array<i64: 1, 128>}, {pipeline_mode = #tpu.pipeline_mode<synchronous>, transform_indices = @transform_6, window_bounds = array<i64: 1, 128>}, {pipeline_mode = #tpu.pipeline_mode<synchronous>, transform_indices = @transform_7, window_bounds = array<i64: 128, 64>}, {pipeline_mode = #tpu.pipeline_mode<synchronous>, transform_indices = @transform_8, window_bounds = array<i64: 1, 64>}, {transform_indices = @transform_9, window_bounds = array<i64: 2, 1000, 32>}, {transform_indices = @transform_10, window_bounds = array<i64: 2, 1000, 32>}]} {
    %get3A = arith.constant 0 : index
    %get3A_0 = arith.constant 0 : index
    %get3A_1 = vector.load %arg1[%get3A, %get3A_0] : memref<1000x128xf32, #tpu.memory_space<vmem>>, vector<1000x128xf32>
    %get3A_2 = arith.constant 0 : index
    %get3A_3 = arith.constant 0 : index
    %get3A_4 = vector.load %arg2[%get3A_2, %get3A_3] : memref<128x128xf32, #tpu.memory_space<vmem>>, vector<128x128xf32>
    %dot_general3A = arith.constant dense<0.000000e+00> : vector<1000x128xf32>
    %dot_general3A_5 = tpu.matmul %get3A_1, %get3A_4, %dot_general3A {dimension_numbers = #tpu.dot_dimension_numbers<[1], [0], [0], [1], [0, 0, 1, 1], [], []>, transpose_lhs_hint = false} : vector<1000x128xf32>, vector<128x128xf32>, vector<1000x128xf32> -> vector<1000x128xf32>
    %get3A_6 = arith.constant 0 : index
    %get3A_7 = arith.constant 0 : index
    %get3A_8 = vector.load %arg3[%get3A_6, %get3A_7] : memref<1x128xf32, #tpu.memory_space<vmem>>, vector<1x128xf32>
    %add3A = vector.broadcast %get3A_8 : vector<1x128xf32> to vector<1000x128xf32>
    %add3A_9 = arith.addf %dot_general3A_5, %add3A : vector<1000x128xf32>
    %get3A_10 = arith.constant 0 : index
    %get3A_11 = arith.constant 0 : index
    %get3A_12 = vector.load %arg4[%get3A_10, %get3A_11] : memref<1x128xf32, #tpu.memory_space<vmem>>, vector<1x128xf32>
    %get3A_13 = arith.constant 0 : index
    %get3A_14 = arith.constant 0 : index
    %get3A_15 = vector.load %arg7[%get3A_13, %get3A_14] : memref<1x128xf32, #tpu.memory_space<vmem>>, vector<1x128xf32>
    %add3A_16 = arith.constant 9.99999974E-6 : f32
    %add3A_17 = vector.broadcast %add3A_16 : f32 to vector<1x128xf32>
    %add3A_18 = arith.addf %get3A_15, %add3A_17 : vector<1x128xf32>
    %rsqrt3A = math.rsqrt %add3A_18 : vector<1x128xf32>
    %mul3A = arith.mulf %get3A_12, %rsqrt3A : vector<1x128xf32>
    %get3A_19 = arith.constant 0 : index
    %get3A_20 = arith.constant 0 : index
    %get3A_21 = vector.load %arg6[%get3A_19, %get3A_20] : memref<1x128xf32, #tpu.memory_space<vmem>>, vector<1x128xf32>
    %sub3A = vector.broadcast %get3A_21 : vector<1x128xf32> to vector<1000x128xf32>
    %sub3A_22 = arith.subf %add3A_9, %sub3A : vector<1000x128xf32>
    %mul3A_23 = vector.broadcast %mul3A : vector<1x128xf32> to vector<1000x128xf32>
    %mul3A_24 = arith.mulf %sub3A_22, %mul3A_23 : vector<1000x128xf32>
    %get3A_25 = arith.constant 0 : index
    %get3A_26 = arith.constant 0 : index
    %get3A_27 = vector.load %arg5[%get3A_25, %get3A_26] : memref<1x128xf32, #tpu.memory_space<vmem>>, vector<1x128xf32>
    %add3A_28 = vector.broadcast %get3A_27 : vector<1x128xf32> to vector<1000x128xf32>
    %add3A_29 = arith.addf %mul3A_24, %add3A_28 : vector<1000x128xf32>
    %max3A = arith.constant 0.000000e+00 : f32
    %max3A_30 = vector.broadcast %max3A : f32 to vector<1000x128xf32>
    %max3A_31 = arith.maximumf %add3A_29, %max3A_30 : vector<1000x128xf32>
    %get3A_32 = arith.constant 0 : index
    %get3A_33 = arith.constant 0 : index
    %get3A_34 = vector.load %arg8[%get3A_32, %get3A_33] : memref<128x64xf32, #tpu.memory_space<vmem>>, vector<128x64xf32>
    %dot_general3A_35 = arith.constant dense<0.000000e+00> : vector<1000x64xf32>
    %dot_general3A_36 = tpu.matmul %max3A_31, %get3A_34, %dot_general3A_35 {dimension_numbers = #tpu.dot_dimension_numbers<[1], [0], [0], [1], [0, 0, 1, 1], [], []>, transpose_lhs_hint = false} : vector<1000x128xf32>, vector<128x64xf32>, vector<1000x64xf32> -> vector<1000x64xf32>
    %get3A_37 = arith.constant 0 : index
    %get3A_38 = arith.constant 0 : index
    %get3A_39 = vector.load %arg9[%get3A_37, %get3A_38] : memref<1x64xf32, #tpu.memory_space<vmem>>, vector<1x64xf32>
    %add3A_40 = vector.broadcast %get3A_39 : vector<1x64xf32> to vector<1000x64xf32>
    %add3A_41 = arith.addf %dot_general3A_36, %add3A_40 : vector<1000x64xf32>
    %slice3A = vector.extract_strided_slice %add3A_41 {offsets = [0, 0], sizes = [1000, 32], strides = [1, 1]} : vector<1000x64xf32> to vector<1000x32xf32>
    %swap3A = arith.constant 0 : index
    %swap3A_42 = arith.constant 0 : index
    %swap3A_43 = arith.constant 0 : index
    %swap3A_44 = vector.load %arg10[%swap3A, %swap3A_42, %swap3A_43] : memref<2x1000x32xf32, #tpu.memory_space<vmem>>, vector<1x1000x32xf32>
    %swap3A_45 = vector.shape_cast %swap3A_44 : vector<1x1000x32xf32> to vector<1000x32xf32>
    %swap3A_46 = vector.shape_cast %slice3A : vector<1000x32xf32> to vector<1x1000x32xf32>
    tpu.vector_store %arg10[%swap3A, %swap3A_42, %swap3A_43], %swap3A_46 {strides = array<i32>} : memref<2x1000x32xf32, #tpu.memory_space<vmem>>, vector<1x1000x32xf32>,
    %slice3A_47 = vector.extract_strided_slice %add3A_41 {offsets = [0, 32], sizes = [1000, 32], strides = [1, 1]} : vector<1000x64xf32> to vector<1000x32xf32>
    %swap3A_48 = arith.constant 1 : index
    %swap3A_49 = arith.constant 0 : index
    %swap3A_50 = arith.constant 0 : index
    %swap3A_51 = vector.load %arg10[%swap3A_48, %swap3A_49, %swap3A_50] : memref<2x1000x32xf32, #tpu.memory_space<vmem>>, vector<1x1000x32xf32>
    %swap3A_52 = vector.shape_cast %swap3A_51 : vector<1x1000x32xf32> to vector<1000x32xf32>
    %swap3A_53 = vector.shape_cast %slice3A_47 : vector<1000x32xf32> to vector<1x1000x32xf32>
    tpu.vector_store %arg10[%swap3A_48, %swap3A_49, %swap3A_50], %swap3A_53 {strides = array<i32>} : memref<2x1000x32xf32, #tpu.memory_space<vmem>>, vector<1x1000x32xf32>,
    %slice3A_54 = vector.extract_strided_slice %add3A_41 {offsets = [0, 0], sizes = [1000, 32], strides = [1, 1]} : vector<1000x64xf32> to vector<1000x32xf32>
    %mul3A_55 = arith.constant 5.000000e-01 : f32
    %mul3A_56 = vector.broadcast %mul3A_55 : f32 to vector<1000x32xf32>
    %mul3A_57 = arith.mulf %mul3A_56, %slice3A_54 : vector<1000x32xf32>
    %swap3A_58 = arith.constant 0 : index
    %swap3A_59 = arith.constant 0 : index
    %swap3A_60 = arith.constant 0 : index
    %swap3A_61 = vector.load %arg11[%swap3A_58, %swap3A_59, %swap3A_60] : memref<2x1000x32xf32, #tpu.memory_space<vmem>>, vector<1x1000x32xf32>
    %swap3A_62 = vector.shape_cast %swap3A_61 : vector<1x1000x32xf32> to vector<1000x32xf32>
    %swap3A_63 = vector.shape_cast %mul3A_57 : vector<1000x32xf32> to vector<1x1000x32xf32>
    tpu.vector_store %arg11[%swap3A_58, %swap3A_59, %swap3A_60], %swap3A_63 {strides = array<i32>} : memref<2x1000x32xf32, #tpu.memory_space<vmem>>, vector<1x1000x32xf32>,
    %slice3A_64 = vector.extract_strided_slice %add3A_41 {offsets = [0, 32], sizes = [1000, 32], strides = [1, 1]} : vector<1000x64xf32> to vector<1000x32xf32>
    %mul3A_65 = arith.constant 5.000000e-01 : f32
    %mul3A_66 = vector.broadcast %mul3A_65 : f32 to vector<1000x32xf32>
    %mul3A_67 = arith.mulf %mul3A_66, %slice3A_64 : vector<1000x32xf32>
    %swap3A_68 = arith.constant 1 : index
    %swap3A_69 = arith.constant 0 : index
    %swap3A_70 = arith.constant 0 : index
    %swap3A_71 = vector.load %arg11[%swap3A_68, %swap3A_69, %swap3A_70] : memref<2x1000x32xf32, #tpu.memory_space<vmem>>, vector<1x1000x32xf32>
    %swap3A_72 = vector.shape_cast %swap3A_71 : vector<1x1000x32xf32> to vector<1000x32xf32>
    %swap3A_73 = vector.shape_cast %mul3A_67 : vector<1000x32xf32> to vector<1x1000x32xf32>
    tpu.vector_store %arg11[%swap3A_68, %swap3A_69, %swap3A_70], %swap3A_73 {strides = array<i32>} : memref<2x1000x32xf32, #tpu.memory_space<vmem>>, vector<1x1000x32xf32>,
    return
  }
  func.func @transform_0(%arg0: i32) -> (i32, i32) {
    %c0_i32 = arith.constant 0 : i32
    %c0_i32_0 = arith.constant 0 : i32
    return %arg0, %c0_i32 : i32, i32
  }
  func.func @transform_1(%arg0: i32) -> (i32, i32) {
    %c0_i32 = arith.constant 0 : i32
    %c0_i32_0 = arith.constant 0 : i32
    %c0_i32_1 = arith.constant 0 : i32
    return %c0_i32, %c0_i32_0 : i32, i32
  }
  func.func @transform_2(%arg0: i32) -> (i32, i32) {
    %c0_i32 = arith.constant 0 : i32
    %c0_i32_0 = arith.constant 0 : i32
    %c0_i32_1 = arith.constant 0 : i32
    return %c0_i32, %c0_i32_0 : i32, i32
  }
  func.func @transform_3(%arg0: i32) -> (i32, i32) {
    %c0_i32 = arith.constant 0 : i32
    %c0_i32_0 = arith.constant 0 : i32
    %c0_i32_1 = arith.constant 0 : i32
    return %c0_i32, %c0_i32_0 : i32, i32
  }
  func.func @transform_4(%arg0: i32) -> (i32, i32) {
    %c0_i32 = arith.constant 0 : i32
    %c0_i32_0 = arith.constant 0 : i32
    %c0_i32_1 = arith.constant 0 : i32
    return %c0_i32, %c0_i32_0 : i32, i32
  }
  func.func @transform_5(%arg0: i32) -> (i32, i32) {
    %c0_i32 = arith.constant 0 : i32
    %c0_i32_0 = arith.constant 0 : i32
    %c0_i32_1 = arith.constant 0 : i32
    return %c0_i32, %c0_i32_0 : i32, i32
  }
  func.func @transform_6(%arg0: i32) -> (i32, i32) {
    %c0_i32 = arith.constant 0 : i32
    %c0_i32_0 = arith.constant 0 : i32
    %c0_i32_1 = arith.constant 0 : i32
    return %c0_i32, %c0_i32_0 : i32, i32
  }
  func.func @transform_7(%arg0: i32) -> (i32, i32) {
    %c0_i32 = arith.constant 0 : i32
    %c0_i32_0 = arith.constant 0 : i32
    %c0_i32_1 = arith.constant 0 : i32
    return %c0_i32, %c0_i32_0 : i32, i32
  }
  func.func @transform_8(%arg0: i32) -> (i32, i32) {
    %c0_i32 = arith.constant 0 : i32
    %c0_i32_0 = arith.constant 0 : i32
    %c0_i32_1 = arith.constant 0 : i32
    return %c0_i32, %c0_i32_0 : i32, i32
  }
  func.func @transform_9(%arg0: i32) -> (i32, i32, i32) {
    %c0_i32 = arith.constant 0 : i32
    %c0_i32_0 = arith.constant 0 : i32
    %c0_i32_1 = arith.constant 0 : i32
    return %c0_i32, %arg0, %c0_i32_0 : i32, i32, i32
  }
  func.func @transform_10(%arg0: i32) -> (i32, i32, i32) {
    %c0_i32 = arith.constant 0 : i32
    %c0_i32_0 = arith.constant 0 : i32
    %c0_i32_1 = arith.constant 0 : i32
    return %c0_i32, %arg0, %c0_i32_0 : i32, i32, i32
  }
}

module attributes {stable_mosaic.version = 14 : i64} {
  func.func @_logsoftmax_body(%arg0: i32, %arg1: memref<2x1000x32xf32, #tpu.memory_space<vmem>>, %arg2: memref<1000x64xf32, #tpu.memory_space<vmem>>) attributes {dimension_semantics = [#tpu.dimension_semantics<arbitrary>], iteration_bounds = array<i64: 50>, scalar_prefetch = 0 : i64, scratch_operands = 0 : i64, tpu.core_type = #tpu.core_type<tc>, window_params = [{transform_indices = @transform_0, window_bounds = array<i64: 2, 1000, 32>}, {transform_indices = @transform_1, window_bounds = array<i64: 1000, 64>}]} {
    %get3A = arith.constant 0 : index
    %get3A_0 = arith.constant 0 : index
    %get3A_1 = arith.constant 0 : index
    %get3A_2 = vector.load %arg1[%get3A, %get3A_0, %get3A_1] : memref<2x1000x32xf32, #tpu.memory_space<vmem>>, vector<1x1000x32xf32>
    %get3A_3 = vector.shape_cast %get3A_2 : vector<1x1000x32xf32> to vector<1000x32xf32>
    %get3A_4 = arith.constant 1 : index
    %get3A_5 = arith.constant 0 : index
    %get3A_6 = arith.constant 0 : index
    %get3A_7 = vector.load %arg1[%get3A_4, %get3A_5, %get3A_6] : memref<2x1000x32xf32, #tpu.memory_space<vmem>>, vector<1x1000x32xf32>
    %get3A_8 = vector.shape_cast %get3A_7 : vector<1x1000x32xf32> to vector<1000x32xf32>
    %concatenate3A = tpu.concatenate %get3A_3, %get3A_8 in 1 : vector<1000x32xf32>, vector<1000x32xf32> -> vector<1000x64xf32>
    %reduce_max3A = arith.constant dense<0xFF800000> : vector<1000xf32>
    %reduce_max3A_9 = vector.multi_reduction <maximumf>, %concatenate3A, %reduce_max3A [1] : vector<1000x64xf32> to vector<1000xf32>
    %broadcast_in_dim3A = vector.shape_cast %reduce_max3A_9 : vector<1000xf32> to vector<1000x1xf32>
    %sub3A = vector.broadcast %broadcast_in_dim3A : vector<1000x1xf32> to vector<1000x64xf32>
    %sub3A_10 = arith.subf %concatenate3A, %sub3A : vector<1000x64xf32>
    %exp3A = math.exp %sub3A_10 : vector<1000x64xf32>
    %reduce_sum3A = arith.constant dense<0.000000e+00> : vector<1000xf32>
    %reduce_sum3A_11 = vector.multi_reduction <add>, %exp3A, %reduce_sum3A [1] : vector<1000x64xf32> to vector<1000xf32>
    %broadcast_in_dim3A_12 = vector.shape_cast %reduce_sum3A_11 : vector<1000xf32> to vector<1000x1xf32>
    %log3A = math.log %broadcast_in_dim3A_12 : vector<1000x1xf32>
    %add3A = arith.addf %log3A, %broadcast_in_dim3A : vector<1000x1xf32>
    %sub3A_13 = vector.broadcast %add3A : vector<1000x1xf32> to vector<1000x64xf32>
    %sub3A_14 = arith.subf %concatenate3A, %sub3A_13 : vector<1000x64xf32>
    %swap3A = arith.constant 0 : index
    %swap3A_15 = arith.constant 0 : index
    %swap3A_16 = vector.load %arg2[%swap3A, %swap3A_15] : memref<1000x64xf32, #tpu.memory_space<vmem>>, vector<1000x64xf32>
    tpu.vector_store %arg2[%swap3A, %swap3A_15], %sub3A_14 {strides = array<i32>} : memref<1000x64xf32, #tpu.memory_space<vmem>>, vector<1000x64xf32>,
    return
  }
  func.func @transform_0(%arg0: i32) -> (i32, i32, i32) {
    %c0_i32 = arith.constant 0 : i32
    %c0_i32_0 = arith.constant 0 : i32
    %c0_i32_1 = arith.constant 0 : i32
    return %c0_i32, %arg0, %c0_i32_0 : i32, i32, i32
  }
  func.func @transform_1(%arg0: i32) -> (i32, i32) {
    %c0_i32 = arith.constant 0 : i32
    %c0_i32_0 = arith.constant 0 : i32
    return %arg0, %c0_i32 : i32, i32
  }
}

</mosaic_0001>

<sc_bundles>
// kernel: kernel.5.cloned.1.call-start
scs
__scs_entry_jumppad:
0x0: {  	(pc) =	sbr.rel $0x88, $3  }
0x1: {  	(tag) =	ssettag $0x0;
	lr =	simm.s32 $0x1  }
0x2: {  	[smem:$0x3F96] =	sst lr;
	_ =	strace $0xD0000000  }
0x3: {  	_ = 	snop  }
0x4: {  	_ = 	snop  }
0x5: {  	_ = 	snop  }
0x6: {  	_ = 	snop  }
0x7: {  	_ = 	snop  }
__scs_overlays_trampoline_lowered:
0x8: {  	[smem:$0x3FA5] =	sst s0  }
0x9: {  	[smem:$0x3FA6] =	sst s1  }
0xa: {  	[smem:$0x3FA7] =	sst s2  }
0xb: {  	[smem:$0x3FA8] =	sst s3  }
0xc: {  	[smem:$0x3FA9] =	sst s4  }
0xd: {  	[smem:$0x3FAA] =	sst s5  }
0xe: {  	[smem:$0x3FAB] =	sst s6  }
0xf: {  	[smem:$0x3FAC] =	sst s7  }
0x10: {  	[smem:$0x3FAD] =	sst s8  }
0x11: {  	[smem:$0x3FAE] =	sst s9;
	s0 =	simm.s32 @!p0 $0x0  }
0x12: {  	s1 =	sld [smem:$0x3F94];
	s0 =	simm.s32 @p0 $0x1  }
0x13: {  	[smem:$0x3FAF] =	sst s0;
	s0 =	simm.s32 @!p1 $0x0  }
0x14: {  	s2 =	sld [smem:$0x3F93];
	s0 =	simm.s32 @p1 $0x1  }
0x15: {  	[smem:$0x3FB0] =	sst s0;
	s0 =	simm.s32 @!p2 $0x0  }
0x16: {  	s3 =	sld [smem:$0x3FDB];
	s0 =	simm.s32 @p2 $0x1  }
0x17: {  	s4 =	simm.s32 $0x1BF5;
	[smem:$0x3FB2] =	sst s0  }
0x18: {  	s0 =	sld [smem:$0x3F95];
	_ =	swait.ge [sflag:s4], $0x0  }
0x19: {  	s7 =	sld [smem:$0x3F96]  }
0x1a: {  	s8 =	sadd.s32 $0xFFFFE003, lr  }
0x1b: {  	s9 =	sadd.s32 $0xFFFFFEF7, lr;
	s5 =	simm.s32 $0xFFFFFFFF;
	p2 =	slt.u32 s8, $0xFFFFF086  }
0x1c: {  	p1 =	slt.u32 s9, $0xF7A;
	s5 =	simm.s32 @!p2 $0x0  }
0x1d: {  	s5 =	simm.s32 @p1 $0x1;
	p0 =	seq.s32 s7, s2  }
0x1e: {  	s7 =	smul.u32 @!p0 $0xF7A, s2;
	p2 =	seq.s32 @!p0 s5, $0x0  }
0x1f: {  	s9 =	smul.u32 $0xF7A, s1;
	s8 =	simm.s32 @!p0 $0x1BF5;
	p2 =	por !p2, p0  }
0x20: {  	[sflag:s8] =	ssyncset.s32 @!p0 $0xFFFFF086;
	s6 =	sadd.s32 @!p0 s3, s7;
	s7 =	simm.s32 @!p0 $0x108  }
0x21: {  	s3 =	sadd.s32 s3, s9;
	s6 =	sadd.s32 @!p0 $0x88, s6;
	s7 =	simm.s32 @p2 $0x1082  }
0x22: {  	[simem:s7], [sflag:s8] =	dma.local @!p0 [hbm:s6], $0xF7A  }
0x23: {  	s9 =	sor.u32 $0xD0000000, s2;
	s6 =	simm.s32 $0x108;
	_ =	swait.ge @!p0 [sflag:s8], $0x0  }
0x24: {  	s3 =	sadd.s32 $0x88, s3;
	s6 =	simm.s32 @!p1 $0x1082;
	[sflag:s4] =	ssyncset.s32 $0xFFFFF086  }
0x25: {  	[simem:s6], [sflag:s4] =	dma.local [hbm:s3], $0xF7A  }
0x26: {  	[smem:$0x3F96] =	sst s1;
	(tag) =	ssettag s2;
	_ =	strace s9  }
0x27: {  	s1 =	sld [smem:$0x3FA6]  }
0x28: {  	s2 =	sld [smem:$0x3FA7]  }
0x29: {  	s4 =	sld [smem:$0x3FA9]  }
0x2a: {  	p0 =	seq.s32 s5, $0x0;
	s5 =	sld [smem:$0x3FAA]  }
0x2b: {  	s6 =	sld [smem:$0x3FAB]  }
0x2c: {  	s7 =	sld [smem:$0x3FAC]  }
0x2d: {  	s3 =	simm.s32 $0x108;
	s8 =	sld [smem:$0x3FAD]  }
0x2e: {  	s3 =	simm.s32 @!p0 $0x1082;
	s9 =	sld [smem:$0x3FAE]  }
0x2f: {  	lr =	sadd.s32 s0, s3;
	s0 =	sld [smem:$0x3FA5]  }
0x30: {  	s3 =	sld [smem:$0x3FA8]  }
0x31: {  	[smem:$0x3FB1] =	sst s10  }
0x32: {  	s10 =	sld [smem:$0x3FAF];
	_ =	sdelay $0x3  }
0x33: {  	p0 =	seq.s32 s10, $0x1;
	s10 =	sld [smem:$0x3FB1];
	_ =	sdelay $0x3  }
0x34: {  	[smem:$0x3FB1] =	sst s10  }
0x35: {  	s10 =	sld [smem:$0x3FB0];
	_ =	sdelay $0x3  }
0x36: {  	p1 =	seq.s32 s10, $0x1;
	s10 =	sld [smem:$0x3FB1];
	_ =	sdelay $0x3  }
0x37: {  	[smem:$0x3FB1] =	sst s10  }
0x38: {  	s10 =	sld [smem:$0x3FB2]  }
0x39: {  	_ = 	snop;
	(pc) =	sbr.ind lr, $3  }
0x3a: {  	_ = 	snop  }
0x3b: {  	_ = 	snop  }
0x3c: {  	p2 =	seq.s32 s10, $0x1;
	s10 =	sld [smem:$0x3FB1]  }
0x3d: {  	_ =	shalt  }
0x3e: {  	_ =	shalt  }
0x3f: {  	_ =	shalt  }
0x40: {  	_ =	shalt  }
0x41: {  	_ =	shalt  }
0x42: {  	_ =	shalt  }
0x43: {  	_ =	shalt  }
0x44: {  	_ =	shalt  }
0x45: {  	_ =	shalt  }
0x46: {  	_ =	shalt  }
0x47: {  	_ =	shalt  }
0x48: {  	_ =	shalt  }
0x49: {  	_ =	shalt  }
0x4a: {  	_ =	shalt  }
0x4b: {  	_ =	shalt  }
0x4c: {  	_ =	shalt  }
0x4d: {  	_ =	shalt  }
0x4e: {  	_ =	shalt  }
0x4f: {  	_ =	shalt  }
0x50: {  	_ =	shalt  }
0x51: {  	_ =	shalt  }
0x52: {  	_ =	shalt  }
0x53: {  	_ =	shalt  }
0x54: {  	_ =	shalt  }
0x55: {  	_ =	shalt  }
0x56: {  	_ =	shalt  }
0x57: {  	_ =	shalt  }
0x58: {  	_ =	shalt  }
0x59: {  	_ =	shalt  }
0x5a: {  	_ =	shalt  }
0x5b: {  	_ =	shalt  }
0x5c: {  	_ =	shalt  }
0x5d: {  	_ =	shalt  }
0x5e: {  	_ =	shalt  }
0x5f: {  	_ =	shalt  }
0x60: {  	_ =	shalt  }
0x61: {  	_ =	shalt  }
0x62: {  	_ =	shalt  }
0x63: {  	_ =	shalt  }
0x64: {  	_ =	shalt  }
0x65: {  	_ =	shalt  }
0x66: {  	_ =	shalt  }
0x67: {  	_ =	shalt  }
0x68: {  	_ =	shalt  }
0x69: {  	_ =	shalt  }
0x6a: {  	_ =	shalt  }
0x6b: {  	_ =	shalt  }
0x6c: {  	_ =	shalt  }
0x6d: {  	_ =	shalt  }
0x6e: {  	_ =	shalt  }
0x6f: {  	_ =	shalt  }
0x70: {  	_ =	shalt  }
0x71: {  	_ =	shalt  }
0x72: {  	_ =	shalt  }
0x73: {  	_ =	shalt  }
0x74: {  	_ =	shalt  }
0x75: {  	_ =	shalt  }
0x76: {  	_ =	shalt  }
0x77: {  	_ =	shalt  }
0x78: {  	_ =	shalt  }
0x79: {  	_ =	shalt  }
0x7a: {  	_ =	shalt  }
0x7b: {  	_ =	shalt  }
0x7c: {  	_ =	shalt  }
0x7d: {  	_ =	shalt  }
0x7e: {  	_ =	shalt  }
0x7f: {  	_ =	shalt  }
0x80: {  	_ =	shalt  }
0x81: {  	_ =	shalt  }
0x82: {  	_ =	shalt  }
0x83: {  	_ =	shalt  }
0x84: {  	_ =	shalt  }
0x85: {  	_ =	shalt  }
0x86: {  	_ =	shalt  }
0x87: {  	_ =	shalt  }
.Lfunc_end0:
.L_simem_size_0:
called_computation_lowered:
.L_overlay_start_0:
0x88: {  	s2 =	sld [smem:$0x3FD9]  }
0x89: {  	s3 =	sld [smem:$0x3FFE];
	_ =	sdelay $0x1  }
0x8a: {  	s1 =	srdreg.scid  }
0x8b: {  	s0 =	sand.u32 $0x1, s1  }
0x8c: {  	s17 =	sshll.u32 s0, $0xA;
	s2 =	sadd.s32 s3, s2  }
0x8d: {  	s2 =	sadd.s32 s2, s17  }
0x8e: {  	[smem:$0x3FBD] =	sst s2  }
0x8f: {  	_ = 	snop  }
0x90: {  	s2 =	sld [smem:$0x3FD0];
	(tm) =	ssettm $0x1  }
0x91: {  	s18 =	sld [smem:$0x3FFB];
	_ =	sdelay $0x3  }
0x92: {  	_ =	strace s18  }
0x93: {  	s3 =	sld [smem:$0x3FFC];
	_ =	sdelay $0x3  }
0x94: {  	_ =	strace s3  }
0x95: {  	s3 =	sld [smem:$0x3FFD];
	_ =	sdelay $0x3  }
0x96: {  	_ =	strace s3  }
0x97: {  	_ =	strace $0x8FFFFFFF  }
0x98: {  	s19 =	sld [smem:$0x3FDB];
	_ =	sdelay $0x1  }
0x99: {  	s4 =	simm.s32 $_scs_section_size  }
0x9a: {  	s5 =	simm.s32 $_size__tile_overlayer_lowered;
	s6 =	simm.s32 $_tile_overlayer_lowered  }
0x9b: {  	s22 =	simm.s32 $0x1BFF;
	s21 =	sshll.u32 s6, $0x1;
	s3 =	sadd.s32 s4, s19  }
0x9c: {  	s7 =	simm.s32 $0x0;
	s20 =	sshll.u32 s5, $0x1;
	s5 =	sadd.s32 s21, s3  }
0x9d: {  	[timem:s7], [sflag:s22] =	dma.local [hbm:s5], s20  }
0x9e: {  	_ =	swait.ge [sflag:s22], s20  }
0x9f: {  	s4 =	ssub.s32 $0x0, s20;
	[sflag:s22] =	ssyncset.done $0x0  }
0xa0: {  	[sflag:s22] =	ssyncadd.s32 s4;
	_ =	sdelay $0x1  }
0xa1: {  	s23 =	simm.s32 $0x1B8B  }
0xa2: {  	_ =	swait.ge [sflag:s23], $0x1  }
0xa3: {  	[sflag:s23] =	ssyncset.done $0x0  }
0xa4: {  	s25 =	simm.s32 $0x1B8E;
	s24 =	sld [smem:$0x3FFE];
	[sflag:s23] =	ssyncadd.s32 $0xFFFFFFFF  }
0xa5: {  	s26 =	simm.s32 $execute0_lowered;
	[smem:$0x3FD2] =	sst s25  }
0xa6: {  	s5 =	sshll.u32 s26, $0x1;
	_ =	strace $0x80000046;
	[dreg:$0x1] =	wrdreg $0xFFFFFFFF  }
0xa7: {  	s28 =	simm.s32 $_size_execute0_lowered;
	s3 =	sadd.s32 s3, s5;
	[dreg:$0x0] =	wrdreg $0x0  }
0xa8: {  	s5 =	sshll.u32 s28, $0x1;
	[dreg:$0x2] =	wrdreg s3  }
0xa9: {  	[dreg:$0x3] =	wrdreg s5  }
0xaa: {  	[dreg:$0x4] =	wrdreg $0xC0  }
0xab: {  	_ =	task [dreg:s7], $0x5FFFF  }
0xac: {  	[dreg:$0x1] =	wrdreg $0xFFFFFFFF  }
0xad: {  	[dreg:$0x0] =	wrdreg $0x60  }
0xae: {  	[dreg:$0x2] =	wrdreg s2  }
0xaf: {  	[dreg:$0x3] =	wrdreg s24  }
0xb0: {  	[dreg:$0x4] =	wrdreg $0x11800  }
0xb1: {  	[dreg:$0x5] =	wrdreg $0x9  }
0xb2: {  	_ =	task.clear_ibuf [dreg:s7], $0x6FFFF;
	_ =	strace $0x90000046  }
0xb3: {  	s29 =	simm.s32 $0x9;
	_ =	strace $0x80000048  }
0xb4: {  	_ =	swait.ge [sflag:s29], $0x1  }
0xb5: {  	[sflag:s29] =	ssyncadd.s32 $0xFFFFFFFF  }
0xb6: {  	_ =	strace $0x90000048  }
0xb7: {  	_ =	sfence  }
0xb8: {  	s30 =	sld [smem:$0x0];
	_ =	sdelay $0x2  }
0xb9: {  	s31 =	sshll.u32 s1, $0xD;
	s1 =	sshrl.u32 s1, $0x2  }
0xba: {  	s3 =	sand.u32 $0x4000, s31;
	s1 =	sadd.s32 s1, s30  }
0xbb: {  	s0 =	sor.u32 s3, s0;
	s1 =	sshll.u32 s1, $0x11  }
0xbc: {  	s0 =	sor.u32 s1, s0  }
0xbd: {  	s0 =	sadd.s32 $0x8F2B, s0  }
0xbe: {  	[sflag:s0] =	ssyncadd.remote.s32 $0x1  }
0xbf: {  	_ =	sfence.sel $0xFFFF  }
0xc0: {  	[dreg:$0x0] =	wrdreg $0xFFFFFFFF;
	(pc) =	sbr.abs _section_cstart, $3  }
0xc1: {  	[dreg:$0x1] =	wrdreg $0xFFFFFFFF  }
0xc2: {  	_ =	task.clear_ibuf [dreg:s7], $0x2FFFF;
	_ =	strace $0x9FFFFFFF  }
0xc3: {  	(tm) =	ssettm $0x7FFFFFFF  }
tec
execute0_lowered:
.L_overlay_start_1:
0x0: {  	(tag) =	ssettag $0x1  }
0x1: {  	s11 =	rddreg [dreg:$0x0]  }
0x2: {  	s7 =	rddreg [dreg:$0x1]  }
0x3: {  	s1 =	rddreg [dreg:$0x2]  }
0x4: {  	s0 =	rddreg [dreg:$0x3];
	s2 =	simm.s32 $0x0  }
0x5: {  	s3 =	srdreg.scid;
	s17 =	simm.s32 $0x100;
	s18 =	simm.s32 $0x180  }
0x6: {  	s19 =	simm.s32 $0x1;
	[smem:$0x7FF] =	sst s2;
	s5 =	sand.u32 $0x1, s3  }
0x7: {  	s3 =	stileid.u32;
	s4 =	sadd.s32 $0x7C200, s7;
	s6 =	sadd.s32 $0x95200, s7  }
0x8: {  	_ =	strace $0x80000047;
	s12 =	smul.u32 $0x30E00, s5;
	s8 =	ssub.s32 $0x2, s5  }
0x9: {  	s9 =	smul.u32 $0x18700, s3;
	s5 =	sadd.s32 $0x63200, s7;
	s10 =	sshrl.u32 s8, $0x1  }
0xa: {  	s15 =	sshll.u32 s3, $0x6;
	s13 =	sadd.s32 s12, s7;
	s14 =	ssub.s32 s8, s10  }
0xb: {  	s7 =	sshrl.u32 s9, $0x3;
	s8 =	smul.u32 $0x190, s3;
	s16 =	sadd.s32 s9, s1  }
0xc: {  	s10 =	sor.u32 $0x1C02, s15;
	s11 =	sadd.s32 s11, s12;
	s15 =	simm.s32 $0x2  }
0xd: {  	s31 =	sadd.s32 s7, s13;
	s12 =	sadd.s32 $0xAE200, s13;
	s13 =	smax.u32 s14, $0x1  }
0xe: {  	s14 =	sshrl.u32 s16, $0x3;
	s16 =	simm.s32 $0x80;
	s9 =	sadd.s32 $0x1600, s31  }
.LBB2_1:
0xf: {  	[spmem:s14], [sflag:s10] =	dma.local [hbm:s9], $0x30E0  }
0x10: {  	_ =	swait.ge [sflag:s15], $0x30E0  }
0x11: {  	[sflag:s15] =	ssyncset.done $0x0  }
0x12: {  	[sflag:s15] =	ssyncadd.s32 $0xFFFFCF20  }
0x13: {  	s20 =	simm.s32 $0x0;
	[bflag:$0x0] =	sbarrier.arrive $0xFFFF  }
.LBB2_2:
0x14: {  	s21 =	sadd.s32 s8, s20  }
0x15: {  	s21 =	sshll.u32 s21, $0x4  }
0x16: {  	s23 =	simm.s32 $0x0;
	s22 =	sadd.s32 s4, s21  }
0x17: {  	[tilespmem:s23], [sflag:$0x2] =	stream.linear.gather [hbm4b:s22+s23], $0x80, $0x38;
	[tilespmem:$0x19880] =	vst v63  }
0x18: {  	_ =	swait.ge [sflag:s15], $0x80  }
0x19: {  	[sflag:s15] =	ssyncset.done $0x0  }
0x1a: {  	s30 =	sadd.s32 s5, s21;
	[sflag:s15] =	ssyncadd.s32 $0xFFFFFF80  }
0x1b: {  	[tilespmem:s16], [sflag:$0x2] =	stream.linear.gather [hbm4b:s30+s23], $0x80, $0x38;
	[tilespmem:$0x19880] =	vst v63  }
0x1c: {  	_ =	swait.ge [sflag:s15], $0x80  }
0x1d: {  	[sflag:s15] =	ssyncset.done $0x0  }
0x1e: {  	s21 =	sadd.s32 s6, s21;
	[sflag:s15] =	ssyncadd.s32 $0xFFFFFF80  }
0x1f: {  	[tilespmem:s17], [sflag:$0x2] =	stream.linear.gather [hbm4b:s21+s23], $0x80, $0x38;
	[tilespmem:$0x19880] =	vst v63  }
0x20: {  	_ =	swait.ge [sflag:s15], $0x80  }
0x21: {  	[sflag:s15] =	ssyncset.done $0x0  }
0x22: {  	v0 =	vmov s23;
	[sflag:s15] =	ssyncadd.s32 $0xFFFFFF80  }
0x23: {  	[tilespmem:s18], [sflag:$0x1] =	stream.indirect.gather [hbm4b:s11+s16], $0x20, s23, s16, $0xb8;
	[tilespmem:$0x19880] =	vst v63  }
0x24: {  	_ =	swait.ge [sflag:s19], $0x1000  }
0x25: {  	[sflag:s19] =	ssyncset.done $0x0  }
0x26: {  	[sflag:s19] =	ssyncadd.s32 $0xFFFFF000  }
0x27: {  	s21 =	simm.s32 $0x190;
	v0 =	vld.idx.msk [tilespmem:v0+s17+$0x0], $0xffff  }
0x28: {  	v1 =	vld [tilespmem:s21+$0xFFFFFFF0]  }
0x29: {  	v2 =	vld [tilespmem:s21+$0x0];
	_ =	sdelay $0x2  }
0x2a: {  	s31 =	simm.s32 $0x1;
	v3 =	vmul.f32 $5.000000000e-01, v0  }
0x2b: {  	s22 =	simm.s32 $0x2;
	v0 =	vmov s31  }
.LBB2_3:
0x2c: {  	p0 =	sne.s32 s22, $0x7F;
	v1 =	vmul.f32 v3, v1;
	v2 =	vmul.f32 v2, v3;
	_ =	sdelay $0x1  }
0x2d: {  	[tilespmem:s21+$0xFFFFFFF0] =	vst v1  }
0x2e: {  	[tilespmem:s21+$0x0] =	vst v2  }
0x2f: {  	v0 =	vld.idx.msk [tilespmem:v0+s17+$0x0], $0xffff  }
0x30: {  	s21 =	sadd.s32 $0x20, s21  }
0x31: {  	v1 =	vld [tilespmem:s21+$0xFFFFFFF0]  }
.Ltmp0:
0x32: {  	v2 =	vld [tilespmem:s21+$0x0];
	(pc) =	sbr.rel @p0 .LBB2_3-.Ltmp0, $3  }
0x33: {  	_ =	sdelay $0x1  }
0x34: {  	v3 =	vmul.f32 $5.000000000e-01, v0  }
0x35: {  	v0 =	vmov s22;
	s22 =	sadd.s32 $0x1, s22  }
0x36: {  	v1 =	vmul.f32 v3, v1  }
0x37: {  	v2 =	vmul.f32 v2, v3  }
0x38: {  	[tilespmem:s21+$0xFFFFFFF0] =	vst v1  }
0x39: {  	[tilespmem:s21+$0x0] =	vst v2  }
0x3a: {  	v0 =	vld.idx.msk [tilespmem:v0+s17+$0x0], $0xffff  }
0x3b: {  	s31 =	sadd.s32 $0x20, s21  }
0x3c: {  	v1 =	vld [tilespmem:s31+$0xFFFFFFF0]  }
0x3d: {  	v2 =	vld [tilespmem:s31+$0x0];
	_ =	sdelay $0x1  }
0x3e: {  	v0 =	vmul.f32 $5.000000000e-01, v0;
	_ =	sdelay $0x1  }
0x3f: {  	v1 =	vmul.f32 v0, v1  }
0x40: {  	s20 =	sadd.s32 $0x1, s20;
	v0 =	vmul.f32 v2, v0  }
0x41: {  	p0 =	sne.s32 s20, $0x190;
	[tilespmem:s31+$0xFFFFFFF0] =	vst v1  }
.Ltmp1:
0x42: {  	[tilespmem:s31+$0x0] =	vst v0;
	(pc) =	sbr.rel @p0 .LBB2_2-.Ltmp1, $4  }
0x43: {  	[spmem:s1] =	stream.indirect.scatter.add.f32 [tilespmem:s18], [sflag:$0x2], $0x20, s16, s16, $0xb8;
	[tilespmem:$0x19880] =	vst v63  }
0x44: {  	_ =	swait.ge [sflag:s15], $0x1000  }
0x45: {  	[sflag:s15] =	ssyncset.done $0x0  }
0x46: {  	[sflag:s15] =	ssyncadd.s32 $0xFFFFF000  }
0x47: {  	[bflag:$0x0] =	sbarrier.arrive $0xFFFF;
	s20 =	sadd.s32 s7, s12  }
0x48: {  	[hbm:s20], [sflag:s10] =	dma.local [spmem:s14], $0x30E0  }
0x49: {  	_ =	swait.ge [sflag:s15], $0x30E0  }
0x4a: {  	[sflag:s15] =	ssyncset.done $0x0  }
0x4b: {  	[sflag:s15] =	ssyncadd.s32 $0xFFFFCF20  }
0x4c: {  	[bflag:$0x0] =	sbarrier.arrive $0xFFFF  }
0x4d: {  	[spmem:s14], [sflag:s10] =	dma.local [hbm:s9], $0x30E0  }
0x4e: {  	_ =	swait.ge [sflag:s15], $0x30E0  }
0x4f: {  	[sflag:s15] =	ssyncset.done $0x0  }
0x50: {  	[sflag:s15] =	ssyncadd.s32 $0xFFFFCF20  }
0x51: {  	s21 =	simm.s32 $0x0;
	s22 =	simm.s32 $0x0;
	[bflag:$0x0] =	sbarrier.arrive $0xFFFF  }
.LBB2_6:
0x52: {  	s23 =	sadd.s32 s8, s22  }
0x53: {  	s23 =	sshll.u32 s23, $0x4  }
0x54: {  	s24 =	sadd.s32 s4, s23  }
0x55: {  	[tilespmem:s21], [sflag:$0x2] =	stream.linear.gather [hbm4b:s24+s21], $0x80, $0x38;
	[tilespmem:$0x19880] =	vst v63  }
0x56: {  	_ =	swait.ge [sflag:s15], $0x80  }
0x57: {  	[sflag:s15] =	ssyncset.done $0x0  }
0x58: {  	s30 =	sadd.s32 s5, s23;
	[sflag:s15] =	ssyncadd.s32 $0xFFFFFF80  }
0x59: {  	[tilespmem:s16], [sflag:$0x2] =	stream.linear.gather [hbm4b:s30+s21], $0x80, $0x38;
	[tilespmem:$0x19880] =	vst v63  }
0x5a: {  	_ =	swait.ge [sflag:s15], $0x80  }
0x5b: {  	[sflag:s15] =	ssyncset.done $0x0  }
0x5c: {  	s23 =	sadd.s32 s6, s23;
	[sflag:s15] =	ssyncadd.s32 $0xFFFFFF80  }
0x5d: {  	[tilespmem:s17], [sflag:$0x2] =	stream.linear.gather [hbm4b:s23+s21], $0x80, $0x38;
	[tilespmem:$0x19880] =	vst v63  }
0x5e: {  	_ =	swait.ge [sflag:s15], $0x80  }
0x5f: {  	[sflag:s15] =	ssyncset.done $0x0  }
0x60: {  	v0 =	vmov s21;
	[sflag:s15] =	ssyncadd.s32 $0xFFFFFF80  }
0x61: {  	[tilespmem:s18], [sflag:$0x1] =	stream.indirect.gather [hbm4b:s12+s16], $0x20, s21, s16, $0xb8;
	[tilespmem:$0x19880] =	vst v63  }
0x62: {  	_ =	swait.ge [sflag:s19], $0x1000  }
0x63: {  	[sflag:s19] =	ssyncset.done $0x0  }
0x64: {  	[sflag:s19] =	ssyncadd.s32 $0xFFFFF000  }
0x65: {  	s23 =	simm.s32 $0x190;
	v0 =	vld.idx.msk [tilespmem:v0+s17+$0x0], $0xffff  }
0x66: {  	v1 =	vld [tilespmem:s23+$0xFFFFFFF0]  }
0x67: {  	v2 =	vld [tilespmem:s23+$0x0];
	_ =	sdelay $0x2  }
0x68: {  	s31 =	simm.s32 $0x1;
	v3 =	vmul.f32 $5.000000000e-01, v0  }
0x69: {  	s24 =	simm.s32 $0x2;
	v0 =	vmov s31  }
.LBB2_7:
0x6a: {  	p0 =	sne.s32 s24, $0x7F;
	v1 =	vmul.f32 v3, v1;
	v2 =	vmul.f32 v2, v3;
	_ =	sdelay $0x1  }
0x6b: {  	[tilespmem:s23+$0xFFFFFFF0] =	vst v1  }
0x6c: {  	[tilespmem:s23+$0x0] =	vst v2  }
0x6d: {  	v0 =	vld.idx.msk [tilespmem:v0+s17+$0x0], $0xffff  }
0x6e: {  	s23 =	sadd.s32 $0x20, s23  }
0x6f: {  	v1 =	vld [tilespmem:s23+$0xFFFFFFF0]  }
.Ltmp2:
0x70: {  	v2 =	vld [tilespmem:s23+$0x0];
	(pc) =	sbr.rel @p0 .LBB2_7-.Ltmp2, $3  }
0x71: {  	_ =	sdelay $0x1  }
0x72: {  	v3 =	vmul.f32 $5.000000000e-01, v0  }
0x73: {  	v0 =	vmov s24;
	s24 =	sadd.s32 $0x1, s24  }
0x74: {  	v1 =	vmul.f32 v3, v1  }
0x75: {  	v2 =	vmul.f32 v2, v3  }
0x76: {  	[tilespmem:s23+$0xFFFFFFF0] =	vst v1  }
0x77: {  	[tilespmem:s23+$0x0] =	vst v2  }
0x78: {  	v0 =	vld.idx.msk [tilespmem:v0+s17+$0x0], $0xffff  }
0x79: {  	s31 =	sadd.s32 $0x20, s23  }
0x7a: {  	v1 =	vld [tilespmem:s31+$0xFFFFFFF0]  }
0x7b: {  	v2 =	vld [tilespmem:s31+$0x0];
	_ =	sdelay $0x1  }
0x7c: {  	v0 =	vmul.f32 $5.000000000e-01, v0;
	_ =	sdelay $0x1  }
0x7d: {  	v1 =	vmul.f32 v0, v1  }
0x7e: {  	s22 =	sadd.s32 $0x1, s22;
	v0 =	vmul.f32 v2, v0  }
0x7f: {  	p0 =	sne.s32 s22, $0x190;
	[tilespmem:s31+$0xFFFFFFF0] =	vst v1  }
.Ltmp3:
0x80: {  	[tilespmem:s31+$0x0] =	vst v0;
	(pc) =	sbr.rel @p0 .LBB2_6-.Ltmp3, $4  }
0x81: {  	[spmem:s1] =	stream.indirect.scatter.add.f32 [tilespmem:s18], [sflag:$0x2], $0x20, s16, s16, $0xb8;
	[tilespmem:$0x19880] =	vst v63  }
0x82: {  	_ =	swait.ge [sflag:s15], $0x1000  }
0x83: {  	[sflag:s15] =	ssyncset.done $0x0  }
0x84: {  	[sflag:s15] =	ssyncadd.s32 $0xFFFFF000  }
0x85: {  	[bflag:$0x0] =	sbarrier.arrive $0xFFFF  }
0x86: {  	[hbm:s20], [sflag:s10] =	dma.local [spmem:s14], $0x30E0  }
0x87: {  	_ =	swait.ge [sflag:s15], $0x30E0  }
0x88: {  	[sflag:s15] =	ssyncset.done $0x0  }
0x89: {  	[sflag:s15] =	ssyncadd.s32 $0xFFFFCF20  }
0x8a: {  	[bflag:$0x0] =	sbarrier.arrive $0xFFFF  }
0x8b: {  	[spmem:s14], [sflag:s10] =	dma.local [hbm:s9], $0x30E0  }
0x8c: {  	_ =	swait.ge [sflag:s15], $0x30E0  }
0x8d: {  	[sflag:s15] =	ssyncset.done $0x0  }
0x8e: {  	[sflag:s15] =	ssyncadd.s32 $0xFFFFCF20  }
0x8f: {  	s21 =	simm.s32 $0x0;
	s22 =	simm.s32 $0x0;
	[bflag:$0x0] =	sbarrier.arrive $0xFFFF  }
.LBB2_10:
0x90: {  	s23 =	sadd.s32 s8, s22  }
0x91: {  	s23 =	sshll.u32 s23, $0x4  }
0x92: {  	s24 =	sadd.s32 s4, s23  }
0x93: {  	[tilespmem:s21], [sflag:$0x2] =	stream.linear.gather [hbm4b:s24+s21], $0x80, $0x38;
	[tilespmem:$0x19880] =	vst v63  }
0x94: {  	_ =	swait.ge [sflag:s15], $0x80  }
0x95: {  	[sflag:s15] =	ssyncset.done $0x0  }
0x96: {  	s30 =	sadd.s32 s5, s23;
	[sflag:s15] =	ssyncadd.s32 $0xFFFFFF80  }
0x97: {  	[tilespmem:s16], [sflag:$0x2] =	stream.linear.gather [hbm4b:s30+s21], $0x80, $0x38;
	[tilespmem:$0x19880] =	vst v63  }
0x98: {  	_ =	swait.ge [sflag:s15], $0x80  }
0x99: {  	[sflag:s15] =	ssyncset.done $0x0  }
0x9a: {  	s23 =	sadd.s32 s6, s23;
	[sflag:s15] =	ssyncadd.s32 $0xFFFFFF80  }
0x9b: {  	[tilespmem:s17], [sflag:$0x2] =	stream.linear.gather [hbm4b:s23+s21], $0x80, $0x38;
	[tilespmem:$0x19880] =	vst v63  }
0x9c: {  	_ =	swait.ge [sflag:s15], $0x80  }
0x9d: {  	[sflag:s15] =	ssyncset.done $0x0  }
0x9e: {  	v0 =	vmov s21;
	[sflag:s15] =	ssyncadd.s32 $0xFFFFFF80  }
0x9f: {  	[tilespmem:s18], [sflag:$0x1] =	stream.indirect.gather [hbm4b:s12+s16], $0x20, s21, s16, $0xb8;
	[tilespmem:$0x19880] =	vst v63  }
0xa0: {  	_ =	swait.ge [sflag:s19], $0x1000  }
0xa1: {  	[sflag:s19] =	ssyncset.done $0x0  }
0xa2: {  	[sflag:s19] =	ssyncadd.s32 $0xFFFFF000  }
0xa3: {  	s23 =	simm.s32 $0x190;
	v0 =	vld.idx.msk [tilespmem:v0+s17+$0x0], $0xffff  }
0xa4: {  	v1 =	vld [tilespmem:s23+$0xFFFFFFF0]  }
0xa5: {  	v2 =	vld [tilespmem:s23+$0x0];
	_ =	sdelay $0x2  }
0xa6: {  	s31 =	simm.s32 $0x1;
	v3 =	vmul.f32 $5.000000000e-01, v0  }
0xa7: {  	s24 =	simm.s32 $0x2;
	v0 =	vmov s31  }
.LBB2_11:
0xa8: {  	p0 =	sne.s32 s24, $0x7F;
	v1 =	vmul.f32 v3, v1;
	v2 =	vmul.f32 v2, v3;
	_ =	sdelay $0x1  }
0xa9: {  	[tilespmem:s23+$0xFFFFFFF0] =	vst v1  }
0xaa: {  	[tilespmem:s23+$0x0] =	vst v2  }
0xab: {  	v0 =	vld.idx.msk [tilespmem:v0+s17+$0x0], $0xffff  }
0xac: {  	s23 =	sadd.s32 $0x20, s23  }
0xad: {  	v1 =	vld [tilespmem:s23+$0xFFFFFFF0]  }
.Ltmp4:
0xae: {  	v2 =	vld [tilespmem:s23+$0x0];
	(pc) =	sbr.rel @p0 .LBB2_11-.Ltmp4, $3  }
0xaf: {  	_ =	sdelay $0x1  }
0xb0: {  	v3 =	vmul.f32 $5.000000000e-01, v0  }
0xb1: {  	v0 =	vmov s24;
	s24 =	sadd.s32 $0x1, s24  }
0xb2: {  	v1 =	vmul.f32 v3, v1  }
0xb3: {  	v2 =	vmul.f32 v2, v3  }
0xb4: {  	[tilespmem:s23+$0xFFFFFFF0] =	vst v1  }
0xb5: {  	[tilespmem:s23+$0x0] =	vst v2  }
0xb6: {  	v0 =	vld.idx.msk [tilespmem:v0+s17+$0x0], $0xffff  }
0xb7: {  	s31 =	sadd.s32 $0x20, s23  }
0xb8: {  	v1 =	vld [tilespmem:s31+$0xFFFFFFF0]  }
0xb9: {  	v2 =	vld [tilespmem:s31+$0x0];
	_ =	sdelay $0x1  }
0xba: {  	v0 =	vmul.f32 $5.000000000e-01, v0;
	_ =	sdelay $0x1  }
0xbb: {  	v1 =	vmul.f32 v0, v1  }
0xbc: {  	s22 =	sadd.s32 $0x1, s22;
	v0 =	vmul.f32 v2, v0  }
0xbd: {  	p0 =	sne.s32 s22, $0x190;
	[tilespmem:s31+$0xFFFFFFF0] =	vst v1  }
.Ltmp5:
0xbe: {  	[tilespmem:s31+$0x0] =	vst v0;
	(pc) =	sbr.rel @p0 .LBB2_10-.Ltmp5, $4  }
0xbf: {  	[spmem:s1] =	stream.indirect.scatter.add.f32 [tilespmem:s18], [sflag:$0x2], $0x20, s16, s16, $0xb8;
	[tilespmem:$0x19880] =	vst v63  }
0xc0: {  	_ =	swait.ge [sflag:s15], $0x1000  }
0xc1: {  	[sflag:s15] =	ssyncset.done $0x0  }
0xc2: {  	[sflag:s15] =	ssyncadd.s32 $0xFFFFF000  }
0xc3: {  	[bflag:$0x0] =	sbarrier.arrive $0xFFFF  }
0xc4: {  	[hbm:s20], [sflag:s10] =	dma.local [spmem:s14], $0x30E0  }
0xc5: {  	_ =	swait.ge [sflag:s15], $0x30E0  }
0xc6: {  	[sflag:s15] =	ssyncset.done $0x0  }
0xc7: {  	[sflag:s15] =	ssyncadd.s32 $0xFFFFCF20  }
0xc8: {  	[bflag:$0x0] =	sbarrier.arrive $0xFFFF  }
0xc9: {  	[spmem:s14], [sflag:s10] =	dma.local [hbm:s9], $0x30E0  }
0xca: {  	_ =	swait.ge [sflag:s15], $0x30E0  }
0xcb: {  	[sflag:s15] =	ssyncset.done $0x0  }
0xcc: {  	[sflag:s15] =	ssyncadd.s32 $0xFFFFCF20  }
0xcd: {  	s21 =	simm.s32 $0x0;
	s22 =	simm.s32 $0x0;
	[bflag:$0x0] =	sbarrier.arrive $0xFFFF  }
.LBB2_14:
0xce: {  	s23 =	sadd.s32 s8, s22  }
0xcf: {  	s23 =	sshll.u32 s23, $0x4  }
0xd0: {  	s24 =	sadd.s32 s4, s23  }
0xd1: {  	[tilespmem:s21], [sflag:$0x2] =	stream.linear.gather [hbm4b:s24+s21], $0x80, $0x38;
	[tilespmem:$0x19880] =	vst v63  }
0xd2: {  	_ =	swait.ge [sflag:s15], $0x80  }
0xd3: {  	[sflag:s15] =	ssyncset.done $0x0  }
0xd4: {  	s30 =	sadd.s32 s5, s23;
	[sflag:s15] =	ssyncadd.s32 $0xFFFFFF80  }
0xd5: {  	[tilespmem:s16], [sflag:$0x2] =	stream.linear.gather [hbm4b:s30+s21], $0x80, $0x38;
	[tilespmem:$0x19880] =	vst v63  }
0xd6: {  	_ =	swait.ge [sflag:s15], $0x80  }
0xd7: {  	[sflag:s15] =	ssyncset.done $0x0  }
0xd8: {  	s23 =	sadd.s32 s6, s23;
	[sflag:s15] =	ssyncadd.s32 $0xFFFFFF80  }
0xd9: {  	[tilespmem:s17], [sflag:$0x2] =	stream.linear.gather [hbm4b:s23+s21], $0x80, $0x38;
	[tilespmem:$0x19880] =	vst v63  }
0xda: {  	_ =	swait.ge [sflag:s15], $0x80  }
0xdb: {  	[sflag:s15] =	ssyncset.done $0x0  }
0xdc: {  	v0 =	vmov s21;
	[sflag:s15] =	ssyncadd.s32 $0xFFFFFF80  }
0xdd: {  	[tilespmem:s18], [sflag:$0x1] =	stream.indirect.gather [hbm4b:s12+s16], $0x20, s21, s16, $0xb8;
	[tilespmem:$0x19880] =	vst v63  }
0xde: {  	_ =	swait.ge [sflag:s19], $0x1000  }
0xdf: {  	[sflag:s19] =	ssyncset.done $0x0  }
0xe0: {  	[sflag:s19] =	ssyncadd.s32 $0xFFFFF000  }
0xe1: {  	s23 =	simm.s32 $0x190;
	v0 =	vld.idx.msk [tilespmem:v0+s17+$0x0], $0xffff  }
0xe2: {  	v1 =	vld [tilespmem:s23+$0xFFFFFFF0]  }
0xe3: {  	v2 =	vld [tilespmem:s23+$0x0];
	_ =	sdelay $0x2  }
0xe4: {  	s31 =	simm.s32 $0x1;
	v3 =	vmul.f32 $5.000000000e-01, v0  }
0xe5: {  	s24 =	simm.s32 $0x2;
	v0 =	vmov s31  }
.LBB2_15:
0xe6: {  	p0 =	sne.s32 s24, $0x7F;
	v1 =	vmul.f32 v3, v1;
	v2 =	vmul.f32 v2, v3;
	_ =	sdelay $0x1  }
0xe7: {  	[tilespmem:s23+$0xFFFFFFF0] =	vst v1  }
0xe8: {  	[tilespmem:s23+$0x0] =	vst v2  }
0xe9: {  	v0 =	vld.idx.msk [tilespmem:v0+s17+$0x0], $0xffff  }
0xea: {  	s23 =	sadd.s32 $0x20, s23  }
0xeb: {  	v1 =	vld [tilespmem:s23+$0xFFFFFFF0]  }
.Ltmp6:
0xec: {  	v2 =	vld [tilespmem:s23+$0x0];
	(pc) =	sbr.rel @p0 .LBB2_15-.Ltmp6, $3  }
0xed: {  	_ =	sdelay $0x1  }
0xee: {  	v3 =	vmul.f32 $5.000000000e-01, v0  }
0xef: {  	v0 =	vmov s24;
	s24 =	sadd.s32 $0x1, s24  }
0xf0: {  	v1 =	vmul.f32 v3, v1  }
0xf1: {  	v2 =	vmul.f32 v2, v3  }
0xf2: {  	[tilespmem:s23+$0xFFFFFFF0] =	vst v1  }
0xf3: {  	[tilespmem:s23+$0x0] =	vst v2  }
0xf4: {  	v0 =	vld.idx.msk [tilespmem:v0+s17+$0x0], $0xffff  }
0xf5: {  	s31 =	sadd.s32 $0x20, s23  }
0xf6: {  	v1 =	vld [tilespmem:s31+$0xFFFFFFF0]  }
0xf7: {  	v2 =	vld [tilespmem:s31+$0x0];
	_ =	sdelay $0x1  }
0xf8: {  	v0 =	vmul.f32 $5.000000000e-01, v0;
	_ =	sdelay $0x1  }
0xf9: {  	v1 =	vmul.f32 v0, v1  }
0xfa: {  	s22 =	sadd.s32 $0x1, s22;
	v0 =	vmul.f32 v2, v0  }
0xfb: {  	p0 =	sne.s32 s22, $0x190;
	[tilespmem:s31+$0xFFFFFFF0] =	vst v1  }
.Ltmp7:
0xfc: {  	[tilespmem:s31+$0x0] =	vst v0;
	(pc) =	sbr.rel @p0 .LBB2_14-.Ltmp7, $4  }
0xfd: {  	[spmem:s1] =	stream.indirect.scatter.add.f32 [tilespmem:s18], [sflag:$0x2], $0x20, s16, s16, $0xb8;
	[tilespmem:$0x19880] =	vst v63  }
0xfe: {  	_ =	swait.ge [sflag:s15], $0x1000  }
0xff: {  	[sflag:s15] =	ssyncset.done $0x0  }
0x100: {  	[sflag:s15] =	ssyncadd.s32 $0xFFFFF000  }
0x101: {  	[bflag:$0x0] =	sbarrier.arrive $0xFFFF  }
0x102: {  	[hbm:s20], [sflag:s10] =	dma.local [spmem:s14], $0x30E0  }
0x103: {  	_ =	swait.ge [sflag:s15], $0x30E0  }
0x104: {  	[sflag:s15] =	ssyncset.done $0x0  }
0x105: {  	[sflag:s15] =	ssyncadd.s32 $0xFFFFCF20  }
0x106: {  	[bflag:$0x0] =	sbarrier.arrive $0xFFFF  }
0x107: {  	[spmem:s14], [sflag:s10] =	dma.local [hbm:s9], $0x30E0  }
0x108: {  	_ =	swait.ge [sflag:s15], $0x30E0  }
0x109: {  	[sflag:s15] =	ssyncset.done $0x0  }
0x10a: {  	[sflag:s15] =	ssyncadd.s32 $0xFFFFCF20  }
0x10b: {  	s21 =	simm.s32 $0x0;
	s22 =	simm.s32 $0x0;
	[bflag:$0x0] =	sbarrier.arrive $0xFFFF  }
.LBB2_18:
0x10c: {  	s23 =	sadd.s32 s8, s22  }
0x10d: {  	s23 =	sshll.u32 s23, $0x4  }
0x10e: {  	s24 =	sadd.s32 s4, s23  }
0x10f: {  	[tilespmem:s21], [sflag:$0x2] =	stream.linear.gather [hbm4b:s24+s21], $0x80, $0x38;
	[tilespmem:$0x19880] =	vst v63  }
0x110: {  	_ =	swait.ge [sflag:s15], $0x80  }
0x111: {  	[sflag:s15] =	ssyncset.done $0x0  }
0x112: {  	s30 =	sadd.s32 s5, s23;
	[sflag:s15] =	ssyncadd.s32 $0xFFFFFF80  }
0x113: {  	[tilespmem:s16], [sflag:$0x2] =	stream.linear.gather [hbm4b:s30+s21], $0x80, $0x38;
	[tilespmem:$0x19880] =	vst v63  }
0x114: {  	_ =	swait.ge [sflag:s15], $0x80  }
0x115: {  	[sflag:s15] =	ssyncset.done $0x0  }
0x116: {  	s23 =	sadd.s32 s6, s23;
	[sflag:s15] =	ssyncadd.s32 $0xFFFFFF80  }
0x117: {  	[tilespmem:s17], [sflag:$0x2] =	stream.linear.gather [hbm4b:s23+s21], $0x80, $0x38;
	[tilespmem:$0x19880] =	vst v63  }
0x118: {  	_ =	swait.ge [sflag:s15], $0x80  }
0x119: {  	[sflag:s15] =	ssyncset.done $0x0  }
0x11a: {  	v0 =	vmov s21;
	[sflag:s15] =	ssyncadd.s32 $0xFFFFFF80  }
0x11b: {  	[tilespmem:s18], [sflag:$0x1] =	stream.indirect.gather [hbm4b:s12+s16], $0x20, s21, s16, $0xb8;
	[tilespmem:$0x19880] =	vst v63  }
0x11c: {  	_ =	swait.ge [sflag:s19], $0x1000  }
0x11d: {  	[sflag:s19] =	ssyncset.done $0x0  }
0x11e: {  	[sflag:s19] =	ssyncadd.s32 $0xFFFFF000  }
0x11f: {  	s23 =	simm.s32 $0x190;
	v0 =	vld.idx.msk [tilespmem:v0+s17+$0x0], $0xffff  }
0x120: {  	v1 =	vld [tilespmem:s23+$0xFFFFFFF0]  }
0x121: {  	v2 =	vld [tilespmem:s23+$0x0];
	_ =	sdelay $0x2  }
0x122: {  	s31 =	simm.s32 $0x1;
	v3 =	vmul.f32 $5.000000000e-01, v0  }
0x123: {  	s24 =	simm.s32 $0x2;
	v0 =	vmov s31  }
.LBB2_19:
0x124: {  	p0 =	sne.s32 s24, $0x7F;
	v1 =	vmul.f32 v3, v1;
	v2 =	vmul.f32 v2, v3;
	_ =	sdelay $0x1  }
0x125: {  	[tilespmem:s23+$0xFFFFFFF0] =	vst v1  }
0x126: {  	[tilespmem:s23+$0x0] =	vst v2  }
0x127: {  	v0 =	vld.idx.msk [tilespmem:v0+s17+$0x0], $0xffff  }
0x128: {  	s23 =	sadd.s32 $0x20, s23  }
0x129: {  	v1 =	vld [tilespmem:s23+$0xFFFFFFF0]  }
.Ltmp8:
0x12a: {  	v2 =	vld [tilespmem:s23+$0x0];
	(pc) =	sbr.rel @p0 .LBB2_19-.Ltmp8, $3  }
0x12b: {  	_ =	sdelay $0x1  }
0x12c: {  	v3 =	vmul.f32 $5.000000000e-01, v0  }
0x12d: {  	v0 =	vmov s24;
	s24 =	sadd.s32 $0x1, s24  }
0x12e: {  	v1 =	vmul.f32 v3, v1  }
0x12f: {  	v2 =	vmul.f32 v2, v3  }
0x130: {  	[tilespmem:s23+$0xFFFFFFF0] =	vst v1  }
0x131: {  	[tilespmem:s23+$0x0] =	vst v2  }
0x132: {  	v0 =	vld.idx.msk [tilespmem:v0+s17+$0x0], $0xffff  }
0x133: {  	s31 =	sadd.s32 $0x20, s23  }
0x134: {  	v1 =	vld [tilespmem:s31+$0xFFFFFFF0]  }
0x135: {  	v2 =	vld [tilespmem:s31+$0x0];
	_ =	sdelay $0x1  }
0x136: {  	v0 =	vmul.f32 $5.000000000e-01, v0;
	_ =	sdelay $0x1  }
0x137: {  	v1 =	vmul.f32 v0, v1  }
0x138: {  	s22 =	sadd.s32 $0x1, s22;
	v0 =	vmul.f32 v2, v0  }
0x139: {  	p0 =	sne.s32 s22, $0x190;
	[tilespmem:s31+$0xFFFFFFF0] =	vst v1  }
.Ltmp9:
0x13a: {  	[tilespmem:s31+$0x0] =	vst v0;
	(pc) =	sbr.rel @p0 .LBB2_18-.Ltmp9, $4  }
0x13b: {  	[spmem:s1] =	stream.indirect.scatter.add.f32 [tilespmem:s18], [sflag:$0x2], $0x20, s16, s16, $0xb8;
	[tilespmem:$0x19880] =	vst v63  }
0x13c: {  	_ =	swait.ge [sflag:s15], $0x1000  }
0x13d: {  	[sflag:s15] =	ssyncset.done $0x0  }
0x13e: {  	[sflag:s15] =	ssyncadd.s32 $0xFFFFF000  }
0x13f: {  	[bflag:$0x0] =	sbarrier.arrive $0xFFFF  }
0x140: {  	[hbm:s20], [sflag:s10] =	dma.local [spmem:s14], $0x30E0  }
0x141: {  	_ =	swait.ge [sflag:s15], $0x30E0  }
0x142: {  	[sflag:s15] =	ssyncset.done $0x0  }
0x143: {  	[sflag:s15] =	ssyncadd.s32 $0xFFFFCF20  }
0x144: {  	[bflag:$0x0] =	sbarrier.arrive $0xFFFF  }
0x145: {  	[spmem:s14], [sflag:s10] =	dma.local [hbm:s9], $0x30E0  }
0x146: {  	_ =	swait.ge [sflag:s15], $0x30E0  }
0x147: {  	[sflag:s15] =	ssyncset.done $0x0  }
0x148: {  	[sflag:s15] =	ssyncadd.s32 $0xFFFFCF20  }
0x149: {  	s21 =	simm.s32 $0x0;
	s22 =	simm.s32 $0x0;
	[bflag:$0x0] =	sbarrier.arrive $0xFFFF  }
.LBB2_22:
0x14a: {  	s23 =	sadd.s32 s8, s22  }
0x14b: {  	s23 =	sshll.u32 s23, $0x4  }
0x14c: {  	s24 =	sadd.s32 s4, s23  }
0x14d: {  	[tilespmem:s21], [sflag:$0x2] =	stream.linear.gather [hbm4b:s24+s21], $0x80, $0x38;
	[tilespmem:$0x19880] =	vst v63  }
0x14e: {  	_ =	swait.ge [sflag:s15], $0x80  }
0x14f: {  	[sflag:s15] =	ssyncset.done $0x0  }
0x150: {  	s30 =	sadd.s32 s5, s23;
	[sflag:s15] =	ssyncadd.s32 $0xFFFFFF80  }
0x151: {  	[tilespmem:s16], [sflag:$0x2] =	stream.linear.gather [hbm4b:s30+s21], $0x80, $0x38;
	[tilespmem:$0x19880] =	vst v63  }
0x152: {  	_ =	swait.ge [sflag:s15], $0x80  }
0x153: {  	[sflag:s15] =	ssyncset.done $0x0  }
0x154: {  	s23 =	sadd.s32 s6, s23;
	[sflag:s15] =	ssyncadd.s32 $0xFFFFFF80  }
0x155: {  	[tilespmem:s17], [sflag:$0x2] =	stream.linear.gather [hbm4b:s23+s21], $0x80, $0x38;
	[tilespmem:$0x19880] =	vst v63  }
0x156: {  	_ =	swait.ge [sflag:s15], $0x80  }
0x157: {  	[sflag:s15] =	ssyncset.done $0x0  }
0x158: {  	v0 =	vmov s21;
	[sflag:s15] =	ssyncadd.s32 $0xFFFFFF80  }
0x159: {  	[tilespmem:s18], [sflag:$0x1] =	stream.indirect.gather [hbm4b:s12+s16], $0x20, s21, s16, $0xb8;
	[tilespmem:$0x19880] =	vst v63  }
0x15a: {  	_ =	swait.ge [sflag:s19], $0x1000  }
0x15b: {  	[sflag:s19] =	ssyncset.done $0x0  }
0x15c: {  	[sflag:s19] =	ssyncadd.s32 $0xFFFFF000  }
0x15d: {  	s23 =	simm.s32 $0x190;
	v0 =	vld.idx.msk [tilespmem:v0+s17+$0x0], $0xffff  }
0x15e: {  	v1 =	vld [tilespmem:s23+$0xFFFFFFF0]  }
0x15f: {  	v2 =	vld [tilespmem:s23+$0x0];
	_ =	sdelay $0x2  }
0x160: {  	s31 =	simm.s32 $0x1;
	v3 =	vmul.f32 $5.000000000e-01, v0  }
0x161: {  	s24 =	simm.s32 $0x2;
	v0 =	vmov s31  }
.LBB2_23:
0x162: {  	p0 =	sne.s32 s24, $0x7F;
	v1 =	vmul.f32 v3, v1;
	v2 =	vmul.f32 v2, v3;
	_ =	sdelay $0x1  }
0x163: {  	[tilespmem:s23+$0xFFFFFFF0] =	vst v1  }
0x164: {  	[tilespmem:s23+$0x0] =	vst v2  }
0x165: {  	v0 =	vld.idx.msk [tilespmem:v0+s17+$0x0], $0xffff  }
0x166: {  	s23 =	sadd.s32 $0x20, s23  }
0x167: {  	v1 =	vld [tilespmem:s23+$0xFFFFFFF0]  }
.Ltmp10:
0x168: {  	v2 =	vld [tilespmem:s23+$0x0];
	(pc) =	sbr.rel @p0 .LBB2_23-.Ltmp10, $3  }
0x169: {  	_ =	sdelay $0x1  }
0x16a: {  	v3 =	vmul.f32 $5.000000000e-01, v0  }
0x16b: {  	v0 =	vmov s24;
	s24 =	sadd.s32 $0x1, s24  }
0x16c: {  	v1 =	vmul.f32 v3, v1  }
0x16d: {  	v2 =	vmul.f32 v2, v3  }
0x16e: {  	[tilespmem:s23+$0xFFFFFFF0] =	vst v1  }
0x16f: {  	[tilespmem:s23+$0x0] =	vst v2  }
0x170: {  	v0 =	vld.idx.msk [tilespmem:v0+s17+$0x0], $0xffff  }
0x171: {  	s31 =	sadd.s32 $0x20, s23  }
0x172: {  	v1 =	vld [tilespmem:s31+$0xFFFFFFF0]  }
0x173: {  	v2 =	vld [tilespmem:s31+$0x0];
	_ =	sdelay $0x1  }
0x174: {  	v0 =	vmul.f32 $5.000000000e-01, v0;
	_ =	sdelay $0x1  }
0x175: {  	v1 =	vmul.f32 v0, v1  }
0x176: {  	s22 =	sadd.s32 $0x1, s22;
	v0 =	vmul.f32 v2, v0  }
0x177: {  	p0 =	sne.s32 s22, $0x190;
	[tilespmem:s31+$0xFFFFFFF0] =	vst v1  }
.Ltmp11:
0x178: {  	[tilespmem:s31+$0x0] =	vst v0;
	(pc) =	sbr.rel @p0 .LBB2_22-.Ltmp11, $4  }
0x179: {  	[spmem:s1] =	stream.indirect.scatter.add.f32 [tilespmem:s18], [sflag:$0x2], $0x20, s16, s16, $0xb8;
	[tilespmem:$0x19880] =	vst v63  }
0x17a: {  	_ =	swait.ge [sflag:s15], $0x1000  }
0x17b: {  	[sflag:s15] =	ssyncset.done $0x0  }
0x17c: {  	[sflag:s15] =	ssyncadd.s32 $0xFFFFF000  }
0x17d: {  	[bflag:$0x0] =	sbarrier.arrive $0xFFFF  }
0x17e: {  	[hbm:s20], [sflag:s10] =	dma.local [spmem:s14], $0x30E0  }
0x17f: {  	_ =	swait.ge [sflag:s15], $0x30E0  }
0x180: {  	[sflag:s15] =	ssyncset.done $0x0  }
0x181: {  	[sflag:s15] =	ssyncadd.s32 $0xFFFFCF20  }
0x182: {  	[bflag:$0x0] =	sbarrier.arrive $0xFFFF  }
0x183: {  	[spmem:s14], [sflag:s10] =	dma.local [hbm:s9], $0x30E0  }
0x184: {  	_ =	swait.ge [sflag:s15], $0x30E0  }
0x185: {  	[sflag:s15] =	ssyncset.done $0x0  }
0x186: {  	[sflag:s15] =	ssyncadd.s32 $0xFFFFCF20  }
0x187: {  	s21 =	simm.s32 $0x0;
	s22 =	simm.s32 $0x0;
	[bflag:$0x0] =	sbarrier.arrive $0xFFFF  }
.LBB2_26:
0x188: {  	s23 =	sadd.s32 s8, s22  }
0x189: {  	s23 =	sshll.u32 s23, $0x4  }
0x18a: {  	s24 =	sadd.s32 s4, s23  }
0x18b: {  	[tilespmem:s21], [sflag:$0x2] =	stream.linear.gather [hbm4b:s24+s21], $0x80, $0x38;
	[tilespmem:$0x19880] =	vst v63  }
0x18c: {  	_ =	swait.ge [sflag:s15], $0x80  }
0x18d: {  	[sflag:s15] =	ssyncset.done $0x0  }
0x18e: {  	s30 =	sadd.s32 s5, s23;
	[sflag:s15] =	ssyncadd.s32 $0xFFFFFF80  }
0x18f: {  	[tilespmem:s16], [sflag:$0x2] =	stream.linear.gather [hbm4b:s30+s21], $0x80, $0x38;
	[tilespmem:$0x19880] =	vst v63  }
0x190: {  	_ =	swait.ge [sflag:s15], $0x80  }
0x191: {  	[sflag:s15] =	ssyncset.done $0x0  }
0x192: {  	s23 =	sadd.s32 s6, s23;
	[sflag:s15] =	ssyncadd.s32 $0xFFFFFF80  }
0x193: {  	[tilespmem:s17], [sflag:$0x2] =	stream.linear.gather [hbm4b:s23+s21], $0x80, $0x38;
	[tilespmem:$0x19880] =	vst v63  }
0x194: {  	_ =	swait.ge [sflag:s15], $0x80  }
0x195: {  	[sflag:s15] =	ssyncset.done $0x0  }
0x196: {  	v0 =	vmov s21;
	[sflag:s15] =	ssyncadd.s32 $0xFFFFFF80  }
0x197: {  	[tilespmem:s18], [sflag:$0x1] =	stream.indirect.gather [hbm4b:s12+s16], $0x20, s21, s16, $0xb8;
	[tilespmem:$0x19880] =	vst v63  }
0x198: {  	_ =	swait.ge [sflag:s19], $0x1000  }
0x199: {  	[sflag:s19] =	ssyncset.done $0x0  }
0x19a: {  	[sflag:s19] =	ssyncadd.s32 $0xFFFFF000  }
0x19b: {  	s23 =	simm.s32 $0x190;
	v0 =	vld.idx.msk [tilespmem:v0+s17+$0x0], $0xffff  }
0x19c: {  	v1 =	vld [tilespmem:s23+$0xFFFFFFF0]  }
0x19d: {  	v2 =	vld [tilespmem:s23+$0x0];
	_ =	sdelay $0x2  }
0x19e: {  	s31 =	simm.s32 $0x1;
	v3 =	vmul.f32 $5.000000000e-01, v0  }
0x19f: {  	s24 =	simm.s32 $0x2;
	v0 =	vmov s31  }
.LBB2_27:
0x1a0: {  	p0 =	sne.s32 s24, $0x7F;
	v1 =	vmul.f32 v3, v1;
	v2 =	vmul.f32 v2, v3;
	_ =	sdelay $0x1  }
0x1a1: {  	[tilespmem:s23+$0xFFFFFFF0] =	vst v1  }
0x1a2: {  	[tilespmem:s23+$0x0] =	vst v2  }
0x1a3: {  	v0 =	vld.idx.msk [tilespmem:v0+s17+$0x0], $0xffff  }
0x1a4: {  	s23 =	sadd.s32 $0x20, s23  }
0x1a5: {  	v1 =	vld [tilespmem:s23+$0xFFFFFFF0]  }
.Ltmp12:
0x1a6: {  	v2 =	vld [tilespmem:s23+$0x0];
	(pc) =	sbr.rel @p0 .LBB2_27-.Ltmp12, $3  }
0x1a7: {  	_ =	sdelay $0x1  }
0x1a8: {  	v3 =	vmul.f32 $5.000000000e-01, v0  }
0x1a9: {  	v0 =	vmov s24;
	s24 =	sadd.s32 $0x1, s24  }
0x1aa: {  	v1 =	vmul.f32 v3, v1  }
0x1ab: {  	v2 =	vmul.f32 v2, v3  }
0x1ac: {  	[tilespmem:s23+$0xFFFFFFF0] =	vst v1  }
0x1ad: {  	[tilespmem:s23+$0x0] =	vst v2  }
0x1ae: {  	v0 =	vld.idx.msk [tilespmem:v0+s17+$0x0], $0xffff  }
0x1af: {  	s31 =	sadd.s32 $0x20, s23  }
0x1b0: {  	v1 =	vld [tilespmem:s31+$0xFFFFFFF0]  }
0x1b1: {  	v2 =	vld [tilespmem:s31+$0x0];
	_ =	sdelay $0x1  }
0x1b2: {  	v0 =	vmul.f32 $5.000000000e-01, v0;
	_ =	sdelay $0x1  }
0x1b3: {  	v1 =	vmul.f32 v0, v1  }
0x1b4: {  	s22 =	sadd.s32 $0x1, s22;
	v0 =	vmul.f32 v2, v0  }
0x1b5: {  	p0 =	sne.s32 s22, $0x190;
	[tilespmem:s31+$0xFFFFFFF0] =	vst v1  }
.Ltmp13:
0x1b6: {  	[tilespmem:s31+$0x0] =	vst v0;
	(pc) =	sbr.rel @p0 .LBB2_26-.Ltmp13, $4  }
0x1b7: {  	[spmem:s1] =	stream.indirect.scatter.add.f32 [tilespmem:s18], [sflag:$0x2], $0x20, s16, s16, $0xb8;
	[tilespmem:$0x19880] =	vst v63  }
0x1b8: {  	_ =	swait.ge [sflag:s15], $0x1000  }
0x1b9: {  	[sflag:s15] =	ssyncset.done $0x0  }
0x1ba: {  	[sflag:s15] =	ssyncadd.s32 $0xFFFFF000  }
0x1bb: {  	[bflag:$0x0] =	sbarrier.arrive $0xFFFF  }
0x1bc: {  	[hbm:s20], [sflag:s10] =	dma.local [spmem:s14], $0x30E0  }
0x1bd: {  	_ =	swait.ge [sflag:s15], $0x30E0  }
0x1be: {  	[sflag:s15] =	ssyncset.done $0x0  }
0x1bf: {  	[sflag:s15] =	ssyncadd.s32 $0xFFFFCF20  }
0x1c0: {  	[bflag:$0x0] =	sbarrier.arrive $0xFFFF  }
0x1c1: {  	[spmem:s14], [sflag:s10] =	dma.local [hbm:s9], $0x30E0  }
0x1c2: {  	_ =	swait.ge [sflag:s15], $0x30E0  }
0x1c3: {  	[sflag:s15] =	ssyncset.done $0x0  }
0x1c4: {  	[sflag:s15] =	ssyncadd.s32 $0xFFFFCF20  }
0x1c5: {  	s21 =	simm.s32 $0x0;
	s22 =	simm.s32 $0x0;
	[bflag:$0x0] =	sbarrier.arrive $0xFFFF  }
.LBB2_30:
0x1c6: {  	s23 =	sadd.s32 s8, s22  }
0x1c7: {  	s23 =	sshll.u32 s23, $0x4  }
0x1c8: {  	s24 =	sadd.s32 s4, s23  }
0x1c9: {  	[tilespmem:s21], [sflag:$0x2] =	stream.linear.gather [hbm4b:s24+s21], $0x80, $0x38;
	[tilespmem:$0x19880] =	vst v63  }
0x1ca: {  	_ =	swait.ge [sflag:s15], $0x80  }
0x1cb: {  	[sflag:s15] =	ssyncset.done $0x0  }
0x1cc: {  	s30 =	sadd.s32 s5, s23;
	[sflag:s15] =	ssyncadd.s32 $0xFFFFFF80  }
0x1cd: {  	[tilespmem:s16], [sflag:$0x2] =	stream.linear.gather [hbm4b:s30+s21], $0x80, $0x38;
	[tilespmem:$0x19880] =	vst v63  }
0x1ce: {  	_ =	swait.ge [sflag:s15], $0x80  }
0x1cf: {  	[sflag:s15] =	ssyncset.done $0x0  }
0x1d0: {  	s23 =	sadd.s32 s6, s23;
	[sflag:s15] =	ssyncadd.s32 $0xFFFFFF80  }
0x1d1: {  	[tilespmem:s17], [sflag:$0x2] =	stream.linear.gather [hbm4b:s23+s21], $0x80, $0x38;
	[tilespmem:$0x19880] =	vst v63  }
0x1d2: {  	_ =	swait.ge [sflag:s15], $0x80  }
0x1d3: {  	[sflag:s15] =	ssyncset.done $0x0  }
0x1d4: {  	v0 =	vmov s21;
	[sflag:s15] =	ssyncadd.s32 $0xFFFFFF80  }
0x1d5: {  	[tilespmem:s18], [sflag:$0x1] =	stream.indirect.gather [hbm4b:s12+s16], $0x20, s21, s16, $0xb8;
	[tilespmem:$0x19880] =	vst v63  }
0x1d6: {  	_ =	swait.ge [sflag:s19], $0x1000  }
0x1d7: {  	[sflag:s19] =	ssyncset.done $0x0  }
0x1d8: {  	[sflag:s19] =	ssyncadd.s32 $0xFFFFF000  }
0x1d9: {  	s23 =	simm.s32 $0x190;
	v0 =	vld.idx.msk [tilespmem:v0+s17+$0x0], $0xffff  }
0x1da: {  	v1 =	vld [tilespmem:s23+$0xFFFFFFF0]  }
0x1db: {  	v2 =	vld [tilespmem:s23+$0x0];
	_ =	sdelay $0x2  }
0x1dc: {  	s31 =	simm.s32 $0x1;
	v3 =	vmul.f32 $5.000000000e-01, v0  }
0x1dd: {  	s24 =	simm.s32 $0x2;
	v0 =	vmov s31  }
.LBB2_31:
0x1de: {  	p0 =	sne.s32 s24, $0x7F;
	v1 =	vmul.f32 v3, v1;
	v2 =	vmul.f32 v2, v3;
	_ =	sdelay $0x1  }
0x1df: {  	[tilespmem:s23+$0xFFFFFFF0] =	vst v1  }
0x1e0: {  	[tilespmem:s23+$0x0] =	vst v2  }
0x1e1: {  	v0 =	vld.idx.msk [tilespmem:v0+s17+$0x0], $0xffff  }
0x1e2: {  	s23 =	sadd.s32 $0x20, s23  }
0x1e3: {  	v1 =	vld [tilespmem:s23+$0xFFFFFFF0]  }
.Ltmp14:
0x1e4: {  	v2 =	vld [tilespmem:s23+$0x0];
	(pc) =	sbr.rel @p0 .LBB2_31-.Ltmp14, $3  }
0x1e5: {  	_ =	sdelay $0x1  }
0x1e6: {  	v3 =	vmul.f32 $5.000000000e-01, v0  }
0x1e7: {  	v0 =	vmov s24;
	s24 =	sadd.s32 $0x1, s24  }
0x1e8: {  	v1 =	vmul.f32 v3, v1  }
0x1e9: {  	v2 =	vmul.f32 v2, v3  }
0x1ea: {  	[tilespmem:s23+$0xFFFFFFF0] =	vst v1  }
0x1eb: {  	[tilespmem:s23+$0x0] =	vst v2  }
0x1ec: {  	v0 =	vld.idx.msk [tilespmem:v0+s17+$0x0], $0xffff  }
0x1ed: {  	s31 =	sadd.s32 $0x20, s23  }
0x1ee: {  	v1 =	vld [tilespmem:s31+$0xFFFFFFF0]  }
0x1ef: {  	v2 =	vld [tilespmem:s31+$0x0];
	_ =	sdelay $0x1  }
0x1f0: {  	v0 =	vmul.f32 $5.000000000e-01, v0;
	_ =	sdelay $0x1  }
0x1f1: {  	v1 =	vmul.f32 v0, v1  }
0x1f2: {  	s22 =	sadd.s32 $0x1, s22;
	v0 =	vmul.f32 v2, v0  }
0x1f3: {  	p0 =	sne.s32 s22, $0x190;
	[tilespmem:s31+$0xFFFFFFF0] =	vst v1  }
.Ltmp15:
0x1f4: {  	[tilespmem:s31+$0x0] =	vst v0;
	(pc) =	sbr.rel @p0 .LBB2_30-.Ltmp15, $4  }
0x1f5: {  	[spmem:s1] =	stream.indirect.scatter.add.f32 [tilespmem:s18], [sflag:$0x2], $0x20, s16, s16, $0xb8;
	[tilespmem:$0x19880] =	vst v63  }
0x1f6: {  	_ =	swait.ge [sflag:s15], $0x1000  }
0x1f7: {  	[sflag:s15] =	ssyncset.done $0x0  }
0x1f8: {  	[sflag:s15] =	ssyncadd.s32 $0xFFFFF000  }
0x1f9: {  	[bflag:$0x0] =	sbarrier.arrive $0xFFFF  }
0x1fa: {  	[hbm:s20], [sflag:s10] =	dma.local [spmem:s14], $0x30E0  }
0x1fb: {  	_ =	swait.ge [sflag:s15], $0x30E0  }
0x1fc: {  	[sflag:s15] =	ssyncset.done $0x0  }
0x1fd: {  	[sflag:s15] =	ssyncadd.s32 $0xFFFFCF20  }
0x1fe: {  	[bflag:$0x0] =	sbarrier.arrive $0xFFFF  }
0x1ff: {  	[spmem:s14], [sflag:s10] =	dma.local [hbm:s9], $0x30E0  }
0x200: {  	_ =	swait.ge [sflag:s15], $0x30E0  }
0x201: {  	[sflag:s15] =	ssyncset.done $0x0  }
0x202: {  	[sflag:s15] =	ssyncadd.s32 $0xFFFFCF20  }
0x203: {  	s21 =	simm.s32 $0x0;
	s22 =	simm.s32 $0x0;
	[bflag:$0x0] =	sbarrier.arrive $0xFFFF  }
.LBB2_34:
0x204: {  	s23 =	sadd.s32 s8, s22  }
0x205: {  	s23 =	sshll.u32 s23, $0x4  }
0x206: {  	s24 =	sadd.s32 s4, s23  }
0x207: {  	[tilespmem:s21], [sflag:$0x2] =	stream.linear.gather [hbm4b:s24+s21], $0x80, $0x38;
	[tilespmem:$0x19880] =	vst v63  }
0x208: {  	_ =	swait.ge [sflag:s15], $0x80  }
0x209: {  	[sflag:s15] =	ssyncset.done $0x0  }
0x20a: {  	s30 =	sadd.s32 s5, s23;
	[sflag:s15] =	ssyncadd.s32 $0xFFFFFF80  }
0x20b: {  	[tilespmem:s16], [sflag:$0x2] =	stream.linear.gather [hbm4b:s30+s21], $0x80, $0x38;
	[tilespmem:$0x19880] =	vst v63  }
0x20c: {  	_ =	swait.ge [sflag:s15], $0x80  }
0x20d: {  	[sflag:s15] =	ssyncset.done $0x0  }
0x20e: {  	s23 =	sadd.s32 s6, s23;
	[sflag:s15] =	ssyncadd.s32 $0xFFFFFF80  }
0x20f: {  	[tilespmem:s17], [sflag:$0x2] =	stream.linear.gather [hbm4b:s23+s21], $0x80, $0x38;
	[tilespmem:$0x19880] =	vst v63  }
0x210: {  	_ =	swait.ge [sflag:s15], $0x80  }
0x211: {  	[sflag:s15] =	ssyncset.done $0x0  }
0x212: {  	v0 =	vmov s21;
	[sflag:s15] =	ssyncadd.s32 $0xFFFFFF80  }
0x213: {  	[tilespmem:s18], [sflag:$0x1] =	stream.indirect.gather [hbm4b:s12+s16], $0x20, s21, s16, $0xb8;
	[tilespmem:$0x19880] =	vst v63  }
0x214: {  	_ =	swait.ge [sflag:s19], $0x1000  }
0x215: {  	[sflag:s19] =	ssyncset.done $0x0  }
0x216: {  	[sflag:s19] =	ssyncadd.s32 $0xFFFFF000  }
0x217: {  	s23 =	simm.s32 $0x190;
	v0 =	vld.idx.msk [tilespmem:v0+s17+$0x0], $0xffff  }
0x218: {  	v1 =	vld [tilespmem:s23+$0xFFFFFFF0]  }
0x219: {  	v2 =	vld [tilespmem:s23+$0x0];
	_ =	sdelay $0x2  }
0x21a: {  	s31 =	simm.s32 $0x1;
	v3 =	vmul.f32 $5.000000000e-01, v0  }
0x21b: {  	s24 =	simm.s32 $0x2;
	v0 =	vmov s31  }
.LBB2_35:
0x21c: {  	p0 =	sne.s32 s24, $0x7F;
	v1 =	vmul.f32 v3, v1;
	v2 =	vmul.f32 v2, v3;
	_ =	sdelay $0x1  }
0x21d: {  	[tilespmem:s23+$0xFFFFFFF0] =	vst v1  }
0x21e: {  	[tilespmem:s23+$0x0] =	vst v2  }
0x21f: {  	v0 =	vld.idx.msk [tilespmem:v0+s17+$0x0], $0xffff  }
0x220: {  	s23 =	sadd.s32 $0x20, s23  }
0x221: {  	v1 =	vld [tilespmem:s23+$0xFFFFFFF0]  }
.Ltmp16:
0x222: {  	v2 =	vld [tilespmem:s23+$0x0];
	(pc) =	sbr.rel @p0 .LBB2_35-.Ltmp16, $3  }
0x223: {  	_ =	sdelay $0x1  }
0x224: {  	v3 =	vmul.f32 $5.000000000e-01, v0  }
0x225: {  	v0 =	vmov s24;
	s24 =	sadd.s32 $0x1, s24  }
0x226: {  	v1 =	vmul.f32 v3, v1  }
0x227: {  	v2 =	vmul.f32 v2, v3  }
0x228: {  	[tilespmem:s23+$0xFFFFFFF0] =	vst v1  }
0x229: {  	[tilespmem:s23+$0x0] =	vst v2  }
0x22a: {  	v0 =	vld.idx.msk [tilespmem:v0+s17+$0x0], $0xffff  }
0x22b: {  	s31 =	sadd.s32 $0x20, s23  }
0x22c: {  	v1 =	vld [tilespmem:s31+$0xFFFFFFF0]  }
0x22d: {  	v2 =	vld [tilespmem:s31+$0x0];
	_ =	sdelay $0x1  }
0x22e: {  	v0 =	vmul.f32 $5.000000000e-01, v0;
	_ =	sdelay $0x1  }
0x22f: {  	v1 =	vmul.f32 v0, v1  }
0x230: {  	s22 =	sadd.s32 $0x1, s22;
	v0 =	vmul.f32 v2, v0  }
0x231: {  	p0 =	sne.s32 s22, $0x190;
	[tilespmem:s31+$0xFFFFFFF0] =	vst v1  }
.Ltmp17:
0x232: {  	[tilespmem:s31+$0x0] =	vst v0;
	(pc) =	sbr.rel @p0 .LBB2_34-.Ltmp17, $4  }
0x233: {  	[spmem:s1] =	stream.indirect.scatter.add.f32 [tilespmem:s18], [sflag:$0x2], $0x20, s16, s16, $0xb8;
	[tilespmem:$0x19880] =	vst v63  }
0x234: {  	_ =	swait.ge [sflag:s15], $0x1000  }
0x235: {  	[sflag:s15] =	ssyncset.done $0x0  }
0x236: {  	[sflag:s15] =	ssyncadd.s32 $0xFFFFF000  }
0x237: {  	[bflag:$0x0] =	sbarrier.arrive $0xFFFF  }
0x238: {  	[hbm:s20], [sflag:s10] =	dma.local [spmem:s14], $0x30E0  }
0x239: {  	_ =	swait.ge [sflag:s15], $0x30E0  }
0x23a: {  	[sflag:s15] =	ssyncset.done $0x0  }
0x23b: {  	[sflag:s15] =	ssyncadd.s32 $0xFFFFCF20  }
0x23c: {  	[bflag:$0x0] =	sbarrier.arrive $0xFFFF  }
0x23d: {  	[spmem:s14], [sflag:s10] =	dma.local [hbm:s9], $0x30E0  }
0x23e: {  	_ =	swait.ge [sflag:s15], $0x30E0  }
0x23f: {  	[sflag:s15] =	ssyncset.done $0x0  }
0x240: {  	[sflag:s15] =	ssyncadd.s32 $0xFFFFCF20  }
0x241: {  	s21 =	simm.s32 $0x0;
	s22 =	simm.s32 $0x0;
	[bflag:$0x0] =	sbarrier.arrive $0xFFFF  }
.LBB2_38:
0x242: {  	s23 =	sadd.s32 s8, s22  }
0x243: {  	s23 =	sshll.u32 s23, $0x4  }
0x244: {  	s24 =	sadd.s32 s4, s23  }
0x245: {  	[tilespmem:s21], [sflag:$0x2] =	stream.linear.gather [hbm4b:s24+s21], $0x80, $0x38;
	[tilespmem:$0x19880] =	vst v63  }
0x246: {  	_ =	swait.ge [sflag:s15], $0x80  }
0x247: {  	[sflag:s15] =	ssyncset.done $0x0  }
0x248: {  	s30 =	sadd.s32 s5, s23;
	[sflag:s15] =	ssyncadd.s32 $0xFFFFFF80  }
0x249: {  	[tilespmem:s16], [sflag:$0x2] =	stream.linear.gather [hbm4b:s30+s21], $0x80, $0x38;
	[tilespmem:$0x19880] =	vst v63  }
0x24a: {  	_ =	swait.ge [sflag:s15], $0x80  }
0x24b: {  	[sflag:s15] =	ssyncset.done $0x0  }
0x24c: {  	s23 =	sadd.s32 s6, s23;
	[sflag:s15] =	ssyncadd.s32 $0xFFFFFF80  }
0x24d: {  	[tilespmem:s17], [sflag:$0x2] =	stream.linear.gather [hbm4b:s23+s21], $0x80, $0x38;
	[tilespmem:$0x19880] =	vst v63  }
0x24e: {  	_ =	swait.ge [sflag:s15], $0x80  }
0x24f: {  	[sflag:s15] =	ssyncset.done $0x0  }
0x250: {  	v0 =	vmov s21;
	[sflag:s15] =	ssyncadd.s32 $0xFFFFFF80  }
0x251: {  	[tilespmem:s18], [sflag:$0x1] =	stream.indirect.gather [hbm4b:s12+s16], $0x20, s21, s16, $0xb8;
	[tilespmem:$0x19880] =	vst v63  }
0x252: {  	_ =	swait.ge [sflag:s19], $0x1000  }
0x253: {  	[sflag:s19] =	ssyncset.done $0x0  }
0x254: {  	[sflag:s19] =	ssyncadd.s32 $0xFFFFF000  }
0x255: {  	s23 =	simm.s32 $0x190;
	v0 =	vld.idx.msk [tilespmem:v0+s17+$0x0], $0xffff  }
0x256: {  	v1 =	vld [tilespmem:s23+$0xFFFFFFF0]  }
0x257: {  	v2 =	vld [tilespmem:s23+$0x0];
	_ =	sdelay $0x2  }
0x258: {  	s31 =	simm.s32 $0x1;
	v3 =	vmul.f32 $5.000000000e-01, v0  }
0x259: {  	s24 =	simm.s32 $0x2;
	v0 =	vmov s31  }
.LBB2_39:
0x25a: {  	p0 =	sne.s32 s24, $0x7F;
	v1 =	vmul.f32 v3, v1;
	v2 =	vmul.f32 v2, v3;
	_ =	sdelay $0x1  }
0x25b: {  	[tilespmem:s23+$0xFFFFFFF0] =	vst v1  }
0x25c: {  	[tilespmem:s23+$0x0] =	vst v2  }
0x25d: {  	v0 =	vld.idx.msk [tilespmem:v0+s17+$0x0], $0xffff  }
0x25e: {  	s23 =	sadd.s32 $0x20, s23  }
0x25f: {  	v1 =	vld [tilespmem:s23+$0xFFFFFFF0]  }
.Ltmp18:
0x260: {  	v2 =	vld [tilespmem:s23+$0x0];
	(pc) =	sbr.rel @p0 .LBB2_39-.Ltmp18, $3  }
0x261: {  	_ =	sdelay $0x1  }
0x262: {  	v3 =	vmul.f32 $5.000000000e-01, v0  }
0x263: {  	v0 =	vmov s24;
	s24 =	sadd.s32 $0x1, s24  }
0x264: {  	v1 =	vmul.f32 v3, v1  }
0x265: {  	v2 =	vmul.f32 v2, v3  }
0x266: {  	[tilespmem:s23+$0xFFFFFFF0] =	vst v1  }
0x267: {  	[tilespmem:s23+$0x0] =	vst v2  }
0x268: {  	v0 =	vld.idx.msk [tilespmem:v0+s17+$0x0], $0xffff  }
0x269: {  	s31 =	sadd.s32 $0x20, s23  }
0x26a: {  	v1 =	vld [tilespmem:s31+$0xFFFFFFF0]  }
0x26b: {  	v2 =	vld [tilespmem:s31+$0x0];
	_ =	sdelay $0x1  }
0x26c: {  	v0 =	vmul.f32 $5.000000000e-01, v0;
	_ =	sdelay $0x1  }
0x26d: {  	v1 =	vmul.f32 v0, v1  }
0x26e: {  	s22 =	sadd.s32 $0x1, s22;
	v0 =	vmul.f32 v2, v0  }
0x26f: {  	p0 =	sne.s32 s22, $0x190;
	[tilespmem:s31+$0xFFFFFFF0] =	vst v1  }
.Ltmp19:
0x270: {  	[tilespmem:s31+$0x0] =	vst v0;
	(pc) =	sbr.rel @p0 .LBB2_38-.Ltmp19, $4  }
0x271: {  	[spmem:s1] =	stream.indirect.scatter.add.f32 [tilespmem:s18], [sflag:$0x2], $0x20, s16, s16, $0xb8;
	[tilespmem:$0x19880] =	vst v63  }
0x272: {  	_ =	swait.ge [sflag:s15], $0x1000  }
0x273: {  	[sflag:s15] =	ssyncset.done $0x0  }
0x274: {  	[sflag:s15] =	ssyncadd.s32 $0xFFFFF000  }
0x275: {  	[bflag:$0x0] =	sbarrier.arrive $0xFFFF;
	s2 =	sadd.s32 $0x1, s2  }
0x276: {  	[hbm:s20], [sflag:s10] =	dma.local [spmem:s14], $0x30E0  }
0x277: {  	p0 =	sne.s32 s2, s13  }
.Ltmp20:
0x278: {  	_ =	swait.ge [sflag:s15], $0x30E0;
	(pc) =	sbr.rel @p0 .LBB2_1-.Ltmp20, $3  }
0x279: {  	[sflag:s15] =	ssyncset.done $0x0  }
0x27a: {  	[sflag:s15] =	ssyncadd.s32 $0xFFFFCF20  }
0x27b: {  	[bflag:$0x0] =	sbarrier.arrive $0xFFFF;
	_ =	sdelay $0x1  }
0x27c: {  	_ =	sfence.sel $0x180000  }
0x27d: {  	[bflag:$0x0] =	sbarrier.arrive $0xFFFF  }
0x27e: {  	p0 =	sne.s32 s3, $0x0;
	_ =	strace $0x90000047  }
0x27f: {  	s0 =	sadd.s32 @!p0 $0x100000, s0;
	[bflag:$0x2] =	sbarrier.arrive $0xFFFF  }
0x280: {  	[sflag:s0] =	ssyncadd.tile.s32 @!p0 $0x1;
	_ =	shalt  }
.Lfunc_end2:
_tile_overlayer_lowered:
.L_overlay_start_2:
0x281: {  	(tag) =	ssettag $0x2  }
0x282: {  	s0 =	rddreg [dreg:$0x0];
	s2 =	stileid.u32  }
0x283: {  	s1 =	rddreg [dreg:$0x1];
	p0 =	sne.s32 s2, $0x0  }
0x284: {  	s3 =	rddreg [dreg:$0x2];
	[bflag:$0x3] =	sbarrier.arrive $0xFFFF;
	s2 =	simm.s32 @!p0 $0x1C02  }
0x285: {  	[timem:s3], [sflag:s2] =	dma.local @!p0 [hbm:s0], s1  }
0x286: {  	s0 =	simm.s32 @!p0 $0x2  }
0x287: {  	_ =	swait.ge @!p0 [sflag:s0], s1  }
0x288: {  	s1 =	ssub.s32 @!p0 $0x0, s1;
	[sflag:s0] =	ssyncset.done @!p0 $0x0  }
0x289: {  	[sflag:s0] =	ssyncadd.s32 @!p0 s1  }
0x28a: {  	[bflag:$0x3] =	sbarrier.arrive $0xFFFF  }
0x28b: {  	_ =	shalt  }

</sc_bundles>
